<compile_context>
chip_gen: v7x
topology: tpu7x:2x2x1
jax: 0.10.2.dev20260603
libtpu: 0.0.44.dev20260713+nightly
codegen_flags: <defaults>
</compile_context>

<pallas_src>
import jax
import jax.numpy as jnp
from jax import lax
from jax.experimental import pallas as pl
from jax.experimental.pallas import tpu as pltpu
from jax.experimental.pallas import tpu_sc as plsc

ROWS = 16384
COLS = 256
NC = 2
NS = 16
L = 16
NW = NC * NS
RPW = ROWS // NW
CHUNK = 64
NCHUNK = RPW // CHUNK
NIB = 4
NOB = 2
GROUPS = COLS // L


def _permute_body(x_hbm, perm_hbm, out_hbm, perm_v, *bufs):
    xin = list(bufs[0:NIB])
    xout = list(bufs[NIB:NIB + NOB])
    isem = list(bufs[NIB + NOB:2 * NIB + NOB])
    osem = list(bufs[2 * NIB + NOB:2 * NIB + 2 * NOB])

    wid = lax.axis_index("s") * NC + lax.axis_index("c")
    row_base = wid * RPW

    pltpu.sync_copy(perm_hbm, perm_v)
    idx0 = [perm_v[pl.ds(g * L, L)] for g in range(GROUPS)]

    def in_copy(c, b):
        r0 = row_base + c * CHUNK
        return pltpu.make_async_copy(
            x_hbm.at[pl.ds(r0, CHUNK), :], xin[b], isem[b]
        )

    def out_copy(c, b):
        r0 = row_base + c * CHUNK
        return pltpu.make_async_copy(
            xout[b], out_hbm.at[pl.ds(r0, CHUNK), :], osem[b]
        )

    def compute(bi, bo):
        src = xin[bi]
        dst = xout[bo]

        @plsc.parallel_loop(0, CHUNK, unroll=2)
        def do_row(r):
            rvec = jnp.full((L,), r, dtype=jnp.int32)
            for g in range(GROUPS):
                dst[r, pl.ds(g * L, L)] = plsc.load_gather(
                    src, [rvec, idx0[g]])

    for b in range(NIB):
        in_copy(b, b).start()

    def ring_body(i, _):
        for k in range(NIB):
            c = i * NIB + k
            bi = k
            bo = k % NOB
            in_copy(c, bi).wait()

            @pl.when(c >= NOB)
            def _():
                out_copy(c - NOB, bo).wait()

            compute(bi, bo)

            @pl.when(c + NIB < NCHUNK)
            def _():
                in_copy(c + NIB, bi).start()

            out_copy(c, bo).start()
        return 0

    lax.fori_loop(0, NCHUNK // NIB, ring_body, 0, unroll=False)
    for c in range(NCHUNK - NOB, NCHUNK):
        out_copy(c, c % NOB).wait()


@jax.jit
def kernel(x, permutation):
    mesh = plsc.VectorSubcoreMesh(core_axis_name="c", subcore_axis_name="s")
    run = pl.kernel(
        _permute_body,
        mesh=mesh,
        out_type=jax.ShapeDtypeStruct((ROWS, COLS), jnp.float32),
        compiler_params=pltpu.CompilerParams(needs_layout_passes=False),
        scratch_types=(
            [pltpu.VMEM((COLS,), jnp.int32)]
            + [pltpu.VMEM((CHUNK, COLS), jnp.float32)] * (NIB + NOB)
            + [pltpu.SemaphoreType.DMA] * (NIB + NOB)
        ),
    )
    return run(x, permutation)

# --- scband reference (transcript-rebuilt; emitter-appended) ---
"""Pipeline reference for scband-permutation-22720376996548 (READ-ONLY COPY).

The authoritative reference and input builder live on the scoring server;
editing this copy changes nothing except your own understanding.
"""

import jax, jax.numpy as jnp
import numpy as np


def setup_inputs(seed: int = 0) -> dict:
    key = jax.random.key(seed)
    k1, = jax.random.split(key, 1)
    x = jax.random.normal(k1, (16384, 256), dtype=jnp.float32)
    # buffer registered at __init__: reversal permutation of length 256 (matches init_kwargs)
    permutation = jnp.arange(255, -1, -1, dtype=jnp.int32)
    return {"x": x, "permutation": permutation}


def reference(x, permutation):
    # Permutation.forward(x, logpx=None, reverse=False):
    #   y, delta_logp = _permute(x, permutation, dim=1)
    #   logpx is None -> return y
    # _permute: torch.index_select(inputs, dim=1, permutation) == jnp.take along axis 1
    y = jnp.take(x, permutation, axis=1)
    # logabsdet = zeros(batch_size) is computed but discarded when logpx is None
    return y

if __name__ == "__main__":
    import jax
    _d = setup_inputs()
    print(jax.jit(kernel)(*tuple(_d.values())))

</pallas_src>

<mosaic_0001>
#map = affine_map<(d0, d1) -> (0, 0)>
#map1 = affine_map<(d0, d1) -> (0)>
module attributes {stable_mosaic.version = 14 : i64} {
  func.func @_permute_body(%arg0: i32, %arg1: i32, %arg2: memref<16384x256xf32, #tpu.memory_space<hbm>>, %arg3: memref<256xi32, #tpu.memory_space<hbm>>, %arg4: memref<16384x256xf32, #tpu.memory_space<hbm>>, %arg5: memref<256xi32, #tpu.memory_space<vmem>>, %arg6: memref<64x256xf32, #tpu.memory_space<vmem>>, %arg7: memref<64x256xf32, #tpu.memory_space<vmem>>, %arg8: memref<64x256xf32, #tpu.memory_space<vmem>>, %arg9: memref<64x256xf32, #tpu.memory_space<vmem>>, %arg10: memref<64x256xf32, #tpu.memory_space<vmem>>, %arg11: memref<64x256xf32, #tpu.memory_space<vmem>>, %arg12: memref<!tpu.dma_semaphore, #tpu.memory_space<semaphore_mem>>, %arg13: memref<!tpu.dma_semaphore, #tpu.memory_space<semaphore_mem>>, %arg14: memref<!tpu.dma_semaphore, #tpu.memory_space<semaphore_mem>>, %arg15: memref<!tpu.dma_semaphore, #tpu.memory_space<semaphore_mem>>, %arg16: memref<!tpu.dma_semaphore, #tpu.memory_space<semaphore_mem>>, %arg17: memref<!tpu.dma_semaphore, #tpu.memory_space<semaphore_mem>>) attributes {dimension_semantics = [#tpu.dimension_semantics<core_parallel>, #tpu.dimension_semantics<subcore_parallel>], iteration_bounds = array<i64: 2, 16>, scalar_prefetch = 0 : i64, scratch_operands = 13 : i64, tpu.core_type = #tpu.core_type<sc_vector_subcore>, window_params = [{transform_indices = #map}, {transform_indices = #map1}, {transform_indices = #map}]} {
    %mul3A = arith.constant 2 : i32
    %mul3A_0 = arith.muli %arg1, %mul3A : i32
    %add3A = arith.addi %mul3A_0, %arg0 : i32
    %mul3A_1 = arith.constant 512 : i32
    %mul3A_2 = arith.muli %add3A, %mul3A_1 : i32
    "tpu.region"() ({
      %run_scoped3A = tpu.sem_alloc : memref<!tpu.dma_semaphore, #tpu.memory_space<semaphore_mem>>
      tpu.enqueue_dma source(%arg3 : memref<256xi32, #tpu.memory_space<hbm>>) target(%arg5 : memref<256xi32, #tpu.memory_space<vmem>>) target_semaphore(%run_scoped3A : memref<!tpu.dma_semaphore, #tpu.memory_space<semaphore_mem>>)
      tpu.wait_dma2 semaphore(%run_scoped3A : memref<!tpu.dma_semaphore, #tpu.memory_space<semaphore_mem>>) src(%arg3 : memref<256xi32, #tpu.memory_space<hbm>>) dst(%arg5 : memref<256xi32, #tpu.memory_space<vmem>>)
      tpu.yield
    }) : () -> ()
    %get3A = arith.constant 0 : index
    %get3A_3 = tpu.vector_load %arg5[%get3A] {strides = array<i32>} : memref<256xi32, #tpu.memory_space<vmem>>, vector<16xi32>,
    %get3A_4 = arith.constant 16 : index
    %get3A_5 = tpu.vector_load %arg5[%get3A_4] {strides = array<i32>} : memref<256xi32, #tpu.memory_space<vmem>>, vector<16xi32>,
    %get3A_6 = arith.constant 32 : index
    %get3A_7 = tpu.vector_load %arg5[%get3A_6] {strides = array<i32>} : memref<256xi32, #tpu.memory_space<vmem>>, vector<16xi32>,
    %get3A_8 = arith.constant 48 : index
    %get3A_9 = tpu.vector_load %arg5[%get3A_8] {strides = array<i32>} : memref<256xi32, #tpu.memory_space<vmem>>, vector<16xi32>,
    %get3A_10 = arith.constant 64 : index
    %get3A_11 = tpu.vector_load %arg5[%get3A_10] {strides = array<i32>} : memref<256xi32, #tpu.memory_space<vmem>>, vector<16xi32>,
    %get3A_12 = arith.constant 80 : index
    %get3A_13 = tpu.vector_load %arg5[%get3A_12] {strides = array<i32>} : memref<256xi32, #tpu.memory_space<vmem>>, vector<16xi32>,
    %get3A_14 = arith.constant 96 : index
    %get3A_15 = tpu.vector_load %arg5[%get3A_14] {strides = array<i32>} : memref<256xi32, #tpu.memory_space<vmem>>, vector<16xi32>,
    %get3A_16 = arith.constant 112 : index
    %get3A_17 = tpu.vector_load %arg5[%get3A_16] {strides = array<i32>} : memref<256xi32, #tpu.memory_space<vmem>>, vector<16xi32>,
    %get3A_18 = arith.constant 128 : index
    %get3A_19 = tpu.vector_load %arg5[%get3A_18] {strides = array<i32>} : memref<256xi32, #tpu.memory_space<vmem>>, vector<16xi32>,
    %get3A_20 = arith.constant 144 : index
    %get3A_21 = tpu.vector_load %arg5[%get3A_20] {strides = array<i32>} : memref<256xi32, #tpu.memory_space<vmem>>, vector<16xi32>,
    %get3A_22 = arith.constant 160 : index
    %get3A_23 = tpu.vector_load %arg5[%get3A_22] {strides = array<i32>} : memref<256xi32, #tpu.memory_space<vmem>>, vector<16xi32>,
    %get3A_24 = arith.constant 176 : index
    %get3A_25 = tpu.vector_load %arg5[%get3A_24] {strides = array<i32>} : memref<256xi32, #tpu.memory_space<vmem>>, vector<16xi32>,
    %get3A_26 = arith.constant 192 : index
    %get3A_27 = tpu.vector_load %arg5[%get3A_26] {strides = array<i32>} : memref<256xi32, #tpu.memory_space<vmem>>, vector<16xi32>,
    %get3A_28 = arith.constant 208 : index
    %get3A_29 = tpu.vector_load %arg5[%get3A_28] {strides = array<i32>} : memref<256xi32, #tpu.memory_space<vmem>>, vector<16xi32>,
    %get3A_30 = arith.constant 224 : index
    %get3A_31 = tpu.vector_load %arg5[%get3A_30] {strides = array<i32>} : memref<256xi32, #tpu.memory_space<vmem>>, vector<16xi32>,
    %get3A_32 = arith.constant 240 : index
    %get3A_33 = tpu.vector_load %arg5[%get3A_32] {strides = array<i32>} : memref<256xi32, #tpu.memory_space<vmem>>, vector<16xi32>,
    %add3A_34 = arith.constant 0 : i32
    %add3A_35 = arith.addi %mul3A_2, %add3A_34 : i32
    %dma_start3A = arith.constant 0 : i32
    %dma_start3A_36 = tpu.memref_slice %arg2[%add3A_35, %dma_start3A] : memref<16384x256xf32, #tpu.memory_space<hbm>> -> memref<64x256xf32, #tpu.memory_space<hbm>>
    %dma_start3A_37 = arith.constant 0 : i32
    %dma_start3A_38 = tpu.memref_slice %arg2[%add3A_35, %dma_start3A_37] : memref<16384x256xf32, #tpu.memory_space<hbm>> -> memref<64x256xf32, #tpu.memory_space<hbm>>
    tpu.enqueue_dma source(%dma_start3A_38 : memref<64x256xf32, #tpu.memory_space<hbm>>) target(%arg6 : memref<64x256xf32, #tpu.memory_space<vmem>>) target_semaphore(%arg12 : memref<!tpu.dma_semaphore, #tpu.memory_space<semaphore_mem>>)
    %add3A_39 = arith.constant 64 : i32
    %add3A_40 = arith.addi %mul3A_2, %add3A_39 : i32
    %dma_start3A_41 = arith.constant 0 : i32
    %dma_start3A_42 = tpu.memref_slice %arg2[%add3A_40, %dma_start3A_41] : memref<16384x256xf32, #tpu.memory_space<hbm>> -> memref<64x256xf32, #tpu.memory_space<hbm>>
    %dma_start3A_43 = arith.constant 0 : i32
    %dma_start3A_44 = tpu.memref_slice %arg2[%add3A_40, %dma_start3A_43] : memref<16384x256xf32, #tpu.memory_space<hbm>> -> memref<64x256xf32, #tpu.memory_space<hbm>>
    tpu.enqueue_dma source(%dma_start3A_44 : memref<64x256xf32, #tpu.memory_space<hbm>>) target(%arg7 : memref<64x256xf32, #tpu.memory_space<vmem>>) target_semaphore(%arg13 : memref<!tpu.dma_semaphore, #tpu.memory_space<semaphore_mem>>)
    %add3A_45 = arith.constant 128 : i32
    %add3A_46 = arith.addi %mul3A_2, %add3A_45 : i32
    %dma_start3A_47 = arith.constant 0 : i32
    %dma_start3A_48 = tpu.memref_slice %arg2[%add3A_46, %dma_start3A_47] : memref<16384x256xf32, #tpu.memory_space<hbm>> -> memref<64x256xf32, #tpu.memory_space<hbm>>
    %dma_start3A_49 = arith.constant 0 : i32
    %dma_start3A_50 = tpu.memref_slice %arg2[%add3A_46, %dma_start3A_49] : memref<16384x256xf32, #tpu.memory_space<hbm>> -> memref<64x256xf32, #tpu.memory_space<hbm>>
    tpu.enqueue_dma source(%dma_start3A_50 : memref<64x256xf32, #tpu.memory_space<hbm>>) target(%arg8 : memref<64x256xf32, #tpu.memory_space<vmem>>) target_semaphore(%arg14 : memref<!tpu.dma_semaphore, #tpu.memory_space<semaphore_mem>>)
    %add3A_51 = arith.constant 192 : i32
    %add3A_52 = arith.addi %mul3A_2, %add3A_51 : i32
    %dma_start3A_53 = arith.constant 0 : i32
    %dma_start3A_54 = tpu.memref_slice %arg2[%add3A_52, %dma_start3A_53] : memref<16384x256xf32, #tpu.memory_space<hbm>> -> memref<64x256xf32, #tpu.memory_space<hbm>>
    %dma_start3A_55 = arith.constant 0 : i32
    %dma_start3A_56 = tpu.memref_slice %arg2[%add3A_52, %dma_start3A_55] : memref<16384x256xf32, #tpu.memory_space<hbm>> -> memref<64x256xf32, #tpu.memory_space<hbm>>
    tpu.enqueue_dma source(%dma_start3A_56 : memref<64x256xf32, #tpu.memory_space<hbm>>) target(%arg9 : memref<64x256xf32, #tpu.memory_space<vmem>>) target_semaphore(%arg15 : memref<!tpu.dma_semaphore, #tpu.memory_space<semaphore_mem>>)
    %scan3A = arith.constant 0 : i32
    %scan3A_57 = arith.constant 0 : i32
    %scan3A_58 = arith.constant 2 : i32
    %scan3A_59 = arith.addi %scan3A_57, %scan3A_58 : i32
    %scan3A_60 = arith.constant 1 : i32
    %scan3A_61 = scf.for %scan3A_74 = %scan3A_57 to %scan3A_59 step %scan3A_60 iter_args(%scan3A_75 = %scan3A) -> (i32)  : i32 {
      %mul3A_76 = arith.constant 4 : i32
      %mul3A_77 = arith.muli %scan3A_74, %mul3A_76 : i32
      %add3A_78 = arith.constant 0 : i32
      %add3A_79 = arith.addi %mul3A_77, %add3A_78 : i32
      %mul3A_80 = arith.constant 64 : i32
      %mul3A_81 = arith.muli %add3A_79, %mul3A_80 : i32
      %add3A_82 = arith.addi %mul3A_2, %mul3A_81 : i32
      %dma_wait3A_83 = arith.constant 0 : i32
      %dma_wait3A_84 = tpu.memref_slice %arg2[%add3A_82, %dma_wait3A_83] : memref<16384x256xf32, #tpu.memory_space<hbm>> -> memref<64x256xf32, #tpu.memory_space<hbm>>
      %dma_wait3A_85 = arith.constant 0 : i32
      %dma_wait3A_86 = tpu.memref_slice %arg2[%add3A_82, %dma_wait3A_85] : memref<16384x256xf32, #tpu.memory_space<hbm>> -> memref<64x256xf32, #tpu.memory_space<hbm>>
      tpu.wait_dma2 semaphore(%arg12 : memref<!tpu.dma_semaphore, #tpu.memory_space<semaphore_mem>>) src(%dma_wait3A_86 : memref<64x256xf32, #tpu.memory_space<hbm>>) dst(%arg6 : memref<64x256xf32, #tpu.memory_space<vmem>>)
      %ge3A = arith.constant 2 : i32
      %ge3A_87 = arith.cmpi sge, %add3A_79, %ge3A : i32
      %convert_element_type3A = arith.extui %ge3A_87 : i1 to i32
      %cond3A = arith.constant 0 : i32
      %cond3A_88 = arith.cmpi ne, %convert_element_type3A, %cond3A : i32
      scf.if %cond3A_88 {
        %sub3A = arith.constant 2 : i32
        %sub3A_204 = arith.subi %add3A_79, %sub3A : i32
        %mul3A_205 = arith.constant 64 : i32
        %mul3A_206 = arith.muli %sub3A_204, %mul3A_205 : i32
        %add3A_207 = arith.addi %mul3A_2, %mul3A_206 : i32
        %dma_wait3A_208 = arith.constant 0 : i32
        %dma_wait3A_209 = tpu.memref_slice %arg4[%add3A_207, %dma_wait3A_208] : memref<16384x256xf32, #tpu.memory_space<hbm>> -> memref<64x256xf32, #tpu.memory_space<hbm>>
        %dma_wait3A_210 = arith.constant 0 : i32
        %dma_wait3A_211 = tpu.memref_slice %arg4[%add3A_207, %dma_wait3A_210] : memref<16384x256xf32, #tpu.memory_space<hbm>> -> memref<64x256xf32, #tpu.memory_space<hbm>>
        tpu.wait_dma2 semaphore(%arg16 : memref<!tpu.dma_semaphore, #tpu.memory_space<semaphore_mem>>) src(%arg10 : memref<64x256xf32, #tpu.memory_space<vmem>>) dst(%dma_wait3A_211 : memref<64x256xf32, #tpu.memory_space<hbm>>)
      } else {
      }
      %parallel_loop3A = arith.constant 0 : i32
      %parallel_loop3A_89 = arith.constant 64 : i32
      %parallel_loop3A_90 = arith.constant 1 : i32
      scf.for %parallel_loop3A_204 = %parallel_loop3A to %parallel_loop3A_89 step %parallel_loop3A_90  : i32 {
        %parallel_loop3A_205 = vector.broadcast %parallel_loop3A_204 : i32 to vector<16xi32>
        %parallel_loop3A_206 = tpu.vector_load_idx %arg6[%parallel_loop3A_205, %get3A_3] : memref<64x256xf32, #tpu.memory_space<vmem>>[vector<16xi32>, vector<16xi32>], vector<16xf32>,
        %parallel_loop3A_207 = arith.index_cast %parallel_loop3A_204 : i32 to index
        %parallel_loop3A_208 = arith.constant 0 : index
        %parallel_loop3A_209 = tpu.vector_load %arg10[%parallel_loop3A_207, %parallel_loop3A_208] {strides = array<i32>} : memref<64x256xf32, #tpu.memory_space<vmem>>, vector<16xf32>,
        tpu.vector_store %arg10[%parallel_loop3A_207, %parallel_loop3A_208], %parallel_loop3A_206 {strides = array<i32>} : memref<64x256xf32, #tpu.memory_space<vmem>>, vector<16xf32>,
        %parallel_loop3A_210 = tpu.vector_load_idx %arg6[%parallel_loop3A_205, %get3A_5] : memref<64x256xf32, #tpu.memory_space<vmem>>[vector<16xi32>, vector<16xi32>], vector<16xf32>,
        %parallel_loop3A_211 = arith.index_cast %parallel_loop3A_204 : i32 to index
        %parallel_loop3A_212 = arith.constant 16 : index
        %parallel_loop3A_213 = tpu.vector_load %arg10[%parallel_loop3A_211, %parallel_loop3A_212] {strides = array<i32>} : memref<64x256xf32, #tpu.memory_space<vmem>>, vector<16xf32>,
        tpu.vector_store %arg10[%parallel_loop3A_211, %parallel_loop3A_212], %parallel_loop3A_210 {strides = array<i32>} : memref<64x256xf32, #tpu.memory_space<vmem>>, vector<16xf32>,
        %parallel_loop3A_214 = tpu.vector_load_idx %arg6[%parallel_loop3A_205, %get3A_7] : memref<64x256xf32, #tpu.memory_space<vmem>>[vector<16xi32>, vector<16xi32>], vector<16xf32>,
        %parallel_loop3A_215 = arith.index_cast %parallel_loop3A_204 : i32 to index
        %parallel_loop3A_216 = arith.constant 32 : index
        %parallel_loop3A_217 = tpu.vector_load %arg10[%parallel_loop3A_215, %parallel_loop3A_216] {strides = array<i32>} : memref<64x256xf32, #tpu.memory_space<vmem>>, vector<16xf32>,
        tpu.vector_store %arg10[%parallel_loop3A_215, %parallel_loop3A_216], %parallel_loop3A_214 {strides = array<i32>} : memref<64x256xf32, #tpu.memory_space<vmem>>, vector<16xf32>,
        %parallel_loop3A_218 = tpu.vector_load_idx %arg6[%parallel_loop3A_205, %get3A_9] : memref<64x256xf32, #tpu.memory_space<vmem>>[vector<16xi32>, vector<16xi32>], vector<16xf32>,
        %parallel_loop3A_219 = arith.index_cast %parallel_loop3A_204 : i32 to index
        %parallel_loop3A_220 = arith.constant 48 : index
        %parallel_loop3A_221 = tpu.vector_load %arg10[%parallel_loop3A_219, %parallel_loop3A_220] {strides = array<i32>} : memref<64x256xf32, #tpu.memory_space<vmem>>, vector<16xf32>,
        tpu.vector_store %arg10[%parallel_loop3A_219, %parallel_loop3A_220], %parallel_loop3A_218 {strides = array<i32>} : memref<64x256xf32, #tpu.memory_space<vmem>>, vector<16xf32>,
        %parallel_loop3A_222 = tpu.vector_load_idx %arg6[%parallel_loop3A_205, %get3A_11] : memref<64x256xf32, #tpu.memory_space<vmem>>[vector<16xi32>, vector<16xi32>], vector<16xf32>,
        %parallel_loop3A_223 = arith.index_cast %parallel_loop3A_204 : i32 to index
        %parallel_loop3A_224 = arith.constant 64 : index
        %parallel_loop3A_225 = tpu.vector_load %arg10[%parallel_loop3A_223, %parallel_loop3A_224] {strides = array<i32>} : memref<64x256xf32, #tpu.memory_space<vmem>>, vector<16xf32>,
        tpu.vector_store %arg10[%parallel_loop3A_223, %parallel_loop3A_224], %parallel_loop3A_222 {strides = array<i32>} : memref<64x256xf32, #tpu.memory_space<vmem>>, vector<16xf32>,
        %parallel_loop3A_226 = tpu.vector_load_idx %arg6[%parallel_loop3A_205, %get3A_13] : memref<64x256xf32, #tpu.memory_space<vmem>>[vector<16xi32>, vector<16xi32>], vector<16xf32>,
        %parallel_loop3A_227 = arith.index_cast %parallel_loop3A_204 : i32 to index
        %parallel_loop3A_228 = arith.constant 80 : index
        %parallel_loop3A_229 = tpu.vector_load %arg10[%parallel_loop3A_227, %parallel_loop3A_228] {strides = array<i32>} : memref<64x256xf32, #tpu.memory_space<vmem>>, vector<16xf32>,
        tpu.vector_store %arg10[%parallel_loop3A_227, %parallel_loop3A_228], %parallel_loop3A_226 {strides = array<i32>} : memref<64x256xf32, #tpu.memory_space<vmem>>, vector<16xf32>,
        %parallel_loop3A_230 = tpu.vector_load_idx %arg6[%parallel_loop3A_205, %get3A_15] : memref<64x256xf32, #tpu.memory_space<vmem>>[vector<16xi32>, vector<16xi32>], vector<16xf32>,
        %parallel_loop3A_231 = arith.index_cast %parallel_loop3A_204 : i32 to index
        %parallel_loop3A_232 = arith.constant 96 : index
        %parallel_loop3A_233 = tpu.vector_load %arg10[%parallel_loop3A_231, %parallel_loop3A_232] {strides = array<i32>} : memref<64x256xf32, #tpu.memory_space<vmem>>, vector<16xf32>,
        tpu.vector_store %arg10[%parallel_loop3A_231, %parallel_loop3A_232], %parallel_loop3A_230 {strides = array<i32>} : memref<64x256xf32, #tpu.memory_space<vmem>>, vector<16xf32>,
        %parallel_loop3A_234 = tpu.vector_load_idx %arg6[%parallel_loop3A_205, %get3A_17] : memref<64x256xf32, #tpu.memory_space<vmem>>[vector<16xi32>, vector<16xi32>], vector<16xf32>,
        %parallel_loop3A_235 = arith.index_cast %parallel_loop3A_204 : i32 to index
        %parallel_loop3A_236 = arith.constant 112 : index
        %parallel_loop3A_237 = tpu.vector_load %arg10[%parallel_loop3A_235, %parallel_loop3A_236] {strides = array<i32>} : memref<64x256xf32, #tpu.memory_space<vmem>>, vector<16xf32>,
        tpu.vector_store %arg10[%parallel_loop3A_235, %parallel_loop3A_236], %parallel_loop3A_234 {strides = array<i32>} : memref<64x256xf32, #tpu.memory_space<vmem>>, vector<16xf32>,
        %parallel_loop3A_238 = tpu.vector_load_idx %arg6[%parallel_loop3A_205, %get3A_19] : memref<64x256xf32, #tpu.memory_space<vmem>>[vector<16xi32>, vector<16xi32>], vector<16xf32>,
        %parallel_loop3A_239 = arith.index_cast %parallel_loop3A_204 : i32 to index
        %parallel_loop3A_240 = arith.constant 128 : index
        %parallel_loop3A_241 = tpu.vector_load %arg10[%parallel_loop3A_239, %parallel_loop3A_240] {strides = array<i32>} : memref<64x256xf32, #tpu.memory_space<vmem>>, vector<16xf32>,
        tpu.vector_store %arg10[%parallel_loop3A_239, %parallel_loop3A_240], %parallel_loop3A_238 {strides = array<i32>} : memref<64x256xf32, #tpu.memory_space<vmem>>, vector<16xf32>,
        %parallel_loop3A_242 = tpu.vector_load_idx %arg6[%parallel_loop3A_205, %get3A_21] : memref<64x256xf32, #tpu.memory_space<vmem>>[vector<16xi32>, vector<16xi32>], vector<16xf32>,
        %parallel_loop3A_243 = arith.index_cast %parallel_loop3A_204 : i32 to index
        %parallel_loop3A_244 = arith.constant 144 : index
        %parallel_loop3A_245 = tpu.vector_load %arg10[%parallel_loop3A_243, %parallel_loop3A_244] {strides = array<i32>} : memref<64x256xf32, #tpu.memory_space<vmem>>, vector<16xf32>,
        tpu.vector_store %arg10[%parallel_loop3A_243, %parallel_loop3A_244], %parallel_loop3A_242 {strides = array<i32>} : memref<64x256xf32, #tpu.memory_space<vmem>>, vector<16xf32>,
        %parallel_loop3A_246 = tpu.vector_load_idx %arg6[%parallel_loop3A_205, %get3A_23] : memref<64x256xf32, #tpu.memory_space<vmem>>[vector<16xi32>, vector<16xi32>], vector<16xf32>,
        %parallel_loop3A_247 = arith.index_cast %parallel_loop3A_204 : i32 to index
        %parallel_loop3A_248 = arith.constant 160 : index
        %parallel_loop3A_249 = tpu.vector_load %arg10[%parallel_loop3A_247, %parallel_loop3A_248] {strides = array<i32>} : memref<64x256xf32, #tpu.memory_space<vmem>>, vector<16xf32>,
        tpu.vector_store %arg10[%parallel_loop3A_247, %parallel_loop3A_248], %parallel_loop3A_246 {strides = array<i32>} : memref<64x256xf32, #tpu.memory_space<vmem>>, vector<16xf32>,
        %parallel_loop3A_250 = tpu.vector_load_idx %arg6[%parallel_loop3A_205, %get3A_25] : memref<64x256xf32, #tpu.memory_space<vmem>>[vector<16xi32>, vector<16xi32>], vector<16xf32>,
        %parallel_loop3A_251 = arith.index_cast %parallel_loop3A_204 : i32 to index
        %parallel_loop3A_252 = arith.constant 176 : index
        %parallel_loop3A_253 = tpu.vector_load %arg10[%parallel_loop3A_251, %parallel_loop3A_252] {strides = array<i32>} : memref<64x256xf32, #tpu.memory_space<vmem>>, vector<16xf32>,
        tpu.vector_store %arg10[%parallel_loop3A_251, %parallel_loop3A_252], %parallel_loop3A_250 {strides = array<i32>} : memref<64x256xf32, #tpu.memory_space<vmem>>, vector<16xf32>,
        %parallel_loop3A_254 = tpu.vector_load_idx %arg6[%parallel_loop3A_205, %get3A_27] : memref<64x256xf32, #tpu.memory_space<vmem>>[vector<16xi32>, vector<16xi32>], vector<16xf32>,
        %parallel_loop3A_255 = arith.index_cast %parallel_loop3A_204 : i32 to index
        %parallel_loop3A_256 = arith.constant 192 : index
        %parallel_loop3A_257 = tpu.vector_load %arg10[%parallel_loop3A_255, %parallel_loop3A_256] {strides = array<i32>} : memref<64x256xf32, #tpu.memory_space<vmem>>, vector<16xf32>,
        tpu.vector_store %arg10[%parallel_loop3A_255, %parallel_loop3A_256], %parallel_loop3A_254 {strides = array<i32>} : memref<64x256xf32, #tpu.memory_space<vmem>>, vector<16xf32>,
        %parallel_loop3A_258 = tpu.vector_load_idx %arg6[%parallel_loop3A_205, %get3A_29] : memref<64x256xf32, #tpu.memory_space<vmem>>[vector<16xi32>, vector<16xi32>], vector<16xf32>,
        %parallel_loop3A_259 = arith.index_cast %parallel_loop3A_204 : i32 to index
        %parallel_loop3A_260 = arith.constant 208 : index
        %parallel_loop3A_261 = tpu.vector_load %arg10[%parallel_loop3A_259, %parallel_loop3A_260] {strides = array<i32>} : memref<64x256xf32, #tpu.memory_space<vmem>>, vector<16xf32>,
        tpu.vector_store %arg10[%parallel_loop3A_259, %parallel_loop3A_260], %parallel_loop3A_258 {strides = array<i32>} : memref<64x256xf32, #tpu.memory_space<vmem>>, vector<16xf32>,
        %parallel_loop3A_262 = tpu.vector_load_idx %arg6[%parallel_loop3A_205, %get3A_31] : memref<64x256xf32, #tpu.memory_space<vmem>>[vector<16xi32>, vector<16xi32>], vector<16xf32>,
        %parallel_loop3A_263 = arith.index_cast %parallel_loop3A_204 : i32 to index
        %parallel_loop3A_264 = arith.constant 224 : index
        %parallel_loop3A_265 = tpu.vector_load %arg10[%parallel_loop3A_263, %parallel_loop3A_264] {strides = array<i32>} : memref<64x256xf32, #tpu.memory_space<vmem>>, vector<16xf32>,
        tpu.vector_store %arg10[%parallel_loop3A_263, %parallel_loop3A_264], %parallel_loop3A_262 {strides = array<i32>} : memref<64x256xf32, #tpu.memory_space<vmem>>, vector<16xf32>,
        %parallel_loop3A_266 = tpu.vector_load_idx %arg6[%parallel_loop3A_205, %get3A_33] : memref<64x256xf32, #tpu.memory_space<vmem>>[vector<16xi32>, vector<16xi32>], vector<16xf32>,
        %parallel_loop3A_267 = arith.index_cast %parallel_loop3A_204 : i32 to index
        %parallel_loop3A_268 = arith.constant 240 : index
        %parallel_loop3A_269 = tpu.vector_load %arg10[%parallel_loop3A_267, %parallel_loop3A_268] {strides = array<i32>} : memref<64x256xf32, #tpu.memory_space<vmem>>, vector<16xf32>,
        tpu.vector_store %arg10[%parallel_loop3A_267, %parallel_loop3A_268], %parallel_loop3A_266 {strides = array<i32>} : memref<64x256xf32, #tpu.memory_space<vmem>>, vector<16xf32>,
      } {sc.loop_unroll_factor = 2 : i64, sc.parallel_access}
      %add3A_91 = arith.constant 4 : i32
      %add3A_92 = arith.addi %add3A_79, %add3A_91 : i32
      %lt3A = arith.constant 8 : i32
      %lt3A_93 = arith.cmpi slt, %add3A_92, %lt3A : i32
      %convert_element_type3A_94 = arith.extui %lt3A_93 : i1 to i32
      %cond3A_95 = arith.constant 0 : i32
      %cond3A_96 = arith.cmpi ne, %convert_element_type3A_94, %cond3A_95 : i32
      scf.if %cond3A_96 {
        %add3A_204 = arith.constant 4 : i32
        %add3A_205 = arith.addi %add3A_79, %add3A_204 : i32
        %mul3A_206 = arith.constant 64 : i32
        %mul3A_207 = arith.muli %add3A_205, %mul3A_206 : i32
        %add3A_208 = arith.addi %mul3A_2, %mul3A_207 : i32
        %dma_start3A_209 = arith.constant 0 : i32
        %dma_start3A_210 = tpu.memref_slice %arg2[%add3A_208, %dma_start3A_209] : memref<16384x256xf32, #tpu.memory_space<hbm>> -> memref<64x256xf32, #tpu.memory_space<hbm>>
        %dma_start3A_211 = arith.constant 0 : i32
        %dma_start3A_212 = tpu.memref_slice %arg2[%add3A_208, %dma_start3A_211] : memref<16384x256xf32, #tpu.memory_space<hbm>> -> memref<64x256xf32, #tpu.memory_space<hbm>>
        tpu.enqueue_dma source(%dma_start3A_212 : memref<64x256xf32, #tpu.memory_space<hbm>>) target(%arg6 : memref<64x256xf32, #tpu.memory_space<vmem>>) target_semaphore(%arg12 : memref<!tpu.dma_semaphore, #tpu.memory_space<semaphore_mem>>)
      } else {
      }
      %mul3A_97 = arith.constant 64 : i32
      %mul3A_98 = arith.muli %add3A_79, %mul3A_97 : i32
      %add3A_99 = arith.addi %mul3A_2, %mul3A_98 : i32
      %dma_start3A_100 = arith.constant 0 : i32
      %dma_start3A_101 = tpu.memref_slice %arg4[%add3A_99, %dma_start3A_100] : memref<16384x256xf32, #tpu.memory_space<hbm>> -> memref<64x256xf32, #tpu.memory_space<hbm>>
      %dma_start3A_102 = arith.constant 0 : i32
      %dma_start3A_103 = tpu.memref_slice %arg4[%add3A_99, %dma_start3A_102] : memref<16384x256xf32, #tpu.memory_space<hbm>> -> memref<64x256xf32, #tpu.memory_space<hbm>>
      tpu.enqueue_dma source(%arg10 : memref<64x256xf32, #tpu.memory_space<vmem>>) target(%dma_start3A_103 : memref<64x256xf32, #tpu.memory_space<hbm>>) target_semaphore(%arg16 : memref<!tpu.dma_semaphore, #tpu.memory_space<semaphore_mem>>)
      %mul3A_104 = arith.constant 4 : i32
      %mul3A_105 = arith.muli %scan3A_74, %mul3A_104 : i32
      %add3A_106 = arith.constant 1 : i32
      %add3A_107 = arith.addi %mul3A_105, %add3A_106 : i32
      %mul3A_108 = arith.constant 64 : i32
      %mul3A_109 = arith.muli %add3A_107, %mul3A_108 : i32
      %add3A_110 = arith.addi %mul3A_2, %mul3A_109 : i32
      %dma_wait3A_111 = arith.constant 0 : i32
      %dma_wait3A_112 = tpu.memref_slice %arg2[%add3A_110, %dma_wait3A_111] : memref<16384x256xf32, #tpu.memory_space<hbm>> -> memref<64x256xf32, #tpu.memory_space<hbm>>
      %dma_wait3A_113 = arith.constant 0 : i32
      %dma_wait3A_114 = tpu.memref_slice %arg2[%add3A_110, %dma_wait3A_113] : memref<16384x256xf32, #tpu.memory_space<hbm>> -> memref<64x256xf32, #tpu.memory_space<hbm>>
      tpu.wait_dma2 semaphore(%arg13 : memref<!tpu.dma_semaphore, #tpu.memory_space<semaphore_mem>>) src(%dma_wait3A_114 : memref<64x256xf32, #tpu.memory_space<hbm>>) dst(%arg7 : memref<64x256xf32, #tpu.memory_space<vmem>>)
      %ge3A_115 = arith.constant 2 : i32
      %ge3A_116 = arith.cmpi sge, %add3A_107, %ge3A_115 : i32
      %convert_element_type3A_117 = arith.extui %ge3A_116 : i1 to i32
      %cond3A_118 = arith.constant 0 : i32
      %cond3A_119 = arith.cmpi ne, %convert_element_type3A_117, %cond3A_118 : i32
      scf.if %cond3A_119 {
        %sub3A = arith.constant 2 : i32
        %sub3A_204 = arith.subi %add3A_107, %sub3A : i32
        %mul3A_205 = arith.constant 64 : i32
        %mul3A_206 = arith.muli %sub3A_204, %mul3A_205 : i32
        %add3A_207 = arith.addi %mul3A_2, %mul3A_206 : i32
        %dma_wait3A_208 = arith.constant 0 : i32
        %dma_wait3A_209 = tpu.memref_slice %arg4[%add3A_207, %dma_wait3A_208] : memref<16384x256xf32, #tpu.memory_space<hbm>> -> memref<64x256xf32, #tpu.memory_space<hbm>>
        %dma_wait3A_210 = arith.constant 0 : i32
        %dma_wait3A_211 = tpu.memref_slice %arg4[%add3A_207, %dma_wait3A_210] : memref<16384x256xf32, #tpu.memory_space<hbm>> -> memref<64x256xf32, #tpu.memory_space<hbm>>
        tpu.wait_dma2 semaphore(%arg17 : memref<!tpu.dma_semaphore, #tpu.memory_space<semaphore_mem>>) src(%arg11 : memref<64x256xf32, #tpu.memory_space<vmem>>) dst(%dma_wait3A_211 : memref<64x256xf32, #tpu.memory_space<hbm>>)
      } else {
      }
      %parallel_loop3A_120 = arith.constant 0 : i32
      %parallel_loop3A_121 = arith.constant 64 : i32
      %parallel_loop3A_122 = arith.constant 1 : i32
      scf.for %parallel_loop3A_204 = %parallel_loop3A_120 to %parallel_loop3A_121 step %parallel_loop3A_122  : i32 {
        %parallel_loop3A_205 = vector.broadcast %parallel_loop3A_204 : i32 to vector<16xi32>
        %parallel_loop3A_206 = tpu.vector_load_idx %arg7[%parallel_loop3A_205, %get3A_3] : memref<64x256xf32, #tpu.memory_space<vmem>>[vector<16xi32>, vector<16xi32>], vector<16xf32>,
        %parallel_loop3A_207 = arith.index_cast %parallel_loop3A_204 : i32 to index
        %parallel_loop3A_208 = arith.constant 0 : index
        %parallel_loop3A_209 = tpu.vector_load %arg11[%parallel_loop3A_207, %parallel_loop3A_208] {strides = array<i32>} : memref<64x256xf32, #tpu.memory_space<vmem>>, vector<16xf32>,
        tpu.vector_store %arg11[%parallel_loop3A_207, %parallel_loop3A_208], %parallel_loop3A_206 {strides = array<i32>} : memref<64x256xf32, #tpu.memory_space<vmem>>, vector<16xf32>,
        %parallel_loop3A_210 = tpu.vector_load_idx %arg7[%parallel_loop3A_205, %get3A_5] : memref<64x256xf32, #tpu.memory_space<vmem>>[vector<16xi32>, vector<16xi32>], vector<16xf32>,
        %parallel_loop3A_211 = arith.index_cast %parallel_loop3A_204 : i32 to index
        %parallel_loop3A_212 = arith.constant 16 : index
        %parallel_loop3A_213 = tpu.vector_load %arg11[%parallel_loop3A_211, %parallel_loop3A_212] {strides = array<i32>} : memref<64x256xf32, #tpu.memory_space<vmem>>, vector<16xf32>,
        tpu.vector_store %arg11[%parallel_loop3A_211, %parallel_loop3A_212], %parallel_loop3A_210 {strides = array<i32>} : memref<64x256xf32, #tpu.memory_space<vmem>>, vector<16xf32>,
        %parallel_loop3A_214 = tpu.vector_load_idx %arg7[%parallel_loop3A_205, %get3A_7] : memref<64x256xf32, #tpu.memory_space<vmem>>[vector<16xi32>, vector<16xi32>], vector<16xf32>,
        %parallel_loop3A_215 = arith.index_cast %parallel_loop3A_204 : i32 to index
        %parallel_loop3A_216 = arith.constant 32 : index
        %parallel_loop3A_217 = tpu.vector_load %arg11[%parallel_loop3A_215, %parallel_loop3A_216] {strides = array<i32>} : memref<64x256xf32, #tpu.memory_space<vmem>>, vector<16xf32>,
        tpu.vector_store %arg11[%parallel_loop3A_215, %parallel_loop3A_216], %parallel_loop3A_214 {strides = array<i32>} : memref<64x256xf32, #tpu.memory_space<vmem>>, vector<16xf32>,
        %parallel_loop3A_218 = tpu.vector_load_idx %arg7[%parallel_loop3A_205, %get3A_9] : memref<64x256xf32, #tpu.memory_space<vmem>>[vector<16xi32>, vector<16xi32>], vector<16xf32>,
        %parallel_loop3A_219 = arith.index_cast %parallel_loop3A_204 : i32 to index
        %parallel_loop3A_220 = arith.constant 48 : index
        %parallel_loop3A_221 = tpu.vector_load %arg11[%parallel_loop3A_219, %parallel_loop3A_220] {strides = array<i32>} : memref<64x256xf32, #tpu.memory_space<vmem>>, vector<16xf32>,
        tpu.vector_store %arg11[%parallel_loop3A_219, %parallel_loop3A_220], %parallel_loop3A_218 {strides = array<i32>} : memref<64x256xf32, #tpu.memory_space<vmem>>, vector<16xf32>,
        %parallel_loop3A_222 = tpu.vector_load_idx %arg7[%parallel_loop3A_205, %get3A_11] : memref<64x256xf32, #tpu.memory_space<vmem>>[vector<16xi32>, vector<16xi32>], vector<16xf32>,
        %parallel_loop3A_223 = arith.index_cast %parallel_loop3A_204 : i32 to index
        %parallel_loop3A_224 = arith.constant 64 : index
        %parallel_loop3A_225 = tpu.vector_load %arg11[%parallel_loop3A_223, %parallel_loop3A_224] {strides = array<i32>} : memref<64x256xf32, #tpu.memory_space<vmem>>, vector<16xf32>,
        tpu.vector_store %arg11[%parallel_loop3A_223, %parallel_loop3A_224], %parallel_loop3A_222 {strides = array<i32>} : memref<64x256xf32, #tpu.memory_space<vmem>>, vector<16xf32>,
        %parallel_loop3A_226 = tpu.vector_load_idx %arg7[%parallel_loop3A_205, %get3A_13] : memref<64x256xf32, #tpu.memory_space<vmem>>[vector<16xi32>, vector<16xi32>], vector<16xf32>,
        %parallel_loop3A_227 = arith.index_cast %parallel_loop3A_204 : i32 to index
        %parallel_loop3A_228 = arith.constant 80 : index
        %parallel_loop3A_229 = tpu.vector_load %arg11[%parallel_loop3A_227, %parallel_loop3A_228] {strides = array<i32>} : memref<64x256xf32, #tpu.memory_space<vmem>>, vector<16xf32>,
        tpu.vector_store %arg11[%parallel_loop3A_227, %parallel_loop3A_228], %parallel_loop3A_226 {strides = array<i32>} : memref<64x256xf32, #tpu.memory_space<vmem>>, vector<16xf32>,
        %parallel_loop3A_230 = tpu.vector_load_idx %arg7[%parallel_loop3A_205, %get3A_15] : memref<64x256xf32, #tpu.memory_space<vmem>>[vector<16xi32>, vector<16xi32>], vector<16xf32>,
        %parallel_loop3A_231 = arith.index_cast %parallel_loop3A_204 : i32 to index
        %parallel_loop3A_232 = arith.constant 96 : index
        %parallel_loop3A_233 = tpu.vector_load %arg11[%parallel_loop3A_231, %parallel_loop3A_232] {strides = array<i32>} : memref<64x256xf32, #tpu.memory_space<vmem>>, vector<16xf32>,
        tpu.vector_store %arg11[%parallel_loop3A_231, %parallel_loop3A_232], %parallel_loop3A_230 {strides = array<i32>} : memref<64x256xf32, #tpu.memory_space<vmem>>, vector<16xf32>,
        %parallel_loop3A_234 = tpu.vector_load_idx %arg7[%parallel_loop3A_205, %get3A_17] : memref<64x256xf32, #tpu.memory_space<vmem>>[vector<16xi32>, vector<16xi32>], vector<16xf32>,
        %parallel_loop3A_235 = arith.index_cast %parallel_loop3A_204 : i32 to index
        %parallel_loop3A_236 = arith.constant 112 : index
        %parallel_loop3A_237 = tpu.vector_load %arg11[%parallel_loop3A_235, %parallel_loop3A_236] {strides = array<i32>} : memref<64x256xf32, #tpu.memory_space<vmem>>, vector<16xf32>,
        tpu.vector_store %arg11[%parallel_loop3A_235, %parallel_loop3A_236], %parallel_loop3A_234 {strides = array<i32>} : memref<64x256xf32, #tpu.memory_space<vmem>>, vector<16xf32>,
        %parallel_loop3A_238 = tpu.vector_load_idx %arg7[%parallel_loop3A_205, %get3A_19] : memref<64x256xf32, #tpu.memory_space<vmem>>[vector<16xi32>, vector<16xi32>], vector<16xf32>,
        %parallel_loop3A_239 = arith.index_cast %parallel_loop3A_204 : i32 to index
        %parallel_loop3A_240 = arith.constant 128 : index
        %parallel_loop3A_241 = tpu.vector_load %arg11[%parallel_loop3A_239, %parallel_loop3A_240] {strides = array<i32>} : memref<64x256xf32, #tpu.memory_space<vmem>>, vector<16xf32>,
        tpu.vector_store %arg11[%parallel_loop3A_239, %parallel_loop3A_240], %parallel_loop3A_238 {strides = array<i32>} : memref<64x256xf32, #tpu.memory_space<vmem>>, vector<16xf32>,
        %parallel_loop3A_242 = tpu.vector_load_idx %arg7[%parallel_loop3A_205, %get3A_21] : memref<64x256xf32, #tpu.memory_space<vmem>>[vector<16xi32>, vector<16xi32>], vector<16xf32>,
        %parallel_loop3A_243 = arith.index_cast %parallel_loop3A_204 : i32 to index
        %parallel_loop3A_244 = arith.constant 144 : index
        %parallel_loop3A_245 = tpu.vector_load %arg11[%parallel_loop3A_243, %parallel_loop3A_244] {strides = array<i32>} : memref<64x256xf32, #tpu.memory_space<vmem>>, vector<16xf32>,
        tpu.vector_store %arg11[%parallel_loop3A_243, %parallel_loop3A_244], %parallel_loop3A_242 {strides = array<i32>} : memref<64x256xf32, #tpu.memory_space<vmem>>, vector<16xf32>,
        %parallel_loop3A_246 = tpu.vector_load_idx %arg7[%parallel_loop3A_205, %get3A_23] : memref<64x256xf32, #tpu.memory_space<vmem>>[vector<16xi32>, vector<16xi32>], vector<16xf32>,
        %parallel_loop3A_247 = arith.index_cast %parallel_loop3A_204 : i32 to index
        %parallel_loop3A_248 = arith.constant 160 : index
        %parallel_loop3A_249 = tpu.vector_load %arg11[%parallel_loop3A_247, %parallel_loop3A_248] {strides = array<i32>} : memref<64x256xf32, #tpu.memory_space<vmem>>, vector<16xf32>,
        tpu.vector_store %arg11[%parallel_loop3A_247, %parallel_loop3A_248], %parallel_loop3A_246 {strides = array<i32>} : memref<64x256xf32, #tpu.memory_space<vmem>>, vector<16xf32>,
        %parallel_loop3A_250 = tpu.vector_load_idx %arg7[%parallel_loop3A_205, %get3A_25] : memref<64x256xf32, #tpu.memory_space<vmem>>[vector<16xi32>, vector<16xi32>], vector<16xf32>,
        %parallel_loop3A_251 = arith.index_cast %parallel_loop3A_204 : i32 to index
        %parallel_loop3A_252 = arith.constant 176 : index
        %parallel_loop3A_253 = tpu.vector_load %arg11[%parallel_loop3A_251, %parallel_loop3A_252] {strides = array<i32>} : memref<64x256xf32, #tpu.memory_space<vmem>>, vector<16xf32>,
        tpu.vector_store %arg11[%parallel_loop3A_251, %parallel_loop3A_252], %parallel_loop3A_250 {strides = array<i32>} : memref<64x256xf32, #tpu.memory_space<vmem>>, vector<16xf32>,
        %parallel_loop3A_254 = tpu.vector_load_idx %arg7[%parallel_loop3A_205, %get3A_27] : memref<64x256xf32, #tpu.memory_space<vmem>>[vector<16xi32>, vector<16xi32>], vector<16xf32>,
        %parallel_loop3A_255 = arith.index_cast %parallel_loop3A_204 : i32 to index
        %parallel_loop3A_256 = arith.constant 192 : index
        %parallel_loop3A_257 = tpu.vector_load %arg11[%parallel_loop3A_255, %parallel_loop3A_256] {strides = array<i32>} : memref<64x256xf32, #tpu.memory_space<vmem>>, vector<16xf32>,
        tpu.vector_store %arg11[%parallel_loop3A_255, %parallel_loop3A_256], %parallel_loop3A_254 {strides = array<i32>} : memref<64x256xf32, #tpu.memory_space<vmem>>, vector<16xf32>,
        %parallel_loop3A_258 = tpu.vector_load_idx %arg7[%parallel_loop3A_205, %get3A_29] : memref<64x256xf32, #tpu.memory_space<vmem>>[vector<16xi32>, vector<16xi32>], vector<16xf32>,
        %parallel_loop3A_259 = arith.index_cast %parallel_loop3A_204 : i32 to index
        %parallel_loop3A_260 = arith.constant 208 : index
        %parallel_loop3A_261 = tpu.vector_load %arg11[%parallel_loop3A_259, %parallel_loop3A_260] {strides = array<i32>} : memref<64x256xf32, #tpu.memory_space<vmem>>, vector<16xf32>,
        tpu.vector_store %arg11[%parallel_loop3A_259, %parallel_loop3A_260], %parallel_loop3A_258 {strides = array<i32>} : memref<64x256xf32, #tpu.memory_space<vmem>>, vector<16xf32>,
        %parallel_loop3A_262 = tpu.vector_load_idx %arg7[%parallel_loop3A_205, %get3A_31] : memref<64x256xf32, #tpu.memory_space<vmem>>[vector<16xi32>, vector<16xi32>], vector<16xf32>,
        %parallel_loop3A_263 = arith.index_cast %parallel_loop3A_204 : i32 to index
        %parallel_loop3A_264 = arith.constant 224 : index
        %parallel_loop3A_265 = tpu.vector_load %arg11[%parallel_loop3A_263, %parallel_loop3A_264] {strides = array<i32>} : memref<64x256xf32, #tpu.memory_space<vmem>>, vector<16xf32>,
        tpu.vector_store %arg11[%parallel_loop3A_263, %parallel_loop3A_264], %parallel_loop3A_262 {strides = array<i32>} : memref<64x256xf32, #tpu.memory_space<vmem>>, vector<16xf32>,
        %parallel_loop3A_266 = tpu.vector_load_idx %arg7[%parallel_loop3A_205, %get3A_33] : memref<64x256xf32, #tpu.memory_space<vmem>>[vector<16xi32>, vector<16xi32>], vector<16xf32>,
        %parallel_loop3A_267 = arith.index_cast %parallel_loop3A_204 : i32 to index
        %parallel_loop3A_268 = arith.constant 240 : index
        %parallel_loop3A_269 = tpu.vector_load %arg11[%parallel_loop3A_267, %parallel_loop3A_268] {strides = array<i32>} : memref<64x256xf32, #tpu.memory_space<vmem>>, vector<16xf32>,
        tpu.vector_store %arg11[%parallel_loop3A_267, %parallel_loop3A_268], %parallel_loop3A_266 {strides = array<i32>} : memref<64x256xf32, #tpu.memory_space<vmem>>, vector<16xf32>,
      } {sc.loop_unroll_factor = 2 : i64, sc.parallel_access}
      %add3A_123 = arith.constant 4 : i32
      %add3A_124 = arith.addi %add3A_107, %add3A_123 : i32
      %lt3A_125 = arith.constant 8 : i32
      %lt3A_126 = arith.cmpi slt, %add3A_124, %lt3A_125 : i32
      %convert_element_type3A_127 = arith.extui %lt3A_126 : i1 to i32
      %cond3A_128 = arith.constant 0 : i32
      %cond3A_129 = arith.cmpi ne, %convert_element_type3A_127, %cond3A_128 : i32
      scf.if %cond3A_129 {
        %add3A_204 = arith.constant 4 : i32
        %add3A_205 = arith.addi %add3A_107, %add3A_204 : i32
        %mul3A_206 = arith.constant 64 : i32
        %mul3A_207 = arith.muli %add3A_205, %mul3A_206 : i32
        %add3A_208 = arith.addi %mul3A_2, %mul3A_207 : i32
        %dma_start3A_209 = arith.constant 0 : i32
        %dma_start3A_210 = tpu.memref_slice %arg2[%add3A_208, %dma_start3A_209] : memref<16384x256xf32, #tpu.memory_space<hbm>> -> memref<64x256xf32, #tpu.memory_space<hbm>>
        %dma_start3A_211 = arith.constant 0 : i32
        %dma_start3A_212 = tpu.memref_slice %arg2[%add3A_208, %dma_start3A_211] : memref<16384x256xf32, #tpu.memory_space<hbm>> -> memref<64x256xf32, #tpu.memory_space<hbm>>
        tpu.enqueue_dma source(%dma_start3A_212 : memref<64x256xf32, #tpu.memory_space<hbm>>) target(%arg7 : memref<64x256xf32, #tpu.memory_space<vmem>>) target_semaphore(%arg13 : memref<!tpu.dma_semaphore, #tpu.memory_space<semaphore_mem>>)
      } else {
      }
      %mul3A_130 = arith.constant 64 : i32
      %mul3A_131 = arith.muli %add3A_107, %mul3A_130 : i32
      %add3A_132 = arith.addi %mul3A_2, %mul3A_131 : i32
      %dma_start3A_133 = arith.constant 0 : i32
      %dma_start3A_134 = tpu.memref_slice %arg4[%add3A_132, %dma_start3A_133] : memref<16384x256xf32, #tpu.memory_space<hbm>> -> memref<64x256xf32, #tpu.memory_space<hbm>>
      %dma_start3A_135 = arith.constant 0 : i32
      %dma_start3A_136 = tpu.memref_slice %arg4[%add3A_132, %dma_start3A_135] : memref<16384x256xf32, #tpu.memory_space<hbm>> -> memref<64x256xf32, #tpu.memory_space<hbm>>
      tpu.enqueue_dma source(%arg11 : memref<64x256xf32, #tpu.memory_space<vmem>>) target(%dma_start3A_136 : memref<64x256xf32, #tpu.memory_space<hbm>>) target_semaphore(%arg17 : memref<!tpu.dma_semaphore, #tpu.memory_space<semaphore_mem>>)
      %mul3A_137 = arith.constant 4 : i32
      %mul3A_138 = arith.muli %scan3A_74, %mul3A_137 : i32
      %add3A_139 = arith.constant 2 : i32
      %add3A_140 = arith.addi %mul3A_138, %add3A_139 : i32
      %mul3A_141 = arith.constant 64 : i32
      %mul3A_142 = arith.muli %add3A_140, %mul3A_141 : i32
      %add3A_143 = arith.addi %mul3A_2, %mul3A_142 : i32
      %dma_wait3A_144 = arith.constant 0 : i32
      %dma_wait3A_145 = tpu.memref_slice %arg2[%add3A_143, %dma_wait3A_144] : memref<16384x256xf32, #tpu.memory_space<hbm>> -> memref<64x256xf32, #tpu.memory_space<hbm>>
      %dma_wait3A_146 = arith.constant 0 : i32
      %dma_wait3A_147 = tpu.memref_slice %arg2[%add3A_143, %dma_wait3A_146] : memref<16384x256xf32, #tpu.memory_space<hbm>> -> memref<64x256xf32, #tpu.memory_space<hbm>>
      tpu.wait_dma2 semaphore(%arg14 : memref<!tpu.dma_semaphore, #tpu.memory_space<semaphore_mem>>) src(%dma_wait3A_147 : memref<64x256xf32, #tpu.memory_space<hbm>>) dst(%arg8 : memref<64x256xf32, #tpu.memory_space<vmem>>)
      %ge3A_148 = arith.constant 2 : i32
      %ge3A_149 = arith.cmpi sge, %add3A_140, %ge3A_148 : i32
      %convert_element_type3A_150 = arith.extui %ge3A_149 : i1 to i32
      %cond3A_151 = arith.constant 0 : i32
      %cond3A_152 = arith.cmpi ne, %convert_element_type3A_150, %cond3A_151 : i32
      scf.if %cond3A_152 {
        %sub3A = arith.constant 2 : i32
        %sub3A_204 = arith.subi %add3A_140, %sub3A : i32
        %mul3A_205 = arith.constant 64 : i32
        %mul3A_206 = arith.muli %sub3A_204, %mul3A_205 : i32
        %add3A_207 = arith.addi %mul3A_2, %mul3A_206 : i32
        %dma_wait3A_208 = arith.constant 0 : i32
        %dma_wait3A_209 = tpu.memref_slice %arg4[%add3A_207, %dma_wait3A_208] : memref<16384x256xf32, #tpu.memory_space<hbm>> -> memref<64x256xf32, #tpu.memory_space<hbm>>
        %dma_wait3A_210 = arith.constant 0 : i32
        %dma_wait3A_211 = tpu.memref_slice %arg4[%add3A_207, %dma_wait3A_210] : memref<16384x256xf32, #tpu.memory_space<hbm>> -> memref<64x256xf32, #tpu.memory_space<hbm>>
        tpu.wait_dma2 semaphore(%arg16 : memref<!tpu.dma_semaphore, #tpu.memory_space<semaphore_mem>>) src(%arg10 : memref<64x256xf32, #tpu.memory_space<vmem>>) dst(%dma_wait3A_211 : memref<64x256xf32, #tpu.memory_space<hbm>>)
      } else {
      }
      %parallel_loop3A_153 = arith.constant 0 : i32
      %parallel_loop3A_154 = arith.constant 64 : i32
      %parallel_loop3A_155 = arith.constant 1 : i32
      scf.for %parallel_loop3A_204 = %parallel_loop3A_153 to %parallel_loop3A_154 step %parallel_loop3A_155  : i32 {
        %parallel_loop3A_205 = vector.broadcast %parallel_loop3A_204 : i32 to vector<16xi32>
        %parallel_loop3A_206 = tpu.vector_load_idx %arg8[%parallel_loop3A_205, %get3A_3] : memref<64x256xf32, #tpu.memory_space<vmem>>[vector<16xi32>, vector<16xi32>], vector<16xf32>,
        %parallel_loop3A_207 = arith.index_cast %parallel_loop3A_204 : i32 to index
        %parallel_loop3A_208 = arith.constant 0 : index
        %parallel_loop3A_209 = tpu.vector_load %arg10[%parallel_loop3A_207, %parallel_loop3A_208] {strides = array<i32>} : memref<64x256xf32, #tpu.memory_space<vmem>>, vector<16xf32>,
        tpu.vector_store %arg10[%parallel_loop3A_207, %parallel_loop3A_208], %parallel_loop3A_206 {strides = array<i32>} : memref<64x256xf32, #tpu.memory_space<vmem>>, vector<16xf32>,
        %parallel_loop3A_210 = tpu.vector_load_idx %arg8[%parallel_loop3A_205, %get3A_5] : memref<64x256xf32, #tpu.memory_space<vmem>>[vector<16xi32>, vector<16xi32>], vector<16xf32>,
        %parallel_loop3A_211 = arith.index_cast %parallel_loop3A_204 : i32 to index
        %parallel_loop3A_212 = arith.constant 16 : index
        %parallel_loop3A_213 = tpu.vector_load %arg10[%parallel_loop3A_211, %parallel_loop3A_212] {strides = array<i32>} : memref<64x256xf32, #tpu.memory_space<vmem>>, vector<16xf32>,
        tpu.vector_store %arg10[%parallel_loop3A_211, %parallel_loop3A_212], %parallel_loop3A_210 {strides = array<i32>} : memref<64x256xf32, #tpu.memory_space<vmem>>, vector<16xf32>,
        %parallel_loop3A_214 = tpu.vector_load_idx %arg8[%parallel_loop3A_205, %get3A_7] : memref<64x256xf32, #tpu.memory_space<vmem>>[vector<16xi32>, vector<16xi32>], vector<16xf32>,
        %parallel_loop3A_215 = arith.index_cast %parallel_loop3A_204 : i32 to index
        %parallel_loop3A_216 = arith.constant 32 : index
        %parallel_loop3A_217 = tpu.vector_load %arg10[%parallel_loop3A_215, %parallel_loop3A_216] {strides = array<i32>} : memref<64x256xf32, #tpu.memory_space<vmem>>, vector<16xf32>,
        tpu.vector_store %arg10[%parallel_loop3A_215, %parallel_loop3A_216], %parallel_loop3A_214 {strides = array<i32>} : memref<64x256xf32, #tpu.memory_space<vmem>>, vector<16xf32>,
        %parallel_loop3A_218 = tpu.vector_load_idx %arg8[%parallel_loop3A_205, %get3A_9] : memref<64x256xf32, #tpu.memory_space<vmem>>[vector<16xi32>, vector<16xi32>], vector<16xf32>,
        %parallel_loop3A_219 = arith.index_cast %parallel_loop3A_204 : i32 to index
        %parallel_loop3A_220 = arith.constant 48 : index
        %parallel_loop3A_221 = tpu.vector_load %arg10[%parallel_loop3A_219, %parallel_loop3A_220] {strides = array<i32>} : memref<64x256xf32, #tpu.memory_space<vmem>>, vector<16xf32>,
        tpu.vector_store %arg10[%parallel_loop3A_219, %parallel_loop3A_220], %parallel_loop3A_218 {strides = array<i32>} : memref<64x256xf32, #tpu.memory_space<vmem>>, vector<16xf32>,
        %parallel_loop3A_222 = tpu.vector_load_idx %arg8[%parallel_loop3A_205, %get3A_11] : memref<64x256xf32, #tpu.memory_space<vmem>>[vector<16xi32>, vector<16xi32>], vector<16xf32>,
        %parallel_loop3A_223 = arith.index_cast %parallel_loop3A_204 : i32 to index
        %parallel_loop3A_224 = arith.constant 64 : index
        %parallel_loop3A_225 = tpu.vector_load %arg10[%parallel_loop3A_223, %parallel_loop3A_224] {strides = array<i32>} : memref<64x256xf32, #tpu.memory_space<vmem>>, vector<16xf32>,
        tpu.vector_store %arg10[%parallel_loop3A_223, %parallel_loop3A_224], %parallel_loop3A_222 {strides = array<i32>} : memref<64x256xf32, #tpu.memory_space<vmem>>, vector<16xf32>,
        %parallel_loop3A_226 = tpu.vector_load_idx %arg8[%parallel_loop3A_205, %get3A_13] : memref<64x256xf32, #tpu.memory_space<vmem>>[vector<16xi32>, vector<16xi32>], vector<16xf32>,
        %parallel_loop3A_227 = arith.index_cast %parallel_loop3A_204 : i32 to index
        %parallel_loop3A_228 = arith.constant 80 : index
        %parallel_loop3A_229 = tpu.vector_load %arg10[%parallel_loop3A_227, %parallel_loop3A_228] {strides = array<i32>} : memref<64x256xf32, #tpu.memory_space<vmem>>, vector<16xf32>,
        tpu.vector_store %arg10[%parallel_loop3A_227, %parallel_loop3A_228], %parallel_loop3A_226 {strides = array<i32>} : memref<64x256xf32, #tpu.memory_space<vmem>>, vector<16xf32>,
        %parallel_loop3A_230 = tpu.vector_load_idx %arg8[%parallel_loop3A_205, %get3A_15] : memref<64x256xf32, #tpu.memory_space<vmem>>[vector<16xi32>, vector<16xi32>], vector<16xf32>,
        %parallel_loop3A_231 = arith.index_cast %parallel_loop3A_204 : i32 to index
        %parallel_loop3A_232 = arith.constant 96 : index
        %parallel_loop3A_233 = tpu.vector_load %arg10[%parallel_loop3A_231, %parallel_loop3A_232] {strides = array<i32>} : memref<64x256xf32, #tpu.memory_space<vmem>>, vector<16xf32>,
        tpu.vector_store %arg10[%parallel_loop3A_231, %parallel_loop3A_232], %parallel_loop3A_230 {strides = array<i32>} : memref<64x256xf32, #tpu.memory_space<vmem>>, vector<16xf32>,
        %parallel_loop3A_234 = tpu.vector_load_idx %arg8[%parallel_loop3A_205, %get3A_17] : memref<64x256xf32, #tpu.memory_space<vmem>>[vector<16xi32>, vector<16xi32>], vector<16xf32>,
        %parallel_loop3A_235 = arith.index_cast %parallel_loop3A_204 : i32 to index
        %parallel_loop3A_236 = arith.constant 112 : index
        %parallel_loop3A_237 = tpu.vector_load %arg10[%parallel_loop3A_235, %parallel_loop3A_236] {strides = array<i32>} : memref<64x256xf32, #tpu.memory_space<vmem>>, vector<16xf32>,
        tpu.vector_store %arg10[%parallel_loop3A_235, %parallel_loop3A_236], %parallel_loop3A_234 {strides = array<i32>} : memref<64x256xf32, #tpu.memory_space<vmem>>, vector<16xf32>,
        %parallel_loop3A_238 = tpu.vector_load_idx %arg8[%parallel_loop3A_205, %get3A_19] : memref<64x256xf32, #tpu.memory_space<vmem>>[vector<16xi32>, vector<16xi32>], vector<16xf32>,
        %parallel_loop3A_239 = arith.index_cast %parallel_loop3A_204 : i32 to index
        %parallel_loop3A_240 = arith.constant 128 : index
        %parallel_loop3A_241 = tpu.vector_load %arg10[%parallel_loop3A_239, %parallel_loop3A_240] {strides = array<i32>} : memref<64x256xf32, #tpu.memory_space<vmem>>, vector<16xf32>,
        tpu.vector_store %arg10[%parallel_loop3A_239, %parallel_loop3A_240], %parallel_loop3A_238 {strides = array<i32>} : memref<64x256xf32, #tpu.memory_space<vmem>>, vector<16xf32>,
        %parallel_loop3A_242 = tpu.vector_load_idx %arg8[%parallel_loop3A_205, %get3A_21] : memref<64x256xf32, #tpu.memory_space<vmem>>[vector<16xi32>, vector<16xi32>], vector<16xf32>,
        %parallel_loop3A_243 = arith.index_cast %parallel_loop3A_204 : i32 to index
        %parallel_loop3A_244 = arith.constant 144 : index
        %parallel_loop3A_245 = tpu.vector_load %arg10[%parallel_loop3A_243, %parallel_loop3A_244] {strides = array<i32>} : memref<64x256xf32, #tpu.memory_space<vmem>>, vector<16xf32>,
        tpu.vector_store %arg10[%parallel_loop3A_243, %parallel_loop3A_244], %parallel_loop3A_242 {strides = array<i32>} : memref<64x256xf32, #tpu.memory_space<vmem>>, vector<16xf32>,
        %parallel_loop3A_246 = tpu.vector_load_idx %arg8[%parallel_loop3A_205, %get3A_23] : memref<64x256xf32, #tpu.memory_space<vmem>>[vector<16xi32>, vector<16xi32>], vector<16xf32>,
        %parallel_loop3A_247 = arith.index_cast %parallel_loop3A_204 : i32 to index
        %parallel_loop3A_248 = arith.constant 160 : index
        %parallel_loop3A_249 = tpu.vector_load %arg10[%parallel_loop3A_247, %parallel_loop3A_248] {strides = array<i32>} : memref<64x256xf32, #tpu.memory_space<vmem>>, vector<16xf32>,
        tpu.vector_store %arg10[%parallel_loop3A_247, %parallel_loop3A_248], %parallel_loop3A_246 {strides = array<i32>} : memref<64x256xf32, #tpu.memory_space<vmem>>, vector<16xf32>,
        %parallel_loop3A_250 = tpu.vector_load_idx %arg8[%parallel_loop3A_205, %get3A_25] : memref<64x256xf32, #tpu.memory_space<vmem>>[vector<16xi32>, vector<16xi32>], vector<16xf32>,
        %parallel_loop3A_251 = arith.index_cast %parallel_loop3A_204 : i32 to index
        %parallel_loop3A_252 = arith.constant 176 : index
        %parallel_loop3A_253 = tpu.vector_load %arg10[%parallel_loop3A_251, %parallel_loop3A_252] {strides = array<i32>} : memref<64x256xf32, #tpu.memory_space<vmem>>, vector<16xf32>,
        tpu.vector_store %arg10[%parallel_loop3A_251, %parallel_loop3A_252], %parallel_loop3A_250 {strides = array<i32>} : memref<64x256xf32, #tpu.memory_space<vmem>>, vector<16xf32>,
        %parallel_loop3A_254 = tpu.vector_load_idx %arg8[%parallel_loop3A_205, %get3A_27] : memref<64x256xf32, #tpu.memory_space<vmem>>[vector<16xi32>, vector<16xi32>], vector<16xf32>,
        %parallel_loop3A_255 = arith.index_cast %parallel_loop3A_204 : i32 to index
        %parallel_loop3A_256 = arith.constant 192 : index
        %parallel_loop3A_257 = tpu.vector_load %arg10[%parallel_loop3A_255, %parallel_loop3A_256] {strides = array<i32>} : memref<64x256xf32, #tpu.memory_space<vmem>>, vector<16xf32>,
        tpu.vector_store %arg10[%parallel_loop3A_255, %parallel_loop3A_256], %parallel_loop3A_254 {strides = array<i32>} : memref<64x256xf32, #tpu.memory_space<vmem>>, vector<16xf32>,
        %parallel_loop3A_258 = tpu.vector_load_idx %arg8[%parallel_loop3A_205, %get3A_29] : memref<64x256xf32, #tpu.memory_space<vmem>>[vector<16xi32>, vector<16xi32>], vector<16xf32>,
        %parallel_loop3A_259 = arith.index_cast %parallel_loop3A_204 : i32 to index
        %parallel_loop3A_260 = arith.constant 208 : index
        %parallel_loop3A_261 = tpu.vector_load %arg10[%parallel_loop3A_259, %parallel_loop3A_260] {strides = array<i32>} : memref<64x256xf32, #tpu.memory_space<vmem>>, vector<16xf32>,
        tpu.vector_store %arg10[%parallel_loop3A_259, %parallel_loop3A_260], %parallel_loop3A_258 {strides = array<i32>} : memref<64x256xf32, #tpu.memory_space<vmem>>, vector<16xf32>,
        %parallel_loop3A_262 = tpu.vector_load_idx %arg8[%parallel_loop3A_205, %get3A_31] : memref<64x256xf32, #tpu.memory_space<vmem>>[vector<16xi32>, vector<16xi32>], vector<16xf32>,
        %parallel_loop3A_263 = arith.index_cast %parallel_loop3A_204 : i32 to index
        %parallel_loop3A_264 = arith.constant 224 : index
        %parallel_loop3A_265 = tpu.vector_load %arg10[%parallel_loop3A_263, %parallel_loop3A_264] {strides = array<i32>} : memref<64x256xf32, #tpu.memory_space<vmem>>, vector<16xf32>,
        tpu.vector_store %arg10[%parallel_loop3A_263, %parallel_loop3A_264], %parallel_loop3A_262 {strides = array<i32>} : memref<64x256xf32, #tpu.memory_space<vmem>>, vector<16xf32>,
        %parallel_loop3A_266 = tpu.vector_load_idx %arg8[%parallel_loop3A_205, %get3A_33] : memref<64x256xf32, #tpu.memory_space<vmem>>[vector<16xi32>, vector<16xi32>], vector<16xf32>,
        %parallel_loop3A_267 = arith.index_cast %parallel_loop3A_204 : i32 to index
        %parallel_loop3A_268 = arith.constant 240 : index
        %parallel_loop3A_269 = tpu.vector_load %arg10[%parallel_loop3A_267, %parallel_loop3A_268] {strides = array<i32>} : memref<64x256xf32, #tpu.memory_space<vmem>>, vector<16xf32>,
        tpu.vector_store %arg10[%parallel_loop3A_267, %parallel_loop3A_268], %parallel_loop3A_266 {strides = array<i32>} : memref<64x256xf32, #tpu.memory_space<vmem>>, vector<16xf32>,
      } {sc.loop_unroll_factor = 2 : i64, sc.parallel_access}
      %add3A_156 = arith.constant 4 : i32
      %add3A_157 = arith.addi %add3A_140, %add3A_156 : i32
      %lt3A_158 = arith.constant 8 : i32
      %lt3A_159 = arith.cmpi slt, %add3A_157, %lt3A_158 : i32
      %convert_element_type3A_160 = arith.extui %lt3A_159 : i1 to i32
      %cond3A_161 = arith.constant 0 : i32
      %cond3A_162 = arith.cmpi ne, %convert_element_type3A_160, %cond3A_161 : i32
      scf.if %cond3A_162 {
        %add3A_204 = arith.constant 4 : i32
        %add3A_205 = arith.addi %add3A_140, %add3A_204 : i32
        %mul3A_206 = arith.constant 64 : i32
        %mul3A_207 = arith.muli %add3A_205, %mul3A_206 : i32
        %add3A_208 = arith.addi %mul3A_2, %mul3A_207 : i32
        %dma_start3A_209 = arith.constant 0 : i32
        %dma_start3A_210 = tpu.memref_slice %arg2[%add3A_208, %dma_start3A_209] : memref<16384x256xf32, #tpu.memory_space<hbm>> -> memref<64x256xf32, #tpu.memory_space<hbm>>
        %dma_start3A_211 = arith.constant 0 : i32
        %dma_start3A_212 = tpu.memref_slice %arg2[%add3A_208, %dma_start3A_211] : memref<16384x256xf32, #tpu.memory_space<hbm>> -> memref<64x256xf32, #tpu.memory_space<hbm>>
        tpu.enqueue_dma source(%dma_start3A_212 : memref<64x256xf32, #tpu.memory_space<hbm>>) target(%arg8 : memref<64x256xf32, #tpu.memory_space<vmem>>) target_semaphore(%arg14 : memref<!tpu.dma_semaphore, #tpu.memory_space<semaphore_mem>>)
      } else {
      }
      %mul3A_163 = arith.constant 64 : i32
      %mul3A_164 = arith.muli %add3A_140, %mul3A_163 : i32
      %add3A_165 = arith.addi %mul3A_2, %mul3A_164 : i32
      %dma_start3A_166 = arith.constant 0 : i32
      %dma_start3A_167 = tpu.memref_slice %arg4[%add3A_165, %dma_start3A_166] : memref<16384x256xf32, #tpu.memory_space<hbm>> -> memref<64x256xf32, #tpu.memory_space<hbm>>
      %dma_start3A_168 = arith.constant 0 : i32
      %dma_start3A_169 = tpu.memref_slice %arg4[%add3A_165, %dma_start3A_168] : memref<16384x256xf32, #tpu.memory_space<hbm>> -> memref<64x256xf32, #tpu.memory_space<hbm>>
      tpu.enqueue_dma source(%arg10 : memref<64x256xf32, #tpu.memory_space<vmem>>) target(%dma_start3A_169 : memref<64x256xf32, #tpu.memory_space<hbm>>) target_semaphore(%arg16 : memref<!tpu.dma_semaphore, #tpu.memory_space<semaphore_mem>>)
      %mul3A_170 = arith.constant 4 : i32
      %mul3A_171 = arith.muli %scan3A_74, %mul3A_170 : i32
      %add3A_172 = arith.constant 3 : i32
      %add3A_173 = arith.addi %mul3A_171, %add3A_172 : i32
      %mul3A_174 = arith.constant 64 : i32
      %mul3A_175 = arith.muli %add3A_173, %mul3A_174 : i32
      %add3A_176 = arith.addi %mul3A_2, %mul3A_175 : i32
      %dma_wait3A_177 = arith.constant 0 : i32
      %dma_wait3A_178 = tpu.memref_slice %arg2[%add3A_176, %dma_wait3A_177] : memref<16384x256xf32, #tpu.memory_space<hbm>> -> memref<64x256xf32, #tpu.memory_space<hbm>>
      %dma_wait3A_179 = arith.constant 0 : i32
      %dma_wait3A_180 = tpu.memref_slice %arg2[%add3A_176, %dma_wait3A_179] : memref<16384x256xf32, #tpu.memory_space<hbm>> -> memref<64x256xf32, #tpu.memory_space<hbm>>
      tpu.wait_dma2 semaphore(%arg15 : memref<!tpu.dma_semaphore, #tpu.memory_space<semaphore_mem>>) src(%dma_wait3A_180 : memref<64x256xf32, #tpu.memory_space<hbm>>) dst(%arg9 : memref<64x256xf32, #tpu.memory_space<vmem>>)
      %ge3A_181 = arith.constant 2 : i32
      %ge3A_182 = arith.cmpi sge, %add3A_173, %ge3A_181 : i32
      %convert_element_type3A_183 = arith.extui %ge3A_182 : i1 to i32
      %cond3A_184 = arith.constant 0 : i32
      %cond3A_185 = arith.cmpi ne, %convert_element_type3A_183, %cond3A_184 : i32
      scf.if %cond3A_185 {
        %sub3A = arith.constant 2 : i32
        %sub3A_204 = arith.subi %add3A_173, %sub3A : i32
        %mul3A_205 = arith.constant 64 : i32
        %mul3A_206 = arith.muli %sub3A_204, %mul3A_205 : i32
        %add3A_207 = arith.addi %mul3A_2, %mul3A_206 : i32
        %dma_wait3A_208 = arith.constant 0 : i32
        %dma_wait3A_209 = tpu.memref_slice %arg4[%add3A_207, %dma_wait3A_208] : memref<16384x256xf32, #tpu.memory_space<hbm>> -> memref<64x256xf32, #tpu.memory_space<hbm>>
        %dma_wait3A_210 = arith.constant 0 : i32
        %dma_wait3A_211 = tpu.memref_slice %arg4[%add3A_207, %dma_wait3A_210] : memref<16384x256xf32, #tpu.memory_space<hbm>> -> memref<64x256xf32, #tpu.memory_space<hbm>>
        tpu.wait_dma2 semaphore(%arg17 : memref<!tpu.dma_semaphore, #tpu.memory_space<semaphore_mem>>) src(%arg11 : memref<64x256xf32, #tpu.memory_space<vmem>>) dst(%dma_wait3A_211 : memref<64x256xf32, #tpu.memory_space<hbm>>)
      } else {
      }
      %parallel_loop3A_186 = arith.constant 0 : i32
      %parallel_loop3A_187 = arith.constant 64 : i32
      %parallel_loop3A_188 = arith.constant 1 : i32
      scf.for %parallel_loop3A_204 = %parallel_loop3A_186 to %parallel_loop3A_187 step %parallel_loop3A_188  : i32 {
        %parallel_loop3A_205 = vector.broadcast %parallel_loop3A_204 : i32 to vector<16xi32>
        %parallel_loop3A_206 = tpu.vector_load_idx %arg9[%parallel_loop3A_205, %get3A_3] : memref<64x256xf32, #tpu.memory_space<vmem>>[vector<16xi32>, vector<16xi32>], vector<16xf32>,
        %parallel_loop3A_207 = arith.index_cast %parallel_loop3A_204 : i32 to index
        %parallel_loop3A_208 = arith.constant 0 : index
        %parallel_loop3A_209 = tpu.vector_load %arg11[%parallel_loop3A_207, %parallel_loop3A_208] {strides = array<i32>} : memref<64x256xf32, #tpu.memory_space<vmem>>, vector<16xf32>,
        tpu.vector_store %arg11[%parallel_loop3A_207, %parallel_loop3A_208], %parallel_loop3A_206 {strides = array<i32>} : memref<64x256xf32, #tpu.memory_space<vmem>>, vector<16xf32>,
        %parallel_loop3A_210 = tpu.vector_load_idx %arg9[%parallel_loop3A_205, %get3A_5] : memref<64x256xf32, #tpu.memory_space<vmem>>[vector<16xi32>, vector<16xi32>], vector<16xf32>,
        %parallel_loop3A_211 = arith.index_cast %parallel_loop3A_204 : i32 to index
        %parallel_loop3A_212 = arith.constant 16 : index
        %parallel_loop3A_213 = tpu.vector_load %arg11[%parallel_loop3A_211, %parallel_loop3A_212] {strides = array<i32>} : memref<64x256xf32, #tpu.memory_space<vmem>>, vector<16xf32>,
        tpu.vector_store %arg11[%parallel_loop3A_211, %parallel_loop3A_212], %parallel_loop3A_210 {strides = array<i32>} : memref<64x256xf32, #tpu.memory_space<vmem>>, vector<16xf32>,
        %parallel_loop3A_214 = tpu.vector_load_idx %arg9[%parallel_loop3A_205, %get3A_7] : memref<64x256xf32, #tpu.memory_space<vmem>>[vector<16xi32>, vector<16xi32>], vector<16xf32>,
        %parallel_loop3A_215 = arith.index_cast %parallel_loop3A_204 : i32 to index
        %parallel_loop3A_216 = arith.constant 32 : index
        %parallel_loop3A_217 = tpu.vector_load %arg11[%parallel_loop3A_215, %parallel_loop3A_216] {strides = array<i32>} : memref<64x256xf32, #tpu.memory_space<vmem>>, vector<16xf32>,
        tpu.vector_store %arg11[%parallel_loop3A_215, %parallel_loop3A_216], %parallel_loop3A_214 {strides = array<i32>} : memref<64x256xf32, #tpu.memory_space<vmem>>, vector<16xf32>,
        %parallel_loop3A_218 = tpu.vector_load_idx %arg9[%parallel_loop3A_205, %get3A_9] : memref<64x256xf32, #tpu.memory_space<vmem>>[vector<16xi32>, vector<16xi32>], vector<16xf32>,
        %parallel_loop3A_219 = arith.index_cast %parallel_loop3A_204 : i32 to index
        %parallel_loop3A_220 = arith.constant 48 : index
        %parallel_loop3A_221 = tpu.vector_load %arg11[%parallel_loop3A_219, %parallel_loop3A_220] {strides = array<i32>} : memref<64x256xf32, #tpu.memory_space<vmem>>, vector<16xf32>,
        tpu.vector_store %arg11[%parallel_loop3A_219, %parallel_loop3A_220], %parallel_loop3A_218 {strides = array<i32>} : memref<64x256xf32, #tpu.memory_space<vmem>>, vector<16xf32>,
        %parallel_loop3A_222 = tpu.vector_load_idx %arg9[%parallel_loop3A_205, %get3A_11] : memref<64x256xf32, #tpu.memory_space<vmem>>[vector<16xi32>, vector<16xi32>], vector<16xf32>,
        %parallel_loop3A_223 = arith.index_cast %parallel_loop3A_204 : i32 to index
        %parallel_loop3A_224 = arith.constant 64 : index
        %parallel_loop3A_225 = tpu.vector_load %arg11[%parallel_loop3A_223, %parallel_loop3A_224] {strides = array<i32>} : memref<64x256xf32, #tpu.memory_space<vmem>>, vector<16xf32>,
        tpu.vector_store %arg11[%parallel_loop3A_223, %parallel_loop3A_224], %parallel_loop3A_222 {strides = array<i32>} : memref<64x256xf32, #tpu.memory_space<vmem>>, vector<16xf32>,
        %parallel_loop3A_226 = tpu.vector_load_idx %arg9[%parallel_loop3A_205, %get3A_13] : memref<64x256xf32, #tpu.memory_space<vmem>>[vector<16xi32>, vector<16xi32>], vector<16xf32>,
        %parallel_loop3A_227 = arith.index_cast %parallel_loop3A_204 : i32 to index
        %parallel_loop3A_228 = arith.constant 80 : index
        %parallel_loop3A_229 = tpu.vector_load %arg11[%parallel_loop3A_227, %parallel_loop3A_228] {strides = array<i32>} : memref<64x256xf32, #tpu.memory_space<vmem>>, vector<16xf32>,
        tpu.vector_store %arg11[%parallel_loop3A_227, %parallel_loop3A_228], %parallel_loop3A_226 {strides = array<i32>} : memref<64x256xf32, #tpu.memory_space<vmem>>, vector<16xf32>,
        %parallel_loop3A_230 = tpu.vector_load_idx %arg9[%parallel_loop3A_205, %get3A_15] : memref<64x256xf32, #tpu.memory_space<vmem>>[vector<16xi32>, vector<16xi32>], vector<16xf32>,
        %parallel_loop3A_231 = arith.index_cast %parallel_loop3A_204 : i32 to index
        %parallel_loop3A_232 = arith.constant 96 : index
        %parallel_loop3A_233 = tpu.vector_load %arg11[%parallel_loop3A_231, %parallel_loop3A_232] {strides = array<i32>} : memref<64x256xf32, #tpu.memory_space<vmem>>, vector<16xf32>,
        tpu.vector_store %arg11[%parallel_loop3A_231, %parallel_loop3A_232], %parallel_loop3A_230 {strides = array<i32>} : memref<64x256xf32, #tpu.memory_space<vmem>>, vector<16xf32>,
        %parallel_loop3A_234 = tpu.vector_load_idx %arg9[%parallel_loop3A_205, %get3A_17] : memref<64x256xf32, #tpu.memory_space<vmem>>[vector<16xi32>, vector<16xi32>], vector<16xf32>,
        %parallel_loop3A_235 = arith.index_cast %parallel_loop3A_204 : i32 to index
        %parallel_loop3A_236 = arith.constant 112 : index
        %parallel_loop3A_237 = tpu.vector_load %arg11[%parallel_loop3A_235, %parallel_loop3A_236] {strides = array<i32>} : memref<64x256xf32, #tpu.memory_space<vmem>>, vector<16xf32>,
        tpu.vector_store %arg11[%parallel_loop3A_235, %parallel_loop3A_236], %parallel_loop3A_234 {strides = array<i32>} : memref<64x256xf32, #tpu.memory_space<vmem>>, vector<16xf32>,
        %parallel_loop3A_238 = tpu.vector_load_idx %arg9[%parallel_loop3A_205, %get3A_19] : memref<64x256xf32, #tpu.memory_space<vmem>>[vector<16xi32>, vector<16xi32>], vector<16xf32>,
        %parallel_loop3A_239 = arith.index_cast %parallel_loop3A_204 : i32 to index
        %parallel_loop3A_240 = arith.constant 128 : index
        %parallel_loop3A_241 = tpu.vector_load %arg11[%parallel_loop3A_239, %parallel_loop3A_240] {strides = array<i32>} : memref<64x256xf32, #tpu.memory_space<vmem>>, vector<16xf32>,
        tpu.vector_store %arg11[%parallel_loop3A_239, %parallel_loop3A_240], %parallel_loop3A_238 {strides = array<i32>} : memref<64x256xf32, #tpu.memory_space<vmem>>, vector<16xf32>,
        %parallel_loop3A_242 = tpu.vector_load_idx %arg9[%parallel_loop3A_205, %get3A_21] : memref<64x256xf32, #tpu.memory_space<vmem>>[vector<16xi32>, vector<16xi32>], vector<16xf32>,
        %parallel_loop3A_243 = arith.index_cast %parallel_loop3A_204 : i32 to index
        %parallel_loop3A_244 = arith.constant 144 : index
        %parallel_loop3A_245 = tpu.vector_load %arg11[%parallel_loop3A_243, %parallel_loop3A_244] {strides = array<i32>} : memref<64x256xf32, #tpu.memory_space<vmem>>, vector<16xf32>,
        tpu.vector_store %arg11[%parallel_loop3A_243, %parallel_loop3A_244], %parallel_loop3A_242 {strides = array<i32>} : memref<64x256xf32, #tpu.memory_space<vmem>>, vector<16xf32>,
        %parallel_loop3A_246 = tpu.vector_load_idx %arg9[%parallel_loop3A_205, %get3A_23] : memref<64x256xf32, #tpu.memory_space<vmem>>[vector<16xi32>, vector<16xi32>], vector<16xf32>,
        %parallel_loop3A_247 = arith.index_cast %parallel_loop3A_204 : i32 to index
        %parallel_loop3A_248 = arith.constant 160 : index
        %parallel_loop3A_249 = tpu.vector_load %arg11[%parallel_loop3A_247, %parallel_loop3A_248] {strides = array<i32>} : memref<64x256xf32, #tpu.memory_space<vmem>>, vector<16xf32>,
        tpu.vector_store %arg11[%parallel_loop3A_247, %parallel_loop3A_248], %parallel_loop3A_246 {strides = array<i32>} : memref<64x256xf32, #tpu.memory_space<vmem>>, vector<16xf32>,
        %parallel_loop3A_250 = tpu.vector_load_idx %arg9[%parallel_loop3A_205, %get3A_25] : memref<64x256xf32, #tpu.memory_space<vmem>>[vector<16xi32>, vector<16xi32>], vector<16xf32>,
        %parallel_loop3A_251 = arith.index_cast %parallel_loop3A_204 : i32 to index
        %parallel_loop3A_252 = arith.constant 176 : index
        %parallel_loop3A_253 = tpu.vector_load %arg11[%parallel_loop3A_251, %parallel_loop3A_252] {strides = array<i32>} : memref<64x256xf32, #tpu.memory_space<vmem>>, vector<16xf32>,
        tpu.vector_store %arg11[%parallel_loop3A_251, %parallel_loop3A_252], %parallel_loop3A_250 {strides = array<i32>} : memref<64x256xf32, #tpu.memory_space<vmem>>, vector<16xf32>,
        %parallel_loop3A_254 = tpu.vector_load_idx %arg9[%parallel_loop3A_205, %get3A_27] : memref<64x256xf32, #tpu.memory_space<vmem>>[vector<16xi32>, vector<16xi32>], vector<16xf32>,
        %parallel_loop3A_255 = arith.index_cast %parallel_loop3A_204 : i32 to index
        %parallel_loop3A_256 = arith.constant 192 : index
        %parallel_loop3A_257 = tpu.vector_load %arg11[%parallel_loop3A_255, %parallel_loop3A_256] {strides = array<i32>} : memref<64x256xf32, #tpu.memory_space<vmem>>, vector<16xf32>,
        tpu.vector_store %arg11[%parallel_loop3A_255, %parallel_loop3A_256], %parallel_loop3A_254 {strides = array<i32>} : memref<64x256xf32, #tpu.memory_space<vmem>>, vector<16xf32>,
        %parallel_loop3A_258 = tpu.vector_load_idx %arg9[%parallel_loop3A_205, %get3A_29] : memref<64x256xf32, #tpu.memory_space<vmem>>[vector<16xi32>, vector<16xi32>], vector<16xf32>,
        %parallel_loop3A_259 = arith.index_cast %parallel_loop3A_204 : i32 to index
        %parallel_loop3A_260 = arith.constant 208 : index
        %parallel_loop3A_261 = tpu.vector_load %arg11[%parallel_loop3A_259, %parallel_loop3A_260] {strides = array<i32>} : memref<64x256xf32, #tpu.memory_space<vmem>>, vector<16xf32>,
        tpu.vector_store %arg11[%parallel_loop3A_259, %parallel_loop3A_260], %parallel_loop3A_258 {strides = array<i32>} : memref<64x256xf32, #tpu.memory_space<vmem>>, vector<16xf32>,
        %parallel_loop3A_262 = tpu.vector_load_idx %arg9[%parallel_loop3A_205, %get3A_31] : memref<64x256xf32, #tpu.memory_space<vmem>>[vector<16xi32>, vector<16xi32>], vector<16xf32>,
        %parallel_loop3A_263 = arith.index_cast %parallel_loop3A_204 : i32 to index
        %parallel_loop3A_264 = arith.constant 224 : index
        %parallel_loop3A_265 = tpu.vector_load %arg11[%parallel_loop3A_263, %parallel_loop3A_264] {strides = array<i32>} : memref<64x256xf32, #tpu.memory_space<vmem>>, vector<16xf32>,
        tpu.vector_store %arg11[%parallel_loop3A_263, %parallel_loop3A_264], %parallel_loop3A_262 {strides = array<i32>} : memref<64x256xf32, #tpu.memory_space<vmem>>, vector<16xf32>,
        %parallel_loop3A_266 = tpu.vector_load_idx %arg9[%parallel_loop3A_205, %get3A_33] : memref<64x256xf32, #tpu.memory_space<vmem>>[vector<16xi32>, vector<16xi32>], vector<16xf32>,
        %parallel_loop3A_267 = arith.index_cast %parallel_loop3A_204 : i32 to index
        %parallel_loop3A_268 = arith.constant 240 : index
        %parallel_loop3A_269 = tpu.vector_load %arg11[%parallel_loop3A_267, %parallel_loop3A_268] {strides = array<i32>} : memref<64x256xf32, #tpu.memory_space<vmem>>, vector<16xf32>,
        tpu.vector_store %arg11[%parallel_loop3A_267, %parallel_loop3A_268], %parallel_loop3A_266 {strides = array<i32>} : memref<64x256xf32, #tpu.memory_space<vmem>>, vector<16xf32>,
      } {sc.loop_unroll_factor = 2 : i64, sc.parallel_access}
      %add3A_189 = arith.constant 4 : i32
      %add3A_190 = arith.addi %add3A_173, %add3A_189 : i32
      %lt3A_191 = arith.constant 8 : i32
      %lt3A_192 = arith.cmpi slt, %add3A_190, %lt3A_191 : i32
      %convert_element_type3A_193 = arith.extui %lt3A_192 : i1 to i32
      %cond3A_194 = arith.constant 0 : i32
      %cond3A_195 = arith.cmpi ne, %convert_element_type3A_193, %cond3A_194 : i32
      scf.if %cond3A_195 {
        %add3A_204 = arith.constant 4 : i32
        %add3A_205 = arith.addi %add3A_173, %add3A_204 : i32
        %mul3A_206 = arith.constant 64 : i32
        %mul3A_207 = arith.muli %add3A_205, %mul3A_206 : i32
        %add3A_208 = arith.addi %mul3A_2, %mul3A_207 : i32
        %dma_start3A_209 = arith.constant 0 : i32
        %dma_start3A_210 = tpu.memref_slice %arg2[%add3A_208, %dma_start3A_209] : memref<16384x256xf32, #tpu.memory_space<hbm>> -> memref<64x256xf32, #tpu.memory_space<hbm>>
        %dma_start3A_211 = arith.constant 0 : i32
        %dma_start3A_212 = tpu.memref_slice %arg2[%add3A_208, %dma_start3A_211] : memref<16384x256xf32, #tpu.memory_space<hbm>> -> memref<64x256xf32, #tpu.memory_space<hbm>>
        tpu.enqueue_dma source(%dma_start3A_212 : memref<64x256xf32, #tpu.memory_space<hbm>>) target(%arg9 : memref<64x256xf32, #tpu.memory_space<vmem>>) target_semaphore(%arg15 : memref<!tpu.dma_semaphore, #tpu.memory_space<semaphore_mem>>)
      } else {
      }
      %mul3A_196 = arith.constant 64 : i32
      %mul3A_197 = arith.muli %add3A_173, %mul3A_196 : i32
      %add3A_198 = arith.addi %mul3A_2, %mul3A_197 : i32
      %dma_start3A_199 = arith.constant 0 : i32
      %dma_start3A_200 = tpu.memref_slice %arg4[%add3A_198, %dma_start3A_199] : memref<16384x256xf32, #tpu.memory_space<hbm>> -> memref<64x256xf32, #tpu.memory_space<hbm>>
      %dma_start3A_201 = arith.constant 0 : i32
      %dma_start3A_202 = tpu.memref_slice %arg4[%add3A_198, %dma_start3A_201] : memref<16384x256xf32, #tpu.memory_space<hbm>> -> memref<64x256xf32, #tpu.memory_space<hbm>>
      tpu.enqueue_dma source(%arg11 : memref<64x256xf32, #tpu.memory_space<vmem>>) target(%dma_start3A_202 : memref<64x256xf32, #tpu.memory_space<hbm>>) target_semaphore(%arg17 : memref<!tpu.dma_semaphore, #tpu.memory_space<semaphore_mem>>)
      %scan3A_203 = arith.constant 0 : i32
      scf.yield %scan3A_203 : i32
    }
    %scan3A_62 = arith.constant 2 : i32
    %add3A_63 = arith.constant 384 : i32
    %add3A_64 = arith.addi %mul3A_2, %add3A_63 : i32
    %dma_wait3A = arith.constant 0 : i32
    %dma_wait3A_65 = tpu.memref_slice %arg4[%add3A_64, %dma_wait3A] : memref<16384x256xf32, #tpu.memory_space<hbm>> -> memref<64x256xf32, #tpu.memory_space<hbm>>
    %dma_wait3A_66 = arith.constant 0 : i32
    %dma_wait3A_67 = tpu.memref_slice %arg4[%add3A_64, %dma_wait3A_66] : memref<16384x256xf32, #tpu.memory_space<hbm>> -> memref<64x256xf32, #tpu.memory_space<hbm>>
    tpu.wait_dma2 semaphore(%arg16 : memref<!tpu.dma_semaphore, #tpu.memory_space<semaphore_mem>>) src(%arg10 : memref<64x256xf32, #tpu.memory_space<vmem>>) dst(%dma_wait3A_67 : memref<64x256xf32, #tpu.memory_space<hbm>>)
    %add3A_68 = arith.constant 448 : i32
    %add3A_69 = arith.addi %mul3A_2, %add3A_68 : i32
    %dma_wait3A_70 = arith.constant 0 : i32
    %dma_wait3A_71 = tpu.memref_slice %arg4[%add3A_69, %dma_wait3A_70] : memref<16384x256xf32, #tpu.memory_space<hbm>> -> memref<64x256xf32, #tpu.memory_space<hbm>>
    %dma_wait3A_72 = arith.constant 0 : i32
    %dma_wait3A_73 = tpu.memref_slice %arg4[%add3A_69, %dma_wait3A_72] : memref<16384x256xf32, #tpu.memory_space<hbm>> -> memref<64x256xf32, #tpu.memory_space<hbm>>
    tpu.wait_dma2 semaphore(%arg17 : memref<!tpu.dma_semaphore, #tpu.memory_space<semaphore_mem>>) src(%arg11 : memref<64x256xf32, #tpu.memory_space<vmem>>) dst(%dma_wait3A_73 : memref<64x256xf32, #tpu.memory_space<hbm>>)
    return
  }
}

</mosaic_0001>

<sc_bundles>
// kernel: kernel.3.cloned.1.call-start
scs
__scs_entry_jumppad:
0x0: {  	(pc) =	sbr.rel $0x88, $3  }
0x1: {  	(tag) =	ssettag $0x0;
	lr =	simm.s32 $0x1  }
0x2: {  	[smem:$0x3F9F] =	sst lr;
	_ =	strace $0xD0000000  }
0x3: {  	_ = 	snop  }
0x4: {  	_ = 	snop  }
0x5: {  	_ = 	snop  }
0x6: {  	_ = 	snop  }
0x7: {  	_ = 	snop  }
__scs_overlays_trampoline_lowered:
0x8: {  	[smem:$0x3FAE] =	sst s0  }
0x9: {  	[smem:$0x3FAF] =	sst s1  }
0xa: {  	[smem:$0x3FB0] =	sst s2  }
0xb: {  	[smem:$0x3FB1] =	sst s3  }
0xc: {  	[smem:$0x3FB2] =	sst s4  }
0xd: {  	[smem:$0x3FB3] =	sst s5  }
0xe: {  	[smem:$0x3FB4] =	sst s6  }
0xf: {  	[smem:$0x3FB5] =	sst s7  }
0x10: {  	[smem:$0x3FB6] =	sst s8  }
0x11: {  	[smem:$0x3FB7] =	sst s9;
	s0 =	simm.s32 @!p0 $0x0  }
0x12: {  	s1 =	sld [smem:$0x3F9D];
	s0 =	simm.s32 @p0 $0x1  }
0x13: {  	[smem:$0x3FB8] =	sst s0;
	s0 =	simm.s32 @!p1 $0x0  }
0x14: {  	s2 =	sld [smem:$0x3F9C];
	s0 =	simm.s32 @p1 $0x1  }
0x15: {  	[smem:$0x3FB9] =	sst s0;
	s0 =	simm.s32 @!p2 $0x0  }
0x16: {  	s3 =	sld [smem:$0x3FDB];
	s0 =	simm.s32 @p2 $0x1  }
0x17: {  	s4 =	simm.s32 $0x1BF5;
	[smem:$0x3FBB] =	sst s0  }
0x18: {  	s0 =	sld [smem:$0x3F9E];
	_ =	swait.ge [sflag:s4], $0x0  }
0x19: {  	s7 =	sld [smem:$0x3F9F]  }
0x1a: {  	s8 =	sadd.s32 $0xFFFFE003, lr  }
0x1b: {  	s9 =	sadd.s32 $0xFFFFFEF7, lr;
	s5 =	simm.s32 $0xFFFFFFFF;
	p2 =	slt.u32 s8, $0xFFFFF086  }
0x1c: {  	p1 =	slt.u32 s9, $0xF7A;
	s5 =	simm.s32 @!p2 $0x0  }
0x1d: {  	s5 =	simm.s32 @p1 $0x1;
	p0 =	seq.s32 s7, s2  }
0x1e: {  	s7 =	smul.u32 @!p0 $0xF7A, s2;
	p2 =	seq.s32 @!p0 s5, $0x0  }
0x1f: {  	s9 =	smul.u32 $0xF7A, s1;
	s8 =	simm.s32 @!p0 $0x1BF5;
	p2 =	por !p2, p0  }
0x20: {  	[sflag:s8] =	ssyncset.s32 @!p0 $0xFFFFF086;
	s6 =	sadd.s32 @!p0 s3, s7;
	s7 =	simm.s32 @!p0 $0x108  }
0x21: {  	s3 =	sadd.s32 s3, s9;
	s6 =	sadd.s32 @!p0 $0x88, s6;
	s7 =	simm.s32 @p2 $0x1082  }
0x22: {  	[simem:s7], [sflag:s8] =	dma.local @!p0 [hbm:s6], $0xF7A  }
0x23: {  	s9 =	sor.u32 $0xD0000000, s2;
	s6 =	simm.s32 $0x108;
	_ =	swait.ge @!p0 [sflag:s8], $0x0  }
0x24: {  	s3 =	sadd.s32 $0x88, s3;
	s6 =	simm.s32 @!p1 $0x1082;
	[sflag:s4] =	ssyncset.s32 $0xFFFFF086  }
0x25: {  	[simem:s6], [sflag:s4] =	dma.local [hbm:s3], $0xF7A  }
0x26: {  	[smem:$0x3F9F] =	sst s1;
	(tag) =	ssettag s2;
	_ =	strace s9  }
0x27: {  	s1 =	sld [smem:$0x3FAF]  }
0x28: {  	s2 =	sld [smem:$0x3FB0]  }
0x29: {  	s4 =	sld [smem:$0x3FB2]  }
0x2a: {  	p0 =	seq.s32 s5, $0x0;
	s5 =	sld [smem:$0x3FB3]  }
0x2b: {  	s6 =	sld [smem:$0x3FB4]  }
0x2c: {  	s7 =	sld [smem:$0x3FB5]  }
0x2d: {  	s3 =	simm.s32 $0x108;
	s8 =	sld [smem:$0x3FB6]  }
0x2e: {  	s3 =	simm.s32 @!p0 $0x1082;
	s9 =	sld [smem:$0x3FB7]  }
0x2f: {  	lr =	sadd.s32 s0, s3;
	s0 =	sld [smem:$0x3FAE]  }
0x30: {  	s3 =	sld [smem:$0x3FB1]  }
0x31: {  	[smem:$0x3FBA] =	sst s10  }
0x32: {  	s10 =	sld [smem:$0x3FB8];
	_ =	sdelay $0x3  }
0x33: {  	p0 =	seq.s32 s10, $0x1;
	s10 =	sld [smem:$0x3FBA];
	_ =	sdelay $0x3  }
0x34: {  	[smem:$0x3FBA] =	sst s10  }
0x35: {  	s10 =	sld [smem:$0x3FB9];
	_ =	sdelay $0x3  }
0x36: {  	p1 =	seq.s32 s10, $0x1;
	s10 =	sld [smem:$0x3FBA];
	_ =	sdelay $0x3  }
0x37: {  	[smem:$0x3FBA] =	sst s10  }
0x38: {  	s10 =	sld [smem:$0x3FBB]  }
0x39: {  	_ = 	snop;
	(pc) =	sbr.ind lr, $3  }
0x3a: {  	_ = 	snop  }
0x3b: {  	_ = 	snop  }
0x3c: {  	p2 =	seq.s32 s10, $0x1;
	s10 =	sld [smem:$0x3FBA]  }
0x3d: {  	_ =	shalt  }
0x3e: {  	_ =	shalt  }
0x3f: {  	_ =	shalt  }
0x40: {  	_ =	shalt  }
0x41: {  	_ =	shalt  }
0x42: {  	_ =	shalt  }
0x43: {  	_ =	shalt  }
0x44: {  	_ =	shalt  }
0x45: {  	_ =	shalt  }
0x46: {  	_ =	shalt  }
0x47: {  	_ =	shalt  }
0x48: {  	_ =	shalt  }
0x49: {  	_ =	shalt  }
0x4a: {  	_ =	shalt  }
0x4b: {  	_ =	shalt  }
0x4c: {  	_ =	shalt  }
0x4d: {  	_ =	shalt  }
0x4e: {  	_ =	shalt  }
0x4f: {  	_ =	shalt  }
0x50: {  	_ =	shalt  }
0x51: {  	_ =	shalt  }
0x52: {  	_ =	shalt  }
0x53: {  	_ =	shalt  }
0x54: {  	_ =	shalt  }
0x55: {  	_ =	shalt  }
0x56: {  	_ =	shalt  }
0x57: {  	_ =	shalt  }
0x58: {  	_ =	shalt  }
0x59: {  	_ =	shalt  }
0x5a: {  	_ =	shalt  }
0x5b: {  	_ =	shalt  }
0x5c: {  	_ =	shalt  }
0x5d: {  	_ =	shalt  }
0x5e: {  	_ =	shalt  }
0x5f: {  	_ =	shalt  }
0x60: {  	_ =	shalt  }
0x61: {  	_ =	shalt  }
0x62: {  	_ =	shalt  }
0x63: {  	_ =	shalt  }
0x64: {  	_ =	shalt  }
0x65: {  	_ =	shalt  }
0x66: {  	_ =	shalt  }
0x67: {  	_ =	shalt  }
0x68: {  	_ =	shalt  }
0x69: {  	_ =	shalt  }
0x6a: {  	_ =	shalt  }
0x6b: {  	_ =	shalt  }
0x6c: {  	_ =	shalt  }
0x6d: {  	_ =	shalt  }
0x6e: {  	_ =	shalt  }
0x6f: {  	_ =	shalt  }
0x70: {  	_ =	shalt  }
0x71: {  	_ =	shalt  }
0x72: {  	_ =	shalt  }
0x73: {  	_ =	shalt  }
0x74: {  	_ =	shalt  }
0x75: {  	_ =	shalt  }
0x76: {  	_ =	shalt  }
0x77: {  	_ =	shalt  }
0x78: {  	_ =	shalt  }
0x79: {  	_ =	shalt  }
0x7a: {  	_ =	shalt  }
0x7b: {  	_ =	shalt  }
0x7c: {  	_ =	shalt  }
0x7d: {  	_ =	shalt  }
0x7e: {  	_ =	shalt  }
0x7f: {  	_ =	shalt  }
0x80: {  	_ =	shalt  }
0x81: {  	_ =	shalt  }
0x82: {  	_ =	shalt  }
0x83: {  	_ =	shalt  }
0x84: {  	_ =	shalt  }
0x85: {  	_ =	shalt  }
0x86: {  	_ =	shalt  }
0x87: {  	_ =	shalt  }
.Lfunc_end0:
.L_simem_size_0:
called_computation_lowered:
.L_overlay_start_0:
0x88: {  	s2 =	sld [smem:$0x3FD9]  }
0x89: {  	s3 =	sld [smem:$0x3FFE];
	_ =	sdelay $0x1  }
0x8a: {  	s1 =	srdreg.scid  }
0x8b: {  	s0 =	sand.u32 $0x1, s1  }
0x8c: {  	s18 =	sshll.u32 s0, $0xA;
	s2 =	sadd.s32 s3, s2  }
0x8d: {  	s2 =	sadd.s32 s2, s18  }
0x8e: {  	[smem:$0x3FC6] =	sst s2  }
0x8f: {  	_ = 	snop  }
0x90: {  	s2 =	sld [smem:$0x3FC9]  }
0x91: {  	s19 =	sld [smem:$0x3FC8]  }
0x92: {  	s4 =	sld [smem:$0x3FD0];
	(tm) =	ssettm $0x1  }
0x93: {  	s5 =	sld [smem:$0x3FFB];
	_ =	sdelay $0x3  }
0x94: {  	_ =	strace s5  }
0x95: {  	s5 =	sld [smem:$0x3FFC];
	_ =	sdelay $0x3  }
0x96: {  	_ =	strace s5  }
0x97: {  	s5 =	sld [smem:$0x3FFD];
	_ =	sdelay $0x3  }
0x98: {  	_ =	strace s5  }
0x99: {  	_ =	strace $0x8FFFFFFF  }
0x9a: {  	s20 =	sld [smem:$0x3FDB];
	_ =	sdelay $0x1  }
0x9b: {  	s6 =	simm.s32 $_scs_section_size  }
0x9c: {  	s7 =	simm.s32 $_size__tile_overlayer_lowered;
	s8 =	simm.s32 $_tile_overlayer_lowered  }
0x9d: {  	s23 =	simm.s32 $0x1BFF;
	s22 =	sshll.u32 s8, $0x1;
	s5 =	sadd.s32 s6, s20  }
0x9e: {  	s9 =	simm.s32 $0x0;
	s21 =	sshll.u32 s7, $0x1;
	s7 =	sadd.s32 s22, s5  }
0x9f: {  	[timem:s9], [sflag:s23] =	dma.local [hbm:s7], s21  }
0xa0: {  	_ =	swait.ge [sflag:s23], s21  }
0xa1: {  	s6 =	ssub.s32 $0x0, s21;
	[sflag:s23] =	ssyncset.done $0x0  }
0xa2: {  	[sflag:s23] =	ssyncadd.s32 s6;
	_ =	sdelay $0x1  }
0xa3: {  	s24 =	simm.s32 $0x1B8B  }
0xa4: {  	_ =	swait.ge [sflag:s24], $0x1  }
0xa5: {  	[sflag:s24] =	ssyncset.done $0x0  }
0xa6: {  	s25 =	simm.s32 $0x1B8E;
	[sflag:s24] =	ssyncadd.s32 $0xFFFFFFFF  }
0xa7: {  	s26 =	simm.s32 $execute0_lowered;
	[smem:$0x3FD2] =	sst s25  }
0xa8: {  	s6 =	sshll.u32 s26, $0x1;
	_ =	strace $0x80000046;
	[dreg:$0x1] =	wrdreg $0xFFFFFFFF  }
0xa9: {  	s28 =	simm.s32 $_size_execute0_lowered;
	s5 =	sadd.s32 s5, s6;
	[dreg:$0x0] =	wrdreg $0x0  }
0xaa: {  	s6 =	sshll.u32 s28, $0x1;
	[dreg:$0x2] =	wrdreg s5  }
0xab: {  	[dreg:$0x3] =	wrdreg s6  }
0xac: {  	[dreg:$0x4] =	wrdreg $0xC0  }
0xad: {  	_ =	task [dreg:s9], $0x5FFFF  }
0xae: {  	[dreg:$0x1] =	wrdreg $0xFFFFFFFF  }
0xaf: {  	[dreg:$0x0] =	wrdreg $0x60  }
0xb0: {  	[dreg:$0x2] =	wrdreg s2  }
0xb1: {  	[dreg:$0x3] =	wrdreg s19  }
0xb2: {  	[dreg:$0x4] =	wrdreg s4  }
0xb3: {  	[dreg:$0x5] =	wrdreg $0x9  }
0xb4: {  	_ =	task.clear_ibuf [dreg:s9], $0x6FFFF;
	_ =	strace $0x90000046  }
0xb5: {  	s29 =	simm.s32 $0x9;
	_ =	strace $0x80000048  }
0xb6: {  	_ =	swait.ge [sflag:s29], $0x1  }
0xb7: {  	[sflag:s29] =	ssyncadd.s32 $0xFFFFFFFF  }
0xb8: {  	_ =	strace $0x90000048  }
0xb9: {  	_ =	sfence  }
0xba: {  	s30 =	sld [smem:$0x0];
	_ =	sdelay $0x2  }
0xbb: {  	s31 =	sshll.u32 s1, $0xD;
	s1 =	sshrl.u32 s1, $0x2  }
0xbc: {  	s3 =	sand.u32 $0x4000, s31;
	s1 =	sadd.s32 s1, s30  }
0xbd: {  	s0 =	sor.u32 s3, s0;
	s1 =	sshll.u32 s1, $0x11  }
0xbe: {  	s0 =	sor.u32 s1, s0  }
0xbf: {  	s0 =	sadd.s32 $0x8F2B, s0  }
0xc0: {  	[sflag:s0] =	ssyncadd.remote.s32 $0x1  }
0xc1: {  	_ =	sfence.sel $0xFFFF  }
0xc2: {  	[dreg:$0x0] =	wrdreg $0xFFFFFFFF;
	(pc) =	sbr.abs _section_cstart, $3  }
0xc3: {  	[dreg:$0x1] =	wrdreg $0xFFFFFFFF  }
0xc4: {  	_ =	task.clear_ibuf [dreg:s9], $0x2FFFF;
	_ =	strace $0x9FFFFFFF  }
0xc5: {  	(tm) =	ssettm $0x7FFFFFFF  }
tec
execute0_lowered:
.L_overlay_start_1:
0x0: {  	(tag) =	ssettag $0x1  }
0x1: {  	s0 =	rddreg [dreg:$0x0];
	s1 =	srdreg.scid  }
0x2: {  	s3 =	rddreg [dreg:$0x2];
	s2 =	stileid.u32;
	s4 =	simm.s32 $0x0  }
0x3: {  	s18 =	simm.s32 $0x100;
	s19 =	simm.s32 $0x4100;
	s20 =	simm.s32 $0x8100  }
0x4: {  	s28 =	simm.s32 $0x5;
	s29 =	simm.s32 $0x4;
	s1 =	sand.u32 $0x1, s1  }
0x5: {  	s30 =	simm.s32 $0x6;
	s2 =	sshll.u32 s2, $0xA;
	s5 =	sshll.u32 s1, $0x9  }
0x6: {  	[smem:$0x7FF] =	sst s4;
	s1 =	ssub.s32 $0x2, s1;
	s5 =	sor.u32 s5, s2  }
0x7: {  	s10 =	smov.u32 s3;
	s21 =	sshrl.u32 s1, $0x1;
	s6 =	sshll.u32 s5, $0x5  }
0x8: {  	_ =	strace $0x80000047;
	s1 =	ssub.s32 s1, s21;
	s26 =	sadd.s32 s3, s6  }
0x9: {  	s11 =	smov.u32 s5;
	s0 =	sadd.s32 s0, s6;
	[dreg:$0x9] =	wrdreg s26  }
0xa: {  	s16 =	sor.u32 $0xC0, s5;
	s31 =	smax.u32 s1, $0x1;
	[dreg:$0x4] =	wrdreg s0  }
0xb: {  	s21 =	simm.s32 $0xC100;
	s22 =	sadd.s32 $0x800, s0;
	[dreg:$0xb] =	wrdreg s31  }
0xc: {  	s1 =	simm.s32 $0x0;
	s23 =	sadd.s32 $0x1000, s0;
	[dreg:$0x5] =	wrdreg s22  }
.Ltmp0:
0xd: {  	s24 =	sadd.s32 $0x1800, s0;
	[dreg:$0x6] =	wrdreg s23;
	(pc) =	sbr.rel .LBB2_1-.Ltmp0, $4  }
0xe: {  	s25 =	sadd.s32 $0x2000, s0;
	s12 =	sadd.s32 $0x2800, s0;
	[dreg:$0x7] =	wrdreg s24  }
0xf: {  	s13 =	sadd.s32 $0x3000, s0;
	s0 =	sadd.s32 $0x3800, s0;
	[dreg:$0x8] =	wrdreg s25  }
0x10: {  	s26 =	simm.s32 $0x3;
	[dreg:$0xa] =	wrdreg s0;
	s22 =	simm.s32 $0x1  }
0x11: {  	s23 =	simm.s32 $0x10100;
	s24 =	simm.s32 $0x2;
	s25 =	simm.s32 $0x14100  }
.LBB2_12:
0x12: {  	[hbm4b:s0+s4] =	stream.linear.scatter [tilespmem:s25], [sflag:$0x6], $0x4000, $0x38;
	[tilespmem:$0x18100] =	vst v63  }
0x13: {  	_ =	swait.ge [sflag:s28], $0x4000  }
0x14: {  	[sflag:s28] =	ssyncset.done $0x0  }
0x15: {  	[sflag:s28] =	ssyncadd.s32 $0xFFFFC000  }
0x16: {  	_ =	swait.ge [sflag:s30], $0x4000  }
0x17: {  	s1 =	rddreg [dreg:$0xc]  }
0x18: {  	s31 =	rddreg [dreg:$0xb];
	s1 =	sadd.s32 $0x1, s1  }
0x19: {  	p0 =	sne.s32 s1, s31  }
.Ltmp1:
0x1a: {  	_ = 	snop;
	(pc) =	sbr.rel @!p0 .LBB2_13-.Ltmp1, $3  }
0x1b: {  	_ =	sdelay $0x1  }
0x1c: {  	[sflag:s30] =	ssyncset.done $0x0  }
0x1d: {  	[sflag:s30] =	ssyncadd.s32 $0xFFFFC000  }
.LBB2_1:
0x1e: {  	[dreg:$0xc] =	wrdreg s1  }
0x1f: {  	s0 =	rddreg [dreg:$0x1];
	s9 =	simm.s32 $0x7  }
0x20: {  	[tilespmem:s4], [sflag:$0x7] =	stream.linear.gather [hbm4b:s0+s4], $0x100, $0x38;
	[tilespmem:$0x18100] =	vst v63  }
0x21: {  	_ =	swait.ge [sflag:s9], $0x100  }
0x22: {  	[sflag:s9] =	ssyncset.done $0x0  }
0x23: {  	[sflag:s9] =	ssyncadd.s32 $0xFFFFFF00  }
0x24: {  	v1 =	vld [tilespmem:$0x0]  }
0x25: {  	v2 =	vld [tilespmem:$0x10]  }
0x26: {  	v5 =	vld [tilespmem:$0x20]  }
0x27: {  	v6 =	vld [tilespmem:$0x30]  }
0x28: {  	v9 =	vld [tilespmem:$0x40]  }
0x29: {  	v10 =	vld [tilespmem:$0x50]  }
0x2a: {  	v13 =	vld [tilespmem:$0x60]  }
0x2b: {  	v14 =	vld [tilespmem:$0x70]  }
0x2c: {  	v17 =	vld [tilespmem:$0x80]  }
0x2d: {  	v18 =	vld [tilespmem:$0x90]  }
0x2e: {  	v21 =	vld [tilespmem:$0xA0];
	v0 =	vand.u32 $0x7F, v1;
	v1 =	vshll.u32 v1, $0x3;
	v3 =	vshll.u32 v2, $0x3  }
0x2f: {  	v22 =	vld [tilespmem:$0xB0];
	v2 =	vand.u32 $0x7F, v2;
	v4 =	vand.u32 $0x7F, v5;
	v5 =	vshll.u32 v5, $0x3  }
0x30: {  	v25 =	vld [tilespmem:$0xC0];
	v7 =	vshll.u32 v6, $0x3;
	v6 =	vand.u32 $0x7F, v6;
	v8 =	vand.u32 $0x7F, v9  }
0x31: {  	v26 =	vld [tilespmem:$0xD0];
	v9 =	vshll.u32 v9, $0x3;
	v11 =	vshll.u32 v10, $0x3;
	v10 =	vand.u32 $0x7F, v10  }
0x32: {  	v29 =	vld [tilespmem:$0xE0];
	v12 =	vand.u32 $0x7F, v13;
	v13 =	vshll.u32 v13, $0x3;
	v15 =	vshll.u32 v14, $0x3  }
0x33: {  	v30 =	vld [tilespmem:$0xF0];
	v14 =	vand.u32 $0x7F, v14;
	v16 =	vand.u32 $0x7F, v17;
	v17 =	vshll.u32 v17, $0x3  }
0x34: {  	v19 =	vshll.u32 v18, $0x3;
	v18 =	vand.u32 $0x7F, v18;
	v20 =	vand.u32 $0x7F, v21  }
0x35: {  	v21 =	vshll.u32 v21, $0x3;
	v23 =	vshll.u32 v22, $0x3;
	v22 =	vand.u32 $0x7F, v22  }
0x36: {  	s14 =	rddreg [dreg:$0x4];
	v24 =	vand.u32 $0x7F, v25;
	v25 =	vshll.u32 v25, $0x3;
	v27 =	vshll.u32 v26, $0x3  }
0x37: {  	[tilespmem:s18], [sflag:$0x1] =	stream.linear.gather [hbm4b:s14+s4], $0x4000, $0x38;
	v26 =	vand.u32 $0x7F, v26;
	v28 =	vand.u32 $0x7F, v29;
	v29 =	vshll.u32 v29, $0x3;
	[tilespmem:$0x18100] =	vst v63  }
0x38: {  	s15 =	rddreg [dreg:$0x5];
	v31 =	vshll.u32 v30, $0x3;
	v30 =	vand.u32 $0x7F, v30;
	v1 =	vand.u32 $0xFFFFFC00, v1  }
0x39: {  	[tilespmem:s19], [sflag:$0x2] =	stream.linear.gather [hbm4b:s15+s4], $0x4000, $0x38;
	v3 =	vand.u32 $0xFFFFFC00, v3;
	v5 =	vand.u32 $0xFFFFFC00, v5;
	v7 =	vand.u32 $0xFFFFFC00, v7;
	[tilespmem:$0x18100] =	vst v63  }
0x3a: {  	s17 =	rddreg [dreg:$0x6];
	v9 =	vand.u32 $0xFFFFFC00, v9;
	v11 =	vand.u32 $0xFFFFFC00, v11;
	v13 =	vand.u32 $0xFFFFFC00, v13  }
0x3b: {  	[tilespmem:s20], [sflag:$0x3] =	stream.linear.gather [hbm4b:s17+s4], $0x4000, $0x38;
	v15 =	vand.u32 $0xFFFFFC00, v15;
	v17 =	vand.u32 $0xFFFFFC00, v17;
	v19 =	vand.u32 $0xFFFFFC00, v19;
	[tilespmem:$0x18100] =	vst v63  }
0x3c: {  	p0 =	por $0x1, $0x1;
	s0 =	simm.s32 $0x0;
	s31 =	rddreg [dreg:$0x7];
	v21 =	vand.u32 $0xFFFFFC00, v21;
	v23 =	vand.u32 $0xFFFFFC00, v23;
	v25 =	vand.u32 $0xFFFFFC00, v25  }
0x3d: {  	[tilespmem:s21], [sflag:$0x4] =	stream.linear.gather [hbm4b:s31+s4], $0x4000, $0x38;
	v27 =	vand.u32 $0xFFFFFC00, v27;
	v29 =	vand.u32 $0xFFFFFC00, v29;
	v31 =	vand.u32 $0xFFFFFC00, v31;
	[tilespmem:$0x18100] =	vst v63  }
.LBB2_2:
0x3e: {  	s1 =	simm.s32 $0x1  }
0x3f: {  	v32 =	vmov s1  }
0x40: {  	s3 =	simm.s32 $0x0;
	v33 =	vshll.u32 v32, $0x8  }
0x41: {  	v35 =	vmov s3;
	v32 =	vshll.u32 v32, $0x7;
	v34 =	vand.u32 $0x3800, v33  }
0x42: {  	v53 =	vshll.u32 v35, $0x8;
	v33 =	vand.u32 $0x380, v32;
	v36 =	vadd.s32 v1, v34  }
0x43: {  	_ =	swait.ge [sflag:s22], $0x4000;
	v37 =	vshll.u32 v35, $0x7;
	v35 =	vand.u32 $0x3800, v53;
	v36 =	vor.u32 v33, v36  }
0x44: {  	[sflag:s22] =	ssyncset.done $0x0;
	v32 =	vand.u32 $0x300, v37;
	v54 =	vadd.s32 v1, v35;
	v36 =	vor.u32 v0, v36  }
0x45: {  	s2 =	simm.s32 @!p0 $0x5;
	[sflag:s22] =	ssyncadd.s32 $0xFFFFC000;
	v37 =	vor.u32 v32, v54  }
0x46: {  	_ =	swait.ge @!p0 [sflag:s2], $0x4000;
	v37 =	vor.u32 v0, v37  }
0x47: {  	[sflag:s2] =	ssyncset.done @!p0 $0x0  }
0x48: {  	v38 =	vadd.s32 v3, v34;
	[sflag:s2] =	ssyncadd.s32 @!p0 $0xFFFFC000  }
0x49: {  	v38 =	vor.u32 v33, v38;
	v36 =	vld.idx.msk [tilespmem:v36+s18+$0x0], $0xffff  }
0x4a: {  	v39 =	vadd.s32 v3, v35;
	v38 =	vor.u32 v2, v38  }
0x4b: {  	s5 =	simm.s32 $0x80;
	s1 =	sand.u32 $0x3800, s3;
	v39 =	vor.u32 v32, v39;
	v37 =	vld.idx.msk [tilespmem:v37+s18+$0x0], $0xffff  }
0x4c: {  	s7 =	sand.u32 $0x380, s5;
	s6 =	sor.u32 $0x10100, s1;
	v39 =	vor.u32 v2, v39  }
0x4d: {  	s8 =	simm.s32 $0x0;
	s1 =	sadd.s32 s7, s6  }
0x4e: {  	v55 =	vadd.s32 v5, v34;
	s2 =	sand.u32 $0x300, s8;
	[tilespmem:s1+$0x0] =	vst v36  }
0x4f: {  	s2 =	sadd.s32 s2, s6;
	v36 =	vor.u32 v33, v55;
	v38 =	vld.idx.msk [tilespmem:v38+s18+$0x0], $0xffff  }
0x50: {  	v56 =	vadd.s32 v5, v35;
	[tilespmem:s2+$0x0] =	vst v37;
	v36 =	vor.u32 v4, v36  }
0x51: {  	v37 =	vor.u32 v32, v56;
	v39 =	vld.idx.msk [tilespmem:v39+s18+$0x0], $0xffff  }
0x52: {  	v37 =	vor.u32 v4, v37;
	_ =	sdelay $0x1  }
0x53: {  	v57 =	vadd.s32 v7, v34;
	[tilespmem:s1+$0x10] =	vst v38  }
0x54: {  	v38 =	vor.u32 v33, v57;
	v36 =	vld.idx.msk [tilespmem:v36+s18+$0x0], $0xffff  }
0x55: {  	v58 =	vadd.s32 v7, v35;
	[tilespmem:s2+$0x10] =	vst v39;
	v38 =	vor.u32 v6, v38  }
0x56: {  	v39 =	vor.u32 v32, v58;
	v37 =	vld.idx.msk [tilespmem:v37+s18+$0x0], $0xffff  }
0x57: {  	v39 =	vor.u32 v6, v39;
	_ =	sdelay $0x1  }
0x58: {  	v59 =	vadd.s32 v9, v34;
	[tilespmem:s1+$0x20] =	vst v36  }
0x59: {  	v36 =	vor.u32 v33, v59;
	v38 =	vld.idx.msk [tilespmem:v38+s18+$0x0], $0xffff  }
0x5a: {  	v60 =	vadd.s32 v9, v35;
	[tilespmem:s2+$0x20] =	vst v37;
	v36 =	vor.u32 v8, v36  }
0x5b: {  	v37 =	vor.u32 v32, v60;
	v39 =	vld.idx.msk [tilespmem:v39+s18+$0x0], $0xffff  }
0x5c: {  	v37 =	vor.u32 v8, v37  }
0x5d: {  	s9 =	simm.s32 $0x2  }
0x5e: {  	v63 =	vmov s9;
	v61 =	vadd.s32 v11, v34;
	[tilespmem:s1+$0x30] =	vst v38  }
0x5f: {  	v42 =	vshll.u32 v63, $0x7;
	s7 =	simm.s32 $0x3;
	v62 =	vor.u32 v33, v61;
	v40 =	vld.idx.msk [tilespmem:v36+s18+$0x0], $0xffff  }
0x60: {  	v48 =	vmov s7;
	v49 =	vadd.s32 v11, v35;
	v41 =	vor.u32 v10, v62;
	[tilespmem:s2+$0x30] =	vst v39  }
0x61: {  	v45 =	vadd.s32 v13, v34;
	v43 =	vshll.u32 v48, $0x8;
	v39 =	vor.u32 v32, v49;
	v44 =	vld.idx.msk [tilespmem:v37+s18+$0x0], $0xffff  }
0x62: {  	v37 =	vand.u32 $0x3800, v43;
	v36 =	vshll.u32 v48, $0x7;
	v50 =	vor.u32 v10, v39  }
0x63: {  	v38 =	vshll.u32 v63, $0x8;
	v51 =	vadd.s32 v1, v37;
	v36 =	vand.u32 $0x380, v36  }
0x64: {  	v45 =	vor.u32 v33, v45;
	v39 =	vand.u32 $0x3800, v38;
	v52 =	vor.u32 v36, v51;
	[tilespmem:s1+$0x40] =	vst v40  }
0x65: {  	v38 =	vand.u32 $0x300, v42;
	v53 =	vadd.s32 v1, v39;
	v40 =	vor.u32 v0, v52;
	v41 =	vld.idx.msk [tilespmem:v41+s18+$0x0], $0xffff  }
0x66: {  	v46 =	vadd.s32 v13, v35;
	v45 =	vor.u32 v12, v45;
	v42 =	vor.u32 v38, v53;
	[tilespmem:s2+$0x40] =	vst v44  }
0x67: {  	v54 =	vor.u32 v32, v46;
	v42 =	vor.u32 v0, v42;
	v43 =	vld.idx.msk [tilespmem:v50+s18+$0x0], $0xffff  }
0x68: {  	v44 =	vor.u32 v12, v54  }
0x69: {  	v57 =	vadd.s32 v15, v34;
	v55 =	vadd.s32 v3, v37  }
0x6a: {  	v46 =	vor.u32 v33, v57;
	v56 =	vor.u32 v36, v55;
	v40 =	vld.idx.msk [tilespmem:v40+s18+$0x0], $0xffff;
	[tilespmem:s1+$0x50] =	vst v41  }
0x6b: {  	s9 =	simm.s32 $0x200;
	v46 =	vor.u32 v14, v46;
	v47 =	vadd.s32 v3, v39;
	v41 =	vor.u32 v2, v56;
	v45 =	vld.idx.msk [tilespmem:v45+s18+$0x0], $0xffff  }
0x6c: {  	s14 =	sand.u32 $0x3800, s9;
	s6 =	simm.s32 $0x180;
	v59 =	vadd.s32 v15, v35;
	v58 =	vor.u32 v38, v47;
	v42 =	vld.idx.msk [tilespmem:v42+s18+$0x0], $0xffff;
	[tilespmem:s2+$0x50] =	vst v43  }
0x6d: {  	s8 =	sor.u32 $0x10100, s14;
	s15 =	sand.u32 $0x380, s6;
	v47 =	vor.u32 v32, v59;
	v43 =	vor.u32 v2, v58;
	v44 =	vld.idx.msk [tilespmem:v44+s18+$0x0], $0xffff  }
0x6e: {  	s14 =	simm.s32 $0x100;
	s7 =	sadd.s32 s15, s8;
	v47 =	vor.u32 v14, v47  }
0x6f: {  	v61 =	vadd.s32 v17, v34;
	s14 =	sand.u32 $0x300, s14;
	v48 =	vadd.s32 v17, v35;
	v60 =	vadd.s32 v5, v37;
	[tilespmem:s7+$0x0] =	vst v40  }
0x70: {  	s8 =	sadd.s32 s14, s8;
	v62 =	vadd.s32 v5, v39;
	v40 =	vor.u32 v36, v60;
	v41 =	vld.idx.msk [tilespmem:v41+s18+$0x0], $0xffff;
	[tilespmem:s1+$0x60] =	vst v45  }
0x71: {  	[tilespmem:s8+$0x0] =	vst v42;
	v40 =	vor.u32 v4, v40;
	v45 =	vor.u32 v33, v61;
	v46 =	vld.idx.msk [tilespmem:v46+s18+$0x0], $0xffff  }
0x72: {  	v42 =	vor.u32 v38, v62;
	v43 =	vld.idx.msk [tilespmem:v43+s18+$0x0], $0xffff;
	[tilespmem:s2+$0x60] =	vst v44;
	v45 =	vor.u32 v16, v45  }
0x73: {  	v63 =	vor.u32 v32, v48;
	v42 =	vor.u32 v4, v42;
	v44 =	vld.idx.msk [tilespmem:v47+s18+$0x0], $0xffff  }
0x74: {  	v47 =	vor.u32 v16, v63  }
0x75: {  	v49 =	vadd.s32 v19, v34;
	v48 =	vadd.s32 v7, v37;
	v51 =	vadd.s32 v7, v39;
	[tilespmem:s7+$0x10] =	vst v41  }
0x76: {  	v53 =	vadd.s32 v19, v35;
	v41 =	vor.u32 v36, v48;
	v40 =	vld.idx.msk [tilespmem:v40+s18+$0x0], $0xffff;
	[tilespmem:s1+$0x70] =	vst v46  }
0x77: {  	[tilespmem:s8+$0x10] =	vst v43;
	v41 =	vor.u32 v6, v41;
	v46 =	vor.u32 v33, v49;
	v45 =	vld.idx.msk [tilespmem:v45+s18+$0x0], $0xffff  }
0x78: {  	v52 =	vor.u32 v38, v51;
	v42 =	vld.idx.msk [tilespmem:v42+s18+$0x0], $0xffff;
	[tilespmem:s2+$0x70] =	vst v44;
	v50 =	vor.u32 v18, v46  }
0x79: {  	v44 =	vor.u32 v6, v52;
	v47 =	vld.idx.msk [tilespmem:v47+s18+$0x0], $0xffff;
	v46 =	vor.u32 v32, v53  }
0x7a: {  	v55 =	vadd.s32 v9, v37;
	v54 =	vor.u32 v18, v46  }
0x7b: {  	v57 =	vadd.s32 v21, v34;
	v56 =	vor.u32 v36, v55;
	[tilespmem:s7+$0x20] =	vst v40  }
0x7c: {  	v58 =	vadd.s32 v9, v39;
	v60 =	vadd.s32 v21, v35;
	v41 =	vld.idx.msk [tilespmem:v41+s18+$0x0], $0xffff;
	[tilespmem:s1+$0x400] =	vst v45  }
0x7d: {  	s17 =	simm.s32 $0x4;
	v46 =	vor.u32 v33, v57;
	[tilespmem:s8+$0x20] =	vst v42;
	v45 =	vor.u32 v8, v56;
	v43 =	vld.idx.msk [tilespmem:v50+s18+$0x0], $0xffff  }
0x7e: {  	v59 =	vmov s17;
	v46 =	vor.u32 v20, v46;
	v42 =	vor.u32 v38, v58;
	[tilespmem:s2+$0x400] =	vst v47;
	v50 =	vld.idx.msk [tilespmem:v44+s18+$0x0], $0xffff  }
0x7f: {  	v55 =	vadd.s32 v11, v39;
	v42 =	vor.u32 v8, v42;
	v47 =	vor.u32 v32, v60;
	v52 =	vld.idx.msk [tilespmem:v54+s18+$0x0], $0xffff  }
0x80: {  	v55 =	vor.u32 v38, v55;
	v62 =	vadd.s32 v11, v37;
	v47 =	vor.u32 v20, v47  }
0x81: {  	v61 =	vshll.u32 v59, $0x7;
	v63 =	vadd.s32 v23, v35;
	v53 =	vadd.s32 v23, v34;
	[tilespmem:s7+$0x30] =	vst v41  }
0x82: {  	v53 =	vor.u32 v33, v53;
	v40 =	vand.u32 $0x300, v61;
	v48 =	vld.idx.msk [tilespmem:v45+s18+$0x0], $0xffff;
	[tilespmem:s1+$0x410] =	vst v43;
	v43 =	vor.u32 v36, v62  }
0x83: {  	s31 =	simm.s32 $0x5;
	v54 =	vshll.u32 v59, $0x8;
	v44 =	vadd.s32 v27, v35;
	[tilespmem:s8+$0x30] =	vst v50;
	v49 =	vld.idx.msk [tilespmem:v46+s18+$0x0], $0xffff;
	v51 =	vor.u32 v10, v43  }
0x84: {  	v41 =	vadd.s32 v29, v35;
	[tilespmem:s2+$0x410] =	vst v52;
	v52 =	vor.u32 v22, v53;
	v43 =	vmov s31;
	v50 =	vld.idx.msk [tilespmem:v42+s18+$0x0], $0xffff  }
0x85: {  	s15 =	simm.s32 $0x6;
	v53 =	vor.u32 v32, v63;
	v46 =	vadd.s32 v13, v39;
	v47 =	vld.idx.msk [tilespmem:v47+s18+$0x0], $0xffff;
	v42 =	vshll.u32 v43, $0x8  }
.LBB2_3:
0x86: {  	p1 =	slt.u32 s15, $0x3E;
	v45 =	vand.u32 $0x3800, v42;
	v42 =	vshll.u32 v43, $0x7;
	v55 =	vor.u32 v10, v55  }
0x87: {  	v56 =	vadd.s32 v1, v45;
	v43 =	vand.u32 $0x380, v42;
	[tilespmem:s7+$0x40] =	vst v48;
	v48 =	vor.u32 v22, v53  }
0x88: {  	v42 =	vand.u32 $0x3800, v54;
	v54 =	vadd.s32 v13, v37;
	v53 =	vor.u32 v43, v56;
	v51 =	vld.idx.msk [tilespmem:v51+s18+$0x0], $0xffff;
	[tilespmem:s1+$0x420] =	vst v49  }
0x89: {  	v49 =	vor.u32 v0, v53;
	v53 =	vor.u32 v36, v54;
	v52 =	vld.idx.msk [tilespmem:v52+s18+$0x0], $0xffff;
	v54 =	vadd.s32 v25, v34  }
0x8a: {  	v56 =	vadd.s32 v1, v42;
	[tilespmem:s8+$0x40] =	vst v50;
	v50 =	vor.u32 v12, v53;
	v53 =	vor.u32 v33, v54  }
0x8b: {  	v54 =	vor.u32 v40, v56;
	v55 =	vld.idx.msk [tilespmem:v55+s18+$0x0], $0xffff;
	[tilespmem:s2+$0x420] =	vst v47;
	v47 =	vor.u32 v24, v53  }
0x8c: {  	v46 =	vor.u32 v38, v46;
	v53 =	vor.u32 v0, v54;
	v54 =	vadd.s32 v25, v35;
	v48 =	vld.idx.msk [tilespmem:v48+s18+$0x0], $0xffff  }
0x8d: {  	v46 =	vor.u32 v12, v46;
	v56 =	vadd.s32 v17, v39;
	v54 =	vor.u32 v32, v54  }
0x8e: {  	v57 =	vadd.s32 v3, v45;
	v49 =	vld.idx.msk [tilespmem:v49+s18+$0x0], $0xffff;
	[tilespmem:s7+$0x50] =	vst v51;
	v51 =	vor.u32 v24, v54  }
0x8f: {  	v54 =	vor.u32 v43, v57;
	v57 =	vadd.s32 v15, v37;
	v50 =	vld.idx.msk [tilespmem:v50+s18+$0x0], $0xffff;
	[tilespmem:s1+$0x430] =	vst v52  }
0x90: {  	s9 =	sadd.s32 $0x200, s9;
	v52 =	vor.u32 v2, v54;
	v54 =	vor.u32 v36, v57;
	v57 =	vadd.s32 v27, v34;
	v47 =	vld.idx.msk [tilespmem:v47+s18+$0x0], $0xffff  }
0x91: {  	s6 =	sadd.s32 $0x100, s6;
	s14 =	sand.u32 $0x3800, s9;
	v54 =	vor.u32 v14, v54;
	v53 =	vld.idx.msk [tilespmem:v53+s18+$0x0], $0xffff;
	[tilespmem:s8+$0x50] =	vst v55;
	v55 =	vor.u32 v33, v57  }
0x92: {  	s17 =	sadd.s32 $0xFFFFFF80, s6;
	s31 =	sand.u32 $0x380, s6;
	s14 =	sor.u32 $0x10100, s14;
	v57 =	vadd.s32 v3, v42;
	v46 =	vld.idx.msk [tilespmem:v46+s18+$0x0], $0xffff;
	[tilespmem:s2+$0x430] =	vst v48;
	v48 =	vor.u32 v26, v55  }
0x93: {  	v44 =	vor.u32 v32, v44;
	s17 =	sand.u32 $0x300, s17;
	s31 =	sadd.s32 s31, s14;
	v55 =	vor.u32 v40, v57;
	v57 =	vadd.s32 v15, v39;
	v51 =	vld.idx.msk [tilespmem:v51+s18+$0x0], $0xffff  }
0x94: {  	v44 =	vor.u32 v26, v44;
	s17 =	sadd.s32 s17, s14;
	v55 =	vor.u32 v2, v55;
	[tilespmem:s31+$0x0] =	vst v49;
	v49 =	vor.u32 v38, v57  }
0x95: {  	v57 =	vadd.s32 v5, v45;
	v52 =	vld.idx.msk [tilespmem:v52+s18+$0x0], $0xffff;
	v49 =	vor.u32 v14, v49;
	[tilespmem:s7+$0x60] =	vst v50  }
0x96: {  	v50 =	vor.u32 v43, v57;
	v57 =	vadd.s32 v17, v37;
	v54 =	vld.idx.msk [tilespmem:v54+s18+$0x0], $0xffff;
	[tilespmem:s1+$0x440] =	vst v47  }
0x97: {  	v47 =	vor.u32 v4, v50;
	v50 =	vor.u32 v36, v57;
	v57 =	vadd.s32 v29, v34;
	v48 =	vld.idx.msk [tilespmem:v48+s18+$0x0], $0xffff  }
0x98: {  	v50 =	vor.u32 v16, v50;
	v57 =	vor.u32 v33, v57;
	[tilespmem:s17+$0x0] =	vst v53;
	v53 =	vadd.s32 v5, v42  }
0x99: {  	v41 =	vor.u32 v32, v41;
	v55 =	vld.idx.msk [tilespmem:v55+s18+$0x0], $0xffff;
	[tilespmem:s8+$0x60] =	vst v46;
	v46 =	vor.u32 v28, v57  }
0x9a: {  	v56 =	vor.u32 v38, v56;
	v53 =	vor.u32 v40, v53;
	v49 =	vld.idx.msk [tilespmem:v49+s18+$0x0], $0xffff;
	[tilespmem:s2+$0x440] =	vst v51  }
0x9b: {  	v41 =	vor.u32 v28, v41;
	v51 =	vor.u32 v4, v53;
	[tilespmem:s31+$0x10] =	vst v52;
	v44 =	vld.idx.msk [tilespmem:v44+s18+$0x0], $0xffff  }
0x9c: {  	v53 =	vor.u32 v16, v56;
	v52 =	vadd.s32 v7, v45;
	v47 =	vld.idx.msk [tilespmem:v47+s18+$0x0], $0xffff;
	[tilespmem:s7+$0x70] =	vst v54  }
0x9d: {  	v52 =	vor.u32 v43, v52;
	v54 =	vadd.s32 v19, v37;
	v50 =	vld.idx.msk [tilespmem:v50+s18+$0x0], $0xffff;
	[tilespmem:s1+$0x450] =	vst v48  }
0x9e: {  	v56 =	vadd.s32 v31, v34;
	v48 =	vor.u32 v6, v52;
	v52 =	vor.u32 v36, v54;
	v46 =	vld.idx.msk [tilespmem:v46+s18+$0x0], $0xffff  }
0x9f: {  	v35 =	vadd.s32 v31, v35;
	v33 =	vor.u32 v33, v56;
	v52 =	vor.u32 v18, v52;
	[tilespmem:s17+$0x10] =	vst v55  }
0xa0: {  	v34 =	vmov v37;
	v54 =	vadd.s32 v7, v42;
	v51 =	vld.idx.msk [tilespmem:v51+s18+$0x0], $0xffff;
	[tilespmem:s8+$0x70] =	vst v49;
	v49 =	vor.u32 v30, v33  }
0xa1: {  	v37 =	vmov v45;
	v55 =	vor.u32 v40, v54;
	v54 =	vadd.s32 v19, v39;
	v53 =	vld.idx.msk [tilespmem:v53+s18+$0x0], $0xffff;
	[tilespmem:s2+$0x450] =	vst v44  }
0xa2: {  	v45 =	vor.u32 v38, v54;
	v33 =	vmov v36;
	v44 =	vor.u32 v6, v55;
	[tilespmem:s31+$0x20] =	vst v47;
	v41 =	vld.idx.msk [tilespmem:v41+s18+$0x0], $0xffff  }
0xa3: {  	v54 =	vor.u32 v32, v35;
	v36 =	vmov v43;
	v45 =	vor.u32 v18, v45;
	v47 =	vld.idx.msk [tilespmem:v48+s18+$0x0], $0xffff;
	[tilespmem:s7+$0x400] =	vst v50  }
0xa4: {  	v43 =	vadd.s32 v9, v37;
	v35 =	vmov v39;
	v50 =	vor.u32 v30, v54;
	v48 =	vld.idx.msk [tilespmem:v52+s18+$0x0], $0xffff;
	[tilespmem:s1+$0x460] =	vst v46  }
0xa5: {  	v39 =	vmovc v42;
	v32 =	vmov v38;
	v43 =	vor.u32 v36, v43;
	v46 =	vadd.s32 v21, v34;
	v49 =	vld.idx.msk [tilespmem:v49+s18+$0x0], $0xffff  }
0xa6: {  	v38 =	vmov v40;
	v42 =	vor.u32 v8, v43;
	v43 =	vor.u32 v33, v46;
	[tilespmem:s17+$0x20] =	vst v51  }
0xa7: {  	v40 =	vadd.s32 v9, v39;
	v43 =	vor.u32 v20, v43;
	v46 =	vld.idx.msk [tilespmem:v44+s18+$0x0], $0xffff;
	[tilespmem:s8+$0x400] =	vst v53  }
0xa8: {  	v40 =	vor.u32 v38, v40;
	v51 =	vadd.s32 v21, v35;
	v44 =	vmov s15;
	v45 =	vld.idx.msk [tilespmem:v45+s18+$0x0], $0xffff;
	[tilespmem:s2+$0x460] =	vst v41  }
0xa9: {  	v53 =	vor.u32 v8, v40;
	v40 =	vor.u32 v32, v51;
	v52 =	vshll.u32 v44, $0x7;
	[tilespmem:s31+$0x30] =	vst v47;
	v56 =	vld.idx.msk [tilespmem:v50+s18+$0x0], $0xffff  }
0xaa: {  	v54 =	vshll.u32 v44, $0x8;
	v41 =	vadd.s32 v29, v35;
	v47 =	vor.u32 v20, v40;
	[tilespmem:s7+$0x410] =	vst v48  }
.Ltmp2:
0xab: {  	v44 =	vadd.s32 v27, v35;
	v40 =	vand.u32 $0x300, v52;
	v48 =	vld.idx.msk [tilespmem:v42+s18+$0x0], $0xffff;
	v42 =	vadd.s32 v11, v37;
	[tilespmem:s1+$0x470] =	vst v49;
	s1 =	smov.u32 s7;
	s7 =	smov.u32 s31;
	(pc) =	sbr.rel @p1 .LBB2_3-.Ltmp2, $4  }
0xac: {  	v57 =	vadd.s32 v23, v35;
	v42 =	vor.u32 v36, v42;
	v49 =	vld.idx.msk [tilespmem:v43+s18+$0x0], $0xffff;
	v43 =	vadd.s32 v23, v34  }
0xad: {  	s14 =	sadd.s32 $0x1, s15;
	[tilespmem:s17+$0x30] =	vst v46;
	v46 =	vadd.s32 v13, v39;
	v51 =	vor.u32 v10, v42;
	v42 =	vor.u32 v33, v43  }
0xae: {  	v43 =	vmov s14;
	v50 =	vld.idx.msk [tilespmem:v53+s18+$0x0], $0xffff;
	v53 =	vadd.s32 v11, v39;
	[tilespmem:s8+$0x410] =	vst v45;
	v52 =	vor.u32 v22, v42  }
0xaf: {  	s15 =	sadd.s32 $0x2, s15;
	v42 =	vshll.u32 v43, $0x8;
	v55 =	vor.u32 v38, v53;
	v47 =	vld.idx.msk [tilespmem:v47+s18+$0x0], $0xffff;
	v53 =	vor.u32 v32, v57;
	[tilespmem:s2+$0x470] =	vst v56;
	s2 =	smov.u32 s8;
	s8 =	smov.u32 s17  }
0xb0: {  	v42 =	vand.u32 $0x3800, v42;
	v43 =	vshll.u32 v43, $0x7  }
0xb1: {  	v45 =	vand.u32 $0x3800, v54;
	v56 =	vadd.s32 v1, v42;
	v43 =	vand.u32 $0x380, v43  }
0xb2: {  	v63 =	vadd.s32 v1, v45;
	v62 =	vor.u32 v43, v56  }
0xb3: {  	v56 =	vor.u32 v40, v63;
	v54 =	vor.u32 v0, v62  }
0xb4: {  	v56 =	vor.u32 v0, v56;
	_ =	sdelay $0x2  }
0xb5: {  	v57 =	vadd.s32 v3, v42  }
0xb6: {  	v58 =	vadd.s32 v3, v45;
	v57 =	vor.u32 v43, v57;
	v54 =	vld.idx.msk [tilespmem:v54+s18+$0x0], $0xffff  }
0xb7: {  	s9 =	sadd.s32 $0x200, s9;
	v58 =	vor.u32 v40, v58;
	v57 =	vor.u32 v2, v57;
	v56 =	vld.idx.msk [tilespmem:v56+s18+$0x0], $0xffff  }
0xb8: {  	s6 =	sadd.s32 $0x100, s6;
	s9 =	sand.u32 $0x3800, s9;
	v58 =	vor.u32 v2, v58  }
0xb9: {  	s14 =	sadd.s32 $0xFFFFFF80, s6;
	s6 =	sand.u32 $0x380, s6;
	s9 =	sor.u32 $0x10100, s9  }
0xba: {  	s14 =	sand.u32 $0x300, s14;
	s6 =	sadd.s32 s6, s9  }
0xbb: {  	v60 =	vadd.s32 v5, v42;
	s9 =	sadd.s32 s14, s9;
	[tilespmem:s6+$0x0] =	vst v54  }
0xbc: {  	v61 =	vadd.s32 v5, v45;
	v54 =	vor.u32 v43, v60;
	[tilespmem:s9+$0x0] =	vst v56;
	v57 =	vld.idx.msk [tilespmem:v57+s18+$0x0], $0xffff  }
0xbd: {  	v56 =	vor.u32 v40, v61;
	v54 =	vor.u32 v4, v54;
	v58 =	vld.idx.msk [tilespmem:v58+s18+$0x0], $0xffff  }
0xbe: {  	v56 =	vor.u32 v4, v56;
	_ =	sdelay $0x2  }
0xbf: {  	v62 =	vadd.s32 v7, v42;
	[tilespmem:s6+$0x10] =	vst v57  }
0xc0: {  	v63 =	vadd.s32 v7, v45;
	v57 =	vor.u32 v43, v62;
	[tilespmem:s9+$0x10] =	vst v58;
	v54 =	vld.idx.msk [tilespmem:v54+s18+$0x0], $0xffff  }
0xc1: {  	v58 =	vor.u32 v40, v63;
	v57 =	vor.u32 v6, v57;
	v56 =	vld.idx.msk [tilespmem:v56+s18+$0x0], $0xffff  }
0xc2: {  	v58 =	vor.u32 v6, v58;
	_ =	sdelay $0x2  }
0xc3: {  	v60 =	vadd.s32 v9, v42;
	[tilespmem:s6+$0x20] =	vst v54  }
0xc4: {  	v61 =	vadd.s32 v9, v45;
	v54 =	vor.u32 v43, v60;
	[tilespmem:s9+$0x20] =	vst v56;
	v57 =	vld.idx.msk [tilespmem:v57+s18+$0x0], $0xffff  }
0xc5: {  	v56 =	vor.u32 v40, v61;
	v54 =	vor.u32 v8, v54;
	v58 =	vld.idx.msk [tilespmem:v58+s18+$0x0], $0xffff  }
0xc6: {  	v56 =	vor.u32 v8, v56;
	_ =	sdelay $0x2  }
0xc7: {  	v55 =	vor.u32 v10, v55;
	v62 =	vadd.s32 v11, v42;
	[tilespmem:s6+$0x30] =	vst v57  }
0xc8: {  	v63 =	vadd.s32 v11, v45;
	v57 =	vor.u32 v43, v62;
	[tilespmem:s9+$0x30] =	vst v58;
	v54 =	vld.idx.msk [tilespmem:v54+s18+$0x0], $0xffff  }
0xc9: {  	v46 =	vor.u32 v38, v46;
	v58 =	vor.u32 v40, v63;
	v57 =	vor.u32 v10, v57;
	v56 =	vld.idx.msk [tilespmem:v56+s18+$0x0], $0xffff  }
0xca: {  	[tilespmem:s7+$0x40] =	vst v48;
	v44 =	vor.u32 v32, v44;
	v60 =	vadd.s32 v13, v37;
	v58 =	vor.u32 v10, v58  }
0xcb: {  	v41 =	vor.u32 v32, v41;
	v51 =	vld.idx.msk [tilespmem:v51+s18+$0x0], $0xffff;
	[tilespmem:s1+$0x420] =	vst v49;
	v48 =	vor.u32 v36, v60  }
0xcc: {  	v46 =	vor.u32 v12, v46;
	v59 =	vadd.s32 v15, v42;
	[tilespmem:s8+$0x40] =	vst v50;
	v48 =	vor.u32 v12, v48  }
0xcd: {  	v50 =	vor.u32 v22, v53;
	v49 =	vld.idx.msk [tilespmem:v55+s18+$0x0], $0xffff;
	v61 =	vadd.s32 v13, v42;
	[tilespmem:s6+$0x40] =	vst v54  }
0xce: {  	v53 =	vor.u32 v43, v61;
	v62 =	vadd.s32 v13, v45;
	[tilespmem:s9+$0x40] =	vst v56;
	v55 =	vld.idx.msk [tilespmem:v57+s18+$0x0], $0xffff  }
0xcf: {  	v44 =	vor.u32 v26, v44;
	v53 =	vor.u32 v12, v53;
	v54 =	vor.u32 v40, v62;
	v60 =	vld.idx.msk [tilespmem:v58+s18+$0x0], $0xffff  }
0xd0: {  	v52 =	vld.idx.msk [tilespmem:v52+s18+$0x0], $0xffff;
	[tilespmem:s7+$0x50] =	vst v51;
	v61 =	vadd.s32 v15, v37;
	v54 =	vor.u32 v12, v54  }
0xd1: {  	[tilespmem:s2+$0x420] =	vst v47;
	v51 =	vor.u32 v36, v61;
	v63 =	vadd.s32 v25, v34;
	v48 =	vld.idx.msk [tilespmem:v48+s18+$0x0], $0xffff  }
0xd2: {  	[tilespmem:s8+$0x50] =	vst v49;
	v56 =	vor.u32 v33, v63;
	v62 =	vadd.s32 v15, v39;
	v63 =	vor.u32 v14, v51  }
0xd3: {  	v46 =	vld.idx.msk [tilespmem:v46+s18+$0x0], $0xffff;
	v51 =	vor.u32 v43, v59;
	v49 =	vor.u32 v38, v62;
	[tilespmem:s6+$0x50] =	vst v55  }
0xd4: {  	v49 =	vor.u32 v14, v49;
	[tilespmem:s9+$0x50] =	vst v60;
	v60 =	vadd.s32 v15, v45;
	v53 =	vld.idx.msk [tilespmem:v53+s18+$0x0], $0xffff  }
0xd5: {  	[tilespmem:s1+$0x430] =	vst v52;
	v51 =	vor.u32 v14, v51;
	v54 =	vld.idx.msk [tilespmem:v54+s18+$0x0], $0xffff;
	v55 =	vor.u32 v40, v60  }
0xd6: {  	v41 =	vor.u32 v28, v41;
	v50 =	vld.idx.msk [tilespmem:v50+s18+$0x0], $0xffff;
	[tilespmem:s7+$0x60] =	vst v48;
	v55 =	vor.u32 v14, v55  }
0xd7: {  	v61 =	vadd.s32 v25, v35;
	v59 =	vadd.s32 v17, v45;
	v47 =	vld.idx.msk [tilespmem:v63+s18+$0x0], $0xffff;
	v63 =	vadd.s32 v17, v37  }
0xd8: {  	[tilespmem:s8+$0x60] =	vst v46;
	v62 =	vadd.s32 v17, v39;
	v58 =	vadd.s32 v17, v42;
	v46 =	vor.u32 v36, v63  }
0xd9: {  	v48 =	vor.u32 v38, v62;
	v49 =	vld.idx.msk [tilespmem:v49+s18+$0x0], $0xffff;
	v46 =	vor.u32 v16, v46;
	[tilespmem:s6+$0x60] =	vst v53  }
0xda: {  	v48 =	vor.u32 v16, v48;
	[tilespmem:s9+$0x60] =	vst v54;
	v53 =	vor.u32 v43, v58;
	v51 =	vld.idx.msk [tilespmem:v51+s18+$0x0], $0xffff  }
0xdb: {  	v56 =	vor.u32 v24, v56;
	v54 =	vor.u32 v40, v59;
	v52 =	vor.u32 v16, v53;
	v60 =	vld.idx.msk [tilespmem:v55+s18+$0x0], $0xffff  }
0xdc: {  	[tilespmem:s2+$0x430] =	vst v50;
	v57 =	vor.u32 v32, v61;
	v61 =	vadd.s32 v19, v37;
	v54 =	vor.u32 v16, v54  }
0xdd: {  	v57 =	vor.u32 v24, v57;
	v63 =	vadd.s32 v19, v39;
	[tilespmem:s7+$0x70] =	vst v47;
	v47 =	vor.u32 v36, v61  }
0xde: {  	v47 =	vor.u32 v18, v47;
	[tilespmem:s8+$0x70] =	vst v49;
	v46 =	vld.idx.msk [tilespmem:v46+s18+$0x0], $0xffff;
	v49 =	vor.u32 v38, v63  }
0xdf: {  	v59 =	vadd.s32 v19, v42;
	v48 =	vld.idx.msk [tilespmem:v48+s18+$0x0], $0xffff;
	v49 =	vor.u32 v18, v49;
	[tilespmem:s6+$0x70] =	vst v51  }
0xe0: {  	v51 =	vor.u32 v43, v59;
	[tilespmem:s9+$0x70] =	vst v60;
	v60 =	vadd.s32 v19, v45;
	v52 =	vld.idx.msk [tilespmem:v52+s18+$0x0], $0xffff  }
0xe1: {  	v62 =	vadd.s32 v27, v34;
	v50 =	vor.u32 v18, v51;
	v51 =	vld.idx.msk [tilespmem:v54+s18+$0x0], $0xffff;
	v53 =	vor.u32 v40, v60  }
0xe2: {  	v61 =	vadd.s32 v21, v37;
	v63 =	vadd.s32 v21, v39;
	v53 =	vor.u32 v18, v53  }
0xe3: {  	v55 =	vld.idx.msk [tilespmem:v56+s18+$0x0], $0xffff;
	v56 =	vor.u32 v33, v62;
	v62 =	vor.u32 v36, v61;
	[tilespmem:s7+$0x400] =	vst v46  }
0xe4: {  	v61 =	vadd.s32 v21, v45;
	v46 =	vor.u32 v20, v62;
	v47 =	vld.idx.msk [tilespmem:v47+s18+$0x0], $0xffff;
	[tilespmem:s8+$0x400] =	vst v48  }
0xe5: {  	v59 =	vor.u32 v38, v63;
	v49 =	vld.idx.msk [tilespmem:v49+s18+$0x0], $0xffff;
	v60 =	vadd.s32 v21, v42;
	[tilespmem:s6+$0x400] =	vst v52  }
0xe6: {  	v48 =	vor.u32 v20, v59;
	v52 =	vor.u32 v43, v60;
	[tilespmem:s9+$0x400] =	vst v51;
	v50 =	vld.idx.msk [tilespmem:v50+s18+$0x0], $0xffff  }
0xe7: {  	v35 =	vadd.s32 v31, v35;
	v51 =	vor.u32 v40, v61;
	v52 =	vor.u32 v20, v52;
	v53 =	vld.idx.msk [tilespmem:v53+s18+$0x0], $0xffff  }
0xe8: {  	v58 =	vadd.s32 v23, v39;
	v62 =	vadd.s32 v23, v37;
	[tilespmem:s1+$0x440] =	vst v55;
	v51 =	vor.u32 v20, v51  }
0xe9: {  	v55 =	vor.u32 v36, v62;
	v54 =	vor.u32 v26, v56;
	v56 =	vld.idx.msk [tilespmem:v57+s18+$0x0], $0xffff;
	[tilespmem:s7+$0x410] =	vst v47  }
0xea: {  	v59 =	vadd.s32 v23, v42;
	v47 =	vor.u32 v38, v58;
	v46 =	vld.idx.msk [tilespmem:v46+s18+$0x0], $0xffff;
	[tilespmem:s8+$0x410] =	vst v49  }
0xeb: {  	v49 =	vor.u32 v22, v55;
	v47 =	vor.u32 v22, v47;
	v48 =	vld.idx.msk [tilespmem:v48+s18+$0x0], $0xffff;
	[tilespmem:s6+$0x410] =	vst v50  }
0xec: {  	v60 =	vadd.s32 v23, v45;
	v50 =	vor.u32 v43, v59;
	[tilespmem:s9+$0x410] =	vst v53;
	v52 =	vld.idx.msk [tilespmem:v52+s18+$0x0], $0xffff  }
0xed: {  	v63 =	vadd.s32 v29, v34;
	v55 =	vor.u32 v40, v60;
	v50 =	vor.u32 v22, v50;
	v51 =	vld.idx.msk [tilespmem:v51+s18+$0x0], $0xffff  }
0xee: {  	v34 =	vadd.s32 v31, v34;
	v54 =	vld.idx.msk [tilespmem:v54+s18+$0x0], $0xffff;
	v61 =	vadd.s32 v25, v37;
	v55 =	vor.u32 v22, v55  }
0xef: {  	v62 =	vor.u32 v36, v61;
	v60 =	vadd.s32 v25, v42;
	v61 =	vadd.s32 v25, v45;
	[tilespmem:s7+$0x420] =	vst v46  }
0xf0: {  	v53 =	vor.u32 v33, v63;
	v63 =	vadd.s32 v25, v39;
	v49 =	vld.idx.msk [tilespmem:v49+s18+$0x0], $0xffff;
	[tilespmem:s8+$0x420] =	vst v48  }
0xf1: {  	v46 =	vor.u32 v24, v62;
	v59 =	vor.u32 v38, v63;
	v47 =	vld.idx.msk [tilespmem:v47+s18+$0x0], $0xffff;
	[tilespmem:s6+$0x420] =	vst v52  }
0xf2: {  	v48 =	vor.u32 v24, v59;
	v52 =	vor.u32 v43, v60;
	[tilespmem:s9+$0x420] =	vst v51;
	v50 =	vld.idx.msk [tilespmem:v50+s18+$0x0], $0xffff  }
0xf3: {  	[tilespmem:s2+$0x440] =	vst v56;
	v51 =	vor.u32 v40, v61;
	v52 =	vor.u32 v24, v52;
	v55 =	vld.idx.msk [tilespmem:v55+s18+$0x0], $0xffff  }
0xf4: {  	v44 =	vld.idx.msk [tilespmem:v44+s18+$0x0], $0xffff;
	[tilespmem:s1+$0x450] =	vst v54;
	v62 =	vadd.s32 v27, v37;
	v51 =	vor.u32 v24, v51  }
0xf5: {  	v57 =	vadd.s32 v29, v37;
	v58 =	vor.u32 v36, v62;
	v62 =	vadd.s32 v27, v45;
	[tilespmem:s7+$0x430] =	vst v49  }
0xf6: {  	v63 =	vadd.s32 v27, v39;
	v59 =	vor.u32 v26, v58;
	v46 =	vld.idx.msk [tilespmem:v46+s18+$0x0], $0xffff;
	[tilespmem:s8+$0x430] =	vst v47  }
0xf7: {  	v60 =	vor.u32 v38, v63;
	v61 =	vadd.s32 v27, v42;
	v48 =	vld.idx.msk [tilespmem:v48+s18+$0x0], $0xffff;
	[tilespmem:s6+$0x430] =	vst v50  }
0xf8: {  	v49 =	vor.u32 v26, v60;
	v50 =	vor.u32 v43, v61;
	[tilespmem:s9+$0x430] =	vst v55;
	v52 =	vld.idx.msk [tilespmem:v52+s18+$0x0], $0xffff  }
0xf9: {  	[tilespmem:s2+$0x450] =	vst v44;
	v54 =	vor.u32 v40, v62;
	v50 =	vor.u32 v26, v50;
	v51 =	vld.idx.msk [tilespmem:v51+s18+$0x0], $0xffff  }
0xfa: {  	v53 =	vor.u32 v28, v53;
	v41 =	vld.idx.msk [tilespmem:v41+s18+$0x0], $0xffff;
	v54 =	vor.u32 v26, v54;
	v63 =	vor.u32 v33, v34  }
0xfb: {  	v58 =	vadd.s32 v29, v39;
	v34 =	vor.u32 v36, v57;
	v33 =	vor.u32 v30, v63;
	[tilespmem:s7+$0x440] =	vst v46  }
0xfc: {  	v34 =	vor.u32 v28, v34;
	v60 =	vadd.s32 v29, v42;
	v46 =	vld.idx.msk [tilespmem:v59+s18+$0x0], $0xffff;
	[tilespmem:s8+$0x440] =	vst v48  }
0xfd: {  	v59 =	vor.u32 v38, v58;
	v61 =	vadd.s32 v29, v45;
	v48 =	vld.idx.msk [tilespmem:v49+s18+$0x0], $0xffff;
	[tilespmem:s6+$0x440] =	vst v52  }
0xfe: {  	v47 =	vor.u32 v28, v59;
	v49 =	vor.u32 v43, v60;
	[tilespmem:s9+$0x440] =	vst v51;
	v50 =	vld.idx.msk [tilespmem:v50+s18+$0x0], $0xffff  }
0xff: {  	v63 =	vor.u32 v32, v35;
	v62 =	vor.u32 v40, v61;
	v49 =	vor.u32 v28, v49;
	v51 =	vld.idx.msk [tilespmem:v54+s18+$0x0], $0xffff  }
0x100: {  	v53 =	vld.idx.msk [tilespmem:v53+s18+$0x0], $0xffff;
	v32 =	vor.u32 v30, v63;
	v54 =	vor.u32 v28, v62  }
0x101: {  	v55 =	vadd.s32 v31, v39;
	v58 =	vadd.s32 v31, v42;
	[tilespmem:s7+$0x450] =	vst v46;
	v52 =	vadd.s32 v31, v37  }
0x102: {  	v56 =	vor.u32 v38, v55;
	v34 =	vld.idx.msk [tilespmem:v34+s18+$0x0], $0xffff;
	[tilespmem:s8+$0x450] =	vst v48;
	v35 =	vor.u32 v36, v52  }
0x103: {  	v60 =	vadd.s32 v31, v45;
	v57 =	vld.idx.msk [tilespmem:v47+s18+$0x0], $0xffff;
	v35 =	vor.u32 v30, v35;
	[tilespmem:s6+$0x450] =	vst v50  }
0x104: {  	v39 =	vor.u32 v43, v58;
	v36 =	vor.u32 v30, v56;
	[tilespmem:s9+$0x450] =	vst v51;
	v59 =	vld.idx.msk [tilespmem:v49+s18+$0x0], $0xffff  }
0x105: {  	[tilespmem:s1+$0x460] =	vst v53;
	v39 =	vor.u32 v30, v39;
	v61 =	vor.u32 v40, v60;
	v37 =	vld.idx.msk [tilespmem:v54+s18+$0x0], $0xffff  }
0x106: {  	[tilespmem:s2+$0x460] =	vst v41;
	v33 =	vld.idx.msk [tilespmem:v33+s18+$0x0], $0xffff;
	v40 =	vor.u32 v30, v61  }
0x107: {  	v32 =	vld.idx.msk [tilespmem:v32+s18+$0x0], $0xffff;
	[tilespmem:s7+$0x460] =	vst v34  }
0x108: {  	[tilespmem:s8+$0x460] =	vst v57;
	v34 =	vld.idx.msk [tilespmem:v35+s18+$0x0], $0xffff  }
0x109: {  	v62 =	vld.idx.msk [tilespmem:v36+s18+$0x0], $0xffff;
	[tilespmem:s6+$0x460] =	vst v59  }
0x10a: {  	[tilespmem:s9+$0x460] =	vst v37;
	v63 =	vld.idx.msk [tilespmem:v39+s18+$0x0], $0xffff  }
0x10b: {  	[tilespmem:s1+$0x470] =	vst v33;
	v37 =	vld.idx.msk [tilespmem:v40+s18+$0x0], $0xffff  }
0x10c: {  	[tilespmem:s2+$0x470] =	vst v32  }
0x10d: {  	[tilespmem:s7+$0x470] =	vst v34  }
0x10e: {  	[tilespmem:s8+$0x470] =	vst v62  }
0x10f: {  	[tilespmem:s6+$0x470] =	vst v63  }
0x110: {  	s5 =	simm.s32 $0x1;
	[tilespmem:s9+$0x470] =	vst v37  }
0x111: {  	s1 =	simm.s32 @p0 $0x0;
	s2 =	simm.s32 @p0 $0x100;
	s3 =	rddreg [dreg:$0x8]  }
0x112: {  	v38 =	vmov s5;
	s7 =	sshll.u32 s0, $0xD;
	s9 =	simm.s32 $0x0;
	s8 =	rddreg [dreg:$0x9]  }
0x113: {  	v39 =	vshll.u32 v38, $0x8;
	[tilespmem:s2], [sflag:$0x1] =	stream.linear.gather @p0 [hbm4b:s3+s1], $0x4000, $0x38;
	[tilespmem:$0x18100] =	vst v63  }
0x114: {  	v32 =	vshll.u32 v38, $0x7;
	v34 =	vand.u32 $0x3800, v39;
	v40 =	vmov s9;
	s1 =	sadd.s32 s7, s8  }
0x115: {  	v33 =	vand.u32 $0x380, v32;
	v41 =	vadd.s32 v1, v34;
	v42 =	vshll.u32 v40, $0x8;
	[hbm4b:s1+s4] =	stream.linear.scatter [tilespmem:s23], [sflag:$0x5], $0x4000, $0x38;
	[tilespmem:$0x18100] =	vst v63  }
0x116: {  	v36 =	vor.u32 v33, v41;
	v43 =	vshll.u32 v40, $0x7;
	v35 =	vand.u32 $0x3800, v42;
	_ =	swait.ge [sflag:s24], $0x4000  }
0x117: {  	v36 =	vor.u32 v0, v36;
	v32 =	vand.u32 $0x300, v43;
	v44 =	vadd.s32 v1, v35;
	[sflag:s24] =	ssyncset.done $0x0  }
0x118: {  	s1 =	simm.s32 @!p0 $0x6;
	v37 =	vor.u32 v32, v44;
	[sflag:s24] =	ssyncadd.s32 $0xFFFFC000  }
0x119: {  	v37 =	vor.u32 v0, v37;
	_ =	swait.ge @!p0 [sflag:s1], $0x4000  }
0x11a: {  	[sflag:s1] =	ssyncset.done @!p0 $0x0  }
0x11b: {  	v45 =	vadd.s32 v3, v34;
	[sflag:s1] =	ssyncadd.s32 @!p0 $0xFFFFC000  }
0x11c: {  	v38 =	vor.u32 v33, v45;
	v36 =	vld.idx.msk [tilespmem:v36+s19+$0x0], $0xffff  }
0x11d: {  	v38 =	vor.u32 v2, v38;
	v46 =	vadd.s32 v3, v35  }
0x11e: {  	s14 =	simm.s32 $0x80;
	s2 =	sand.u32 $0x3800, s9;
	v39 =	vor.u32 v32, v46;
	v37 =	vld.idx.msk [tilespmem:v37+s19+$0x0], $0xffff  }
0x11f: {  	s2 =	sor.u32 $0x14100, s2;
	v39 =	vor.u32 v2, v39;
	s1 =	sand.u32 $0x380, s14  }
0x120: {  	s15 =	simm.s32 $0x0;
	s1 =	sadd.s32 s1, s2  }
0x121: {  	v47 =	vadd.s32 v5, v34;
	s6 =	sand.u32 $0x300, s15;
	[tilespmem:s1+$0x0] =	vst v36  }
0x122: {  	s2 =	sadd.s32 s6, s2;
	v36 =	vor.u32 v33, v47;
	v38 =	vld.idx.msk [tilespmem:v38+s19+$0x0], $0xffff  }
0x123: {  	v48 =	vadd.s32 v5, v35;
	[tilespmem:s2+$0x0] =	vst v37;
	v36 =	vor.u32 v4, v36  }
0x124: {  	v37 =	vor.u32 v32, v48;
	v39 =	vld.idx.msk [tilespmem:v39+s19+$0x0], $0xffff  }
0x125: {  	v37 =	vor.u32 v4, v37;
	_ =	sdelay $0x1  }
0x126: {  	v49 =	vadd.s32 v7, v34;
	[tilespmem:s1+$0x10] =	vst v38  }
0x127: {  	v38 =	vor.u32 v33, v49;
	v36 =	vld.idx.msk [tilespmem:v36+s19+$0x0], $0xffff  }
0x128: {  	v50 =	vadd.s32 v7, v35;
	[tilespmem:s2+$0x10] =	vst v39;
	v38 =	vor.u32 v6, v38  }
0x129: {  	v39 =	vor.u32 v32, v50;
	v37 =	vld.idx.msk [tilespmem:v37+s19+$0x0], $0xffff  }
0x12a: {  	v39 =	vor.u32 v6, v39;
	_ =	sdelay $0x1  }
0x12b: {  	v51 =	vadd.s32 v9, v34;
	[tilespmem:s1+$0x20] =	vst v36  }
0x12c: {  	v36 =	vor.u32 v33, v51;
	v38 =	vld.idx.msk [tilespmem:v38+s19+$0x0], $0xffff  }
0x12d: {  	v52 =	vadd.s32 v9, v35;
	[tilespmem:s2+$0x20] =	vst v37;
	v36 =	vor.u32 v8, v36  }
0x12e: {  	v37 =	vor.u32 v32, v52;
	v39 =	vld.idx.msk [tilespmem:v39+s19+$0x0], $0xffff  }
0x12f: {  	v37 =	vor.u32 v8, v37  }
0x130: {  	s31 =	simm.s32 $0x3  }
0x131: {  	v58 =	vmov s31;
	v53 =	vadd.s32 v11, v34;
	[tilespmem:s1+$0x30] =	vst v38  }
0x132: {  	s17 =	simm.s32 $0x2;
	v61 =	vshll.u32 v58, $0x8;
	v55 =	vor.u32 v33, v53;
	v54 =	vld.idx.msk [tilespmem:v36+s19+$0x0], $0xffff  }
0x133: {  	v56 =	vmov s17;
	v57 =	vor.u32 v10, v55;
	v60 =	vadd.s32 v11, v35;
	[tilespmem:s2+$0x30] =	vst v39  }
0x134: {  	v59 =	vshll.u32 v56, $0x7;
	v50 =	vadd.s32 v13, v34;
	v39 =	vor.u32 v32, v60;
	v62 =	vld.idx.msk [tilespmem:v37+s19+$0x0], $0xffff  }
0x135: {  	v37 =	vand.u32 $0x3800, v61;
	v36 =	vshll.u32 v58, $0x7;
	v63 =	vor.u32 v10, v39  }
0x136: {  	v38 =	vshll.u32 v56, $0x8;
	v48 =	vadd.s32 v1, v37;
	v36 =	vand.u32 $0x380, v36  }
0x137: {  	v45 =	vor.u32 v33, v50;
	v39 =	vand.u32 $0x3800, v38;
	v49 =	vor.u32 v36, v48;
	[tilespmem:s1+$0x40] =	vst v54  }
0x138: {  	v38 =	vand.u32 $0x300, v59;
	v51 =	vadd.s32 v1, v39;
	v40 =	vor.u32 v0, v49;
	v41 =	vld.idx.msk [tilespmem:v57+s19+$0x0], $0xffff  }
0x139: {  	v45 =	vor.u32 v12, v45;
	v52 =	vadd.s32 v13, v35;
	v42 =	vor.u32 v38, v51;
	[tilespmem:s2+$0x40] =	vst v62  }
0x13a: {  	v53 =	vor.u32 v32, v52;
	v42 =	vor.u32 v0, v42;
	v43 =	vld.idx.msk [tilespmem:v63+s19+$0x0], $0xffff  }
0x13b: {  	v44 =	vor.u32 v12, v53  }
0x13c: {  	v56 =	vadd.s32 v15, v34;
	v54 =	vadd.s32 v3, v37  }
0x13d: {  	v46 =	vor.u32 v33, v56;
	v55 =	vor.u32 v36, v54;
	v40 =	vld.idx.msk [tilespmem:v40+s19+$0x0], $0xffff;
	[tilespmem:s1+$0x50] =	vst v41  }
0x13e: {  	s6 =	simm.s32 $0x200;
	v59 =	vadd.s32 v15, v35;
	v57 =	vadd.s32 v3, v39;
	v41 =	vor.u32 v2, v55;
	v45 =	vld.idx.msk [tilespmem:v45+s19+$0x0], $0xffff  }
0x13f: {  	s15 =	simm.s32 $0x180;
	s3 =	sand.u32 $0x3800, s6;
	v46 =	vor.u32 v14, v46;
	v58 =	vor.u32 v38, v57;
	v42 =	vld.idx.msk [tilespmem:v42+s19+$0x0], $0xffff;
	[tilespmem:s2+$0x50] =	vst v43  }
0x140: {  	s9 =	sand.u32 $0x380, s15;
	s5 =	sor.u32 $0x14100, s3;
	v47 =	vor.u32 v32, v59;
	v43 =	vor.u32 v2, v58;
	v44 =	vld.idx.msk [tilespmem:v44+s19+$0x0], $0xffff  }
0x141: {  	s14 =	simm.s32 $0x100;
	s7 =	sadd.s32 s9, s5;
	v47 =	vor.u32 v14, v47  }
0x142: {  	s9 =	sand.u32 $0x300, s14;
	v61 =	vadd.s32 v17, v34;
	v60 =	vadd.s32 v5, v37;
	v62 =	vadd.s32 v5, v39;
	[tilespmem:s7+$0x0] =	vst v40  }
0x143: {  	s8 =	sadd.s32 s9, s5;
	v63 =	vadd.s32 v17, v35;
	v40 =	vor.u32 v36, v60;
	v41 =	vld.idx.msk [tilespmem:v41+s19+$0x0], $0xffff;
	[tilespmem:s1+$0x60] =	vst v45  }
0x144: {  	[tilespmem:s8+$0x0] =	vst v42;
	v40 =	vor.u32 v4, v40;
	v45 =	vor.u32 v33, v61;
	v46 =	vld.idx.msk [tilespmem:v46+s19+$0x0], $0xffff  }
0x145: {  	v42 =	vor.u32 v38, v62;
	v43 =	vld.idx.msk [tilespmem:v43+s19+$0x0], $0xffff;
	[tilespmem:s2+$0x60] =	vst v44;
	v45 =	vor.u32 v16, v45  }
0x146: {  	v48 =	vor.u32 v32, v63;
	v42 =	vor.u32 v4, v42;
	v44 =	vld.idx.msk [tilespmem:v47+s19+$0x0], $0xffff  }
0x147: {  	v47 =	vor.u32 v16, v48  }
0x148: {  	v50 =	vadd.s32 v19, v34;
	v52 =	vadd.s32 v7, v39;
	v49 =	vadd.s32 v7, v37;
	[tilespmem:s7+$0x10] =	vst v41  }
0x149: {  	v53 =	vor.u32 v38, v52;
	v41 =	vor.u32 v36, v49;
	v40 =	vld.idx.msk [tilespmem:v40+s19+$0x0], $0xffff;
	[tilespmem:s1+$0x70] =	vst v46  }
0x14a: {  	[tilespmem:s8+$0x10] =	vst v43;
	v41 =	vor.u32 v6, v41;
	v46 =	vor.u32 v33, v50;
	v45 =	vld.idx.msk [tilespmem:v45+s19+$0x0], $0xffff  }
0x14b: {  	v54 =	vadd.s32 v19, v35;
	v42 =	vld.idx.msk [tilespmem:v42+s19+$0x0], $0xffff;
	[tilespmem:s2+$0x70] =	vst v44;
	v51 =	vor.u32 v18, v46  }
0x14c: {  	v44 =	vor.u32 v6, v53;
	v47 =	vld.idx.msk [tilespmem:v47+s19+$0x0], $0xffff;
	v46 =	vor.u32 v32, v54  }
0x14d: {  	v56 =	vadd.s32 v9, v37;
	v55 =	vor.u32 v18, v46  }
0x14e: {  	s17 =	simm.s32 $0x4;
	v59 =	vadd.s32 v9, v39;
	v57 =	vor.u32 v36, v56;
	[tilespmem:s7+$0x20] =	vst v40  }
0x14f: {  	v58 =	vadd.s32 v21, v34;
	v60 =	vmov s17;
	v61 =	vadd.s32 v21, v35;
	v41 =	vld.idx.msk [tilespmem:v41+s19+$0x0], $0xffff;
	[tilespmem:s1+$0x400] =	vst v45  }
0x150: {  	v62 =	vshll.u32 v60, $0x7;
	v46 =	vor.u32 v33, v58;
	[tilespmem:s8+$0x20] =	vst v42;
	v45 =	vor.u32 v8, v57;
	v43 =	vld.idx.msk [tilespmem:v51+s19+$0x0], $0xffff  }
0x151: {  	v54 =	vshll.u32 v60, $0x8;
	v46 =	vor.u32 v20, v46;
	v42 =	vor.u32 v38, v59;
	v44 =	vld.idx.msk [tilespmem:v44+s19+$0x0], $0xffff;
	[tilespmem:s2+$0x400] =	vst v47  }
0x152: {  	v60 =	vadd.s32 v23, v35;
	v63 =	vor.u32 v8, v42;
	v57 =	vor.u32 v32, v61;
	v52 =	vld.idx.msk [tilespmem:v55+s19+$0x0], $0xffff  }
0x153: {  	v53 =	vor.u32 v32, v60;
	v58 =	vor.u32 v20, v57  }
0x154: {  	v59 =	vadd.s32 v11, v37;
	v42 =	vadd.s32 v27, v35;
	v61 =	vadd.s32 v23, v34;
	[tilespmem:s7+$0x30] =	vst v41  }
0x155: {  	v40 =	vand.u32 $0x300, v62;
	v62 =	vor.u32 v33, v61;
	v48 =	vld.idx.msk [tilespmem:v45+s19+$0x0], $0xffff;
	[tilespmem:s1+$0x410] =	vst v43;
	v43 =	vor.u32 v36, v59  }
0x156: {  	s31 =	simm.s32 $0x5;
	v41 =	vadd.s32 v29, v35;
	[tilespmem:s8+$0x30] =	vst v44;
	v49 =	vld.idx.msk [tilespmem:v46+s19+$0x0], $0xffff;
	v50 =	vor.u32 v10, v43  }
0x157: {  	s0 =	sshll.u32 s0, $0x8;
	v44 =	vmov s31;
	v51 =	vld.idx.msk [tilespmem:v63+s19+$0x0], $0xffff;
	v63 =	vadd.s32 v11, v39;
	[tilespmem:s2+$0x410] =	vst v52;
	v52 =	vor.u32 v22, v62  }
0x158: {  	s9 =	sor.u32 s11, s0;
	s17 =	simm.s32 $0x6;
	v55 =	vor.u32 v38, v63;
	v46 =	vadd.s32 v13, v39;
	v43 =	vshll.u32 v44, $0x8;
	v47 =	vld.idx.msk [tilespmem:v58+s19+$0x0], $0xffff  }
.LBB2_5:
0x159: {  	p1 =	slt.u32 s17, $0x3E;
	v45 =	vand.u32 $0x3800, v43;
	v43 =	vshll.u32 v44, $0x7;
	v55 =	vor.u32 v10, v55  }
0x15a: {  	v56 =	vadd.s32 v1, v45;
	v44 =	vand.u32 $0x380, v43;
	[tilespmem:s7+$0x40] =	vst v48;
	v48 =	vor.u32 v22, v53  }
0x15b: {  	v43 =	vand.u32 $0x3800, v54;
	v54 =	vadd.s32 v13, v37;
	v53 =	vor.u32 v44, v56;
	v50 =	vld.idx.msk [tilespmem:v50+s19+$0x0], $0xffff;
	[tilespmem:s1+$0x420] =	vst v49  }
0x15c: {  	v49 =	vor.u32 v0, v53;
	v53 =	vor.u32 v36, v54;
	v52 =	vld.idx.msk [tilespmem:v52+s19+$0x0], $0xffff;
	v54 =	vadd.s32 v25, v34  }
0x15d: {  	v56 =	vadd.s32 v1, v43;
	[tilespmem:s8+$0x40] =	vst v51;
	v51 =	vor.u32 v12, v53;
	v53 =	vor.u32 v33, v54  }
0x15e: {  	v54 =	vor.u32 v40, v56;
	v55 =	vld.idx.msk [tilespmem:v55+s19+$0x0], $0xffff;
	[tilespmem:s2+$0x420] =	vst v47;
	v47 =	vor.u32 v24, v53  }
0x15f: {  	v46 =	vor.u32 v38, v46;
	v53 =	vor.u32 v0, v54;
	v54 =	vadd.s32 v25, v35;
	v48 =	vld.idx.msk [tilespmem:v48+s19+$0x0], $0xffff  }
0x160: {  	v46 =	vor.u32 v12, v46;
	v56 =	vadd.s32 v17, v39;
	v54 =	vor.u32 v32, v54  }
0x161: {  	v57 =	vadd.s32 v3, v45;
	v49 =	vld.idx.msk [tilespmem:v49+s19+$0x0], $0xffff;
	[tilespmem:s7+$0x50] =	vst v50;
	v50 =	vor.u32 v24, v54  }
0x162: {  	v54 =	vor.u32 v44, v57;
	v57 =	vadd.s32 v15, v37;
	v51 =	vld.idx.msk [tilespmem:v51+s19+$0x0], $0xffff;
	[tilespmem:s1+$0x430] =	vst v52  }
0x163: {  	s6 =	sadd.s32 $0x200, s6;
	v52 =	vor.u32 v2, v54;
	v54 =	vor.u32 v36, v57;
	v57 =	vadd.s32 v27, v34;
	v47 =	vld.idx.msk [tilespmem:v47+s19+$0x0], $0xffff  }
0x164: {  	s15 =	sadd.s32 $0x100, s15;
	s14 =	sand.u32 $0x3800, s6;
	v54 =	vor.u32 v14, v54;
	v53 =	vld.idx.msk [tilespmem:v53+s19+$0x0], $0xffff;
	[tilespmem:s8+$0x50] =	vst v55;
	v55 =	vor.u32 v33, v57  }
0x165: {  	s31 =	sadd.s32 $0xFFFFFF80, s15;
	s3 =	sor.u32 $0x14100, s14;
	s14 =	sand.u32 $0x380, s15;
	v57 =	vadd.s32 v3, v43;
	v46 =	vld.idx.msk [tilespmem:v46+s19+$0x0], $0xffff;
	[tilespmem:s2+$0x430] =	vst v48;
	v48 =	vor.u32 v26, v55  }
0x166: {  	v42 =	vor.u32 v32, v42;
	s31 =	sand.u32 $0x300, s31;
	s14 =	sadd.s32 s14, s3;
	v55 =	vor.u32 v40, v57;
	v57 =	vadd.s32 v15, v39;
	v50 =	vld.idx.msk [tilespmem:v50+s19+$0x0], $0xffff  }
0x167: {  	v42 =	vor.u32 v26, v42;
	s31 =	sadd.s32 s31, s3;
	v55 =	vor.u32 v2, v55;
	[tilespmem:s14+$0x0] =	vst v49;
	v49 =	vor.u32 v38, v57  }
0x168: {  	v57 =	vadd.s32 v5, v45;
	v52 =	vld.idx.msk [tilespmem:v52+s19+$0x0], $0xffff;
	v49 =	vor.u32 v14, v49;
	[tilespmem:s7+$0x60] =	vst v51  }
0x169: {  	v51 =	vor.u32 v44, v57;
	v57 =	vadd.s32 v17, v37;
	v54 =	vld.idx.msk [tilespmem:v54+s19+$0x0], $0xffff;
	[tilespmem:s1+$0x440] =	vst v47  }
0x16a: {  	v47 =	vor.u32 v4, v51;
	v51 =	vor.u32 v36, v57;
	v57 =	vadd.s32 v29, v34;
	v48 =	vld.idx.msk [tilespmem:v48+s19+$0x0], $0xffff  }
0x16b: {  	v51 =	vor.u32 v16, v51;
	v57 =	vor.u32 v33, v57;
	[tilespmem:s31+$0x0] =	vst v53;
	v53 =	vadd.s32 v5, v43  }
0x16c: {  	v41 =	vor.u32 v32, v41;
	v55 =	vld.idx.msk [tilespmem:v55+s19+$0x0], $0xffff;
	[tilespmem:s8+$0x60] =	vst v46;
	v46 =	vor.u32 v28, v57  }
0x16d: {  	v56 =	vor.u32 v38, v56;
	v53 =	vor.u32 v40, v53;
	v49 =	vld.idx.msk [tilespmem:v49+s19+$0x0], $0xffff;
	[tilespmem:s2+$0x440] =	vst v50  }
0x16e: {  	v41 =	vor.u32 v28, v41;
	v50 =	vor.u32 v4, v53;
	[tilespmem:s14+$0x10] =	vst v52;
	v42 =	vld.idx.msk [tilespmem:v42+s19+$0x0], $0xffff  }
0x16f: {  	v53 =	vor.u32 v16, v56;
	v52 =	vadd.s32 v7, v45;
	v47 =	vld.idx.msk [tilespmem:v47+s19+$0x0], $0xffff;
	[tilespmem:s7+$0x70] =	vst v54  }
0x170: {  	v52 =	vor.u32 v44, v52;
	v54 =	vadd.s32 v19, v37;
	v51 =	vld.idx.msk [tilespmem:v51+s19+$0x0], $0xffff;
	[tilespmem:s1+$0x450] =	vst v48  }
0x171: {  	v56 =	vadd.s32 v31, v34;
	v48 =	vor.u32 v6, v52;
	v52 =	vor.u32 v36, v54;
	v46 =	vld.idx.msk [tilespmem:v46+s19+$0x0], $0xffff  }
0x172: {  	v35 =	vadd.s32 v31, v35;
	v33 =	vor.u32 v33, v56;
	v52 =	vor.u32 v18, v52;
	[tilespmem:s31+$0x10] =	vst v55  }
0x173: {  	v34 =	vmov v37;
	v54 =	vadd.s32 v7, v43;
	v50 =	vld.idx.msk [tilespmem:v50+s19+$0x0], $0xffff;
	[tilespmem:s8+$0x70] =	vst v49;
	v49 =	vor.u32 v30, v33  }
0x174: {  	v37 =	vmov v45;
	v55 =	vor.u32 v40, v54;
	v54 =	vadd.s32 v19, v39;
	v53 =	vld.idx.msk [tilespmem:v53+s19+$0x0], $0xffff;
	[tilespmem:s2+$0x450] =	vst v42  }
0x175: {  	v45 =	vor.u32 v38, v54;
	v33 =	vmov v36;
	v42 =	vor.u32 v6, v55;
	[tilespmem:s14+$0x20] =	vst v47;
	v41 =	vld.idx.msk [tilespmem:v41+s19+$0x0], $0xffff  }
0x176: {  	v54 =	vor.u32 v32, v35;
	v36 =	vmov v44;
	v45 =	vor.u32 v18, v45;
	v47 =	vld.idx.msk [tilespmem:v48+s19+$0x0], $0xffff;
	[tilespmem:s7+$0x400] =	vst v51  }
0x177: {  	v44 =	vadd.s32 v9, v37;
	v35 =	vmov v39;
	v51 =	vor.u32 v30, v54;
	v48 =	vld.idx.msk [tilespmem:v52+s19+$0x0], $0xffff;
	[tilespmem:s1+$0x460] =	vst v46  }
0x178: {  	v39 =	vmovc v43;
	v32 =	vmov v38;
	v44 =	vor.u32 v36, v44;
	v46 =	vadd.s32 v21, v34;
	v49 =	vld.idx.msk [tilespmem:v49+s19+$0x0], $0xffff  }
0x179: {  	v38 =	vmov v40;
	v43 =	vor.u32 v8, v44;
	v44 =	vor.u32 v33, v46;
	[tilespmem:s31+$0x20] =	vst v50  }
0x17a: {  	v40 =	vadd.s32 v9, v39;
	v44 =	vor.u32 v20, v44;
	v46 =	vld.idx.msk [tilespmem:v42+s19+$0x0], $0xffff;
	[tilespmem:s8+$0x400] =	vst v53  }
0x17b: {  	v40 =	vor.u32 v38, v40;
	v50 =	vadd.s32 v21, v35;
	v42 =	vmov s17;
	v45 =	vld.idx.msk [tilespmem:v45+s19+$0x0], $0xffff;
	[tilespmem:s2+$0x460] =	vst v41  }
0x17c: {  	v53 =	vor.u32 v8, v40;
	v40 =	vor.u32 v32, v50;
	v52 =	vshll.u32 v42, $0x7;
	[tilespmem:s14+$0x30] =	vst v47;
	v56 =	vld.idx.msk [tilespmem:v51+s19+$0x0], $0xffff  }
0x17d: {  	v54 =	vshll.u32 v42, $0x8;
	v41 =	vadd.s32 v29, v35;
	v47 =	vor.u32 v20, v40;
	[tilespmem:s7+$0x410] =	vst v48  }
.Ltmp3:
0x17e: {  	v42 =	vadd.s32 v27, v35;
	v40 =	vand.u32 $0x300, v52;
	v48 =	vld.idx.msk [tilespmem:v43+s19+$0x0], $0xffff;
	v43 =	vadd.s32 v11, v37;
	[tilespmem:s1+$0x470] =	vst v49;
	s1 =	smov.u32 s7;
	s7 =	smov.u32 s14;
	(pc) =	sbr.rel @p1 .LBB2_5-.Ltmp3, $4  }
0x17f: {  	v57 =	vadd.s32 v23, v35;
	v43 =	vor.u32 v36, v43;
	v49 =	vld.idx.msk [tilespmem:v44+s19+$0x0], $0xffff;
	v44 =	vadd.s32 v23, v34  }
0x180: {  	s3 =	sadd.s32 $0x1, s17;
	[tilespmem:s31+$0x30] =	vst v46;
	v46 =	vadd.s32 v13, v39;
	v50 =	vor.u32 v10, v43;
	v43 =	vor.u32 v33, v44  }
0x181: {  	v44 =	vmov s3;
	v51 =	vld.idx.msk [tilespmem:v53+s19+$0x0], $0xffff;
	v53 =	vadd.s32 v11, v39;
	[tilespmem:s8+$0x410] =	vst v45;
	v52 =	vor.u32 v22, v43  }
0x182: {  	s17 =	sadd.s32 $0x2, s17;
	v43 =	vshll.u32 v44, $0x8;
	v55 =	vor.u32 v38, v53;
	v47 =	vld.idx.msk [tilespmem:v47+s19+$0x0], $0xffff;
	v53 =	vor.u32 v32, v57;
	[tilespmem:s2+$0x470] =	vst v56;
	s2 =	smov.u32 s8;
	s8 =	smov.u32 s31  }
0x183: {  	v43 =	vand.u32 $0x3800, v43;
	v44 =	vshll.u32 v44, $0x7  }
0x184: {  	v45 =	vand.u32 $0x3800, v54;
	v56 =	vadd.s32 v1, v43;
	v44 =	vand.u32 $0x380, v44  }
0x185: {  	v63 =	vadd.s32 v1, v45;
	v62 =	vor.u32 v44, v56  }
0x186: {  	v56 =	vor.u32 v40, v63;
	v54 =	vor.u32 v0, v62  }
0x187: {  	v56 =	vor.u32 v0, v56;
	_ =	sdelay $0x2  }
0x188: {  	v57 =	vadd.s32 v3, v43  }
0x189: {  	v58 =	vadd.s32 v3, v45;
	v57 =	vor.u32 v44, v57;
	v54 =	vld.idx.msk [tilespmem:v54+s19+$0x0], $0xffff  }
0x18a: {  	s3 =	sadd.s32 $0x200, s6;
	v58 =	vor.u32 v40, v58;
	v57 =	vor.u32 v2, v57;
	v56 =	vld.idx.msk [tilespmem:v56+s19+$0x0], $0xffff  }
0x18b: {  	s31 =	sadd.s32 $0x100, s15;
	s3 =	sand.u32 $0x3800, s3;
	v58 =	vor.u32 v2, v58  }
0x18c: {  	s14 =	sadd.s32 $0xFFFFFF80, s31;
	s6 =	sand.u32 $0x380, s31;
	s3 =	sor.u32 $0x14100, s3  }
0x18d: {  	s14 =	sand.u32 $0x300, s14;
	s6 =	sadd.s32 s6, s3  }
0x18e: {  	v60 =	vadd.s32 v5, v43;
	s5 =	sadd.s32 s14, s3;
	[tilespmem:s6+$0x0] =	vst v54  }
0x18f: {  	v61 =	vadd.s32 v5, v45;
	v54 =	vor.u32 v44, v60;
	[tilespmem:s5+$0x0] =	vst v56;
	v57 =	vld.idx.msk [tilespmem:v57+s19+$0x0], $0xffff  }
0x190: {  	v56 =	vor.u32 v40, v61;
	v54 =	vor.u32 v4, v54;
	v58 =	vld.idx.msk [tilespmem:v58+s19+$0x0], $0xffff  }
0x191: {  	v56 =	vor.u32 v4, v56;
	_ =	sdelay $0x2  }
0x192: {  	v62 =	vadd.s32 v7, v43;
	[tilespmem:s6+$0x10] =	vst v57  }
0x193: {  	v63 =	vadd.s32 v7, v45;
	v57 =	vor.u32 v44, v62;
	[tilespmem:s5+$0x10] =	vst v58;
	v54 =	vld.idx.msk [tilespmem:v54+s19+$0x0], $0xffff  }
0x194: {  	v58 =	vor.u32 v40, v63;
	v57 =	vor.u32 v6, v57;
	v56 =	vld.idx.msk [tilespmem:v56+s19+$0x0], $0xffff  }
0x195: {  	v58 =	vor.u32 v6, v58;
	_ =	sdelay $0x2  }
0x196: {  	v60 =	vadd.s32 v9, v43;
	[tilespmem:s6+$0x20] =	vst v54  }
0x197: {  	v61 =	vadd.s32 v9, v45;
	v54 =	vor.u32 v44, v60;
	[tilespmem:s5+$0x20] =	vst v56;
	v57 =	vld.idx.msk [tilespmem:v57+s19+$0x0], $0xffff  }
0x198: {  	v56 =	vor.u32 v40, v61;
	v54 =	vor.u32 v8, v54;
	v58 =	vld.idx.msk [tilespmem:v58+s19+$0x0], $0xffff  }
0x199: {  	v56 =	vor.u32 v8, v56;
	_ =	sdelay $0x1  }
0x19a: {  	[tilespmem:s7+$0x40] =	vst v48  }
0x19b: {  	v55 =	vor.u32 v10, v55;
	v62 =	vadd.s32 v11, v43;
	[tilespmem:s6+$0x30] =	vst v57  }
0x19c: {  	v63 =	vadd.s32 v11, v45;
	v57 =	vor.u32 v44, v62;
	[tilespmem:s5+$0x30] =	vst v58;
	v54 =	vld.idx.msk [tilespmem:v54+s19+$0x0], $0xffff  }
0x19d: {  	v46 =	vor.u32 v38, v46;
	v58 =	vor.u32 v40, v63;
	v57 =	vor.u32 v10, v57;
	v56 =	vld.idx.msk [tilespmem:v56+s19+$0x0], $0xffff  }
0x19e: {  	v42 =	vor.u32 v32, v42;
	[tilespmem:s1+$0x420] =	vst v49;
	v60 =	vadd.s32 v13, v37;
	v58 =	vor.u32 v10, v58  }
0x19f: {  	v41 =	vor.u32 v32, v41;
	v50 =	vld.idx.msk [tilespmem:v50+s19+$0x0], $0xffff;
	[tilespmem:s8+$0x40] =	vst v51;
	v48 =	vor.u32 v36, v60  }
0x1a0: {  	v46 =	vor.u32 v12, v46;
	v59 =	vadd.s32 v15, v43;
	v49 =	vld.idx.msk [tilespmem:v55+s19+$0x0], $0xffff;
	v48 =	vor.u32 v12, v48  }
0x1a1: {  	v42 =	vor.u32 v26, v42;
	v51 =	vor.u32 v22, v53;
	v61 =	vadd.s32 v13, v43;
	[tilespmem:s6+$0x40] =	vst v54  }
0x1a2: {  	v53 =	vor.u32 v44, v61;
	v62 =	vadd.s32 v13, v45;
	[tilespmem:s5+$0x40] =	vst v56;
	v55 =	vld.idx.msk [tilespmem:v57+s19+$0x0], $0xffff  }
0x1a3: {  	[tilespmem:s2+$0x420] =	vst v47;
	v53 =	vor.u32 v12, v53;
	v54 =	vor.u32 v40, v62;
	v60 =	vld.idx.msk [tilespmem:v58+s19+$0x0], $0xffff  }
0x1a4: {  	v52 =	vld.idx.msk [tilespmem:v52+s19+$0x0], $0xffff;
	[tilespmem:s7+$0x50] =	vst v50;
	v61 =	vadd.s32 v15, v37;
	v54 =	vor.u32 v12, v54  }
0x1a5: {  	[tilespmem:s8+$0x50] =	vst v49;
	v50 =	vor.u32 v36, v61;
	v63 =	vadd.s32 v25, v34;
	v48 =	vld.idx.msk [tilespmem:v48+s19+$0x0], $0xffff  }
0x1a6: {  	v46 =	vld.idx.msk [tilespmem:v46+s19+$0x0], $0xffff;
	v56 =	vor.u32 v33, v63;
	v62 =	vadd.s32 v15, v39;
	v63 =	vor.u32 v14, v50  }
0x1a7: {  	v50 =	vld.idx.msk [tilespmem:v51+s19+$0x0], $0xffff;
	v51 =	vor.u32 v44, v59;
	v49 =	vor.u32 v38, v62;
	[tilespmem:s6+$0x50] =	vst v55  }
0x1a8: {  	v49 =	vor.u32 v14, v49;
	[tilespmem:s5+$0x50] =	vst v60;
	v60 =	vadd.s32 v15, v45;
	v53 =	vld.idx.msk [tilespmem:v53+s19+$0x0], $0xffff  }
0x1a9: {  	[tilespmem:s1+$0x430] =	vst v52;
	v51 =	vor.u32 v14, v51;
	v54 =	vld.idx.msk [tilespmem:v54+s19+$0x0], $0xffff;
	v55 =	vor.u32 v40, v60  }
0x1aa: {  	v41 =	vor.u32 v28, v41;
	v61 =	vadd.s32 v25, v35;
	[tilespmem:s7+$0x60] =	vst v48;
	v55 =	vor.u32 v14, v55  }
0x1ab: {  	v59 =	vadd.s32 v17, v45;
	v56 =	vor.u32 v24, v56;
	v47 =	vld.idx.msk [tilespmem:v63+s19+$0x0], $0xffff;
	v63 =	vadd.s32 v17, v37  }
0x1ac: {  	[tilespmem:s8+$0x60] =	vst v46;
	v62 =	vadd.s32 v17, v39;
	v58 =	vadd.s32 v17, v43;
	v46 =	vor.u32 v36, v63  }
0x1ad: {  	v48 =	vor.u32 v38, v62;
	v49 =	vld.idx.msk [tilespmem:v49+s19+$0x0], $0xffff;
	v46 =	vor.u32 v16, v46;
	[tilespmem:s6+$0x60] =	vst v53  }
0x1ae: {  	v48 =	vor.u32 v16, v48;
	[tilespmem:s5+$0x60] =	vst v54;
	v53 =	vor.u32 v44, v58;
	v51 =	vld.idx.msk [tilespmem:v51+s19+$0x0], $0xffff  }
0x1af: {  	v57 =	vor.u32 v32, v61;
	v54 =	vor.u32 v40, v59;
	v52 =	vor.u32 v16, v53;
	v60 =	vld.idx.msk [tilespmem:v55+s19+$0x0], $0xffff  }
0x1b0: {  	v61 =	vadd.s32 v19, v37;
	v57 =	vor.u32 v24, v57;
	v54 =	vor.u32 v16, v54  }
0x1b1: {  	v62 =	vadd.s32 v27, v34;
	v63 =	vadd.s32 v19, v39;
	[tilespmem:s7+$0x70] =	vst v47;
	v47 =	vor.u32 v36, v61  }
0x1b2: {  	v47 =	vor.u32 v18, v47;
	[tilespmem:s8+$0x70] =	vst v49;
	v46 =	vld.idx.msk [tilespmem:v46+s19+$0x0], $0xffff;
	v49 =	vor.u32 v38, v63  }
0x1b3: {  	v59 =	vadd.s32 v19, v43;
	v48 =	vld.idx.msk [tilespmem:v48+s19+$0x0], $0xffff;
	v49 =	vor.u32 v18, v49;
	[tilespmem:s6+$0x70] =	vst v51  }
0x1b4: {  	v51 =	vor.u32 v44, v59;
	[tilespmem:s5+$0x70] =	vst v60;
	v60 =	vadd.s32 v19, v45;
	v52 =	vld.idx.msk [tilespmem:v52+s19+$0x0], $0xffff  }
0x1b5: {  	[tilespmem:s2+$0x430] =	vst v50;
	v50 =	vor.u32 v18, v51;
	v51 =	vld.idx.msk [tilespmem:v54+s19+$0x0], $0xffff;
	v53 =	vor.u32 v40, v60  }
0x1b6: {  	v61 =	vadd.s32 v21, v37;
	v63 =	vadd.s32 v21, v39;
	v53 =	vor.u32 v18, v53  }
0x1b7: {  	v55 =	vld.idx.msk [tilespmem:v56+s19+$0x0], $0xffff;
	v56 =	vor.u32 v33, v62;
	v62 =	vor.u32 v36, v61;
	[tilespmem:s7+$0x400] =	vst v46  }
0x1b8: {  	v61 =	vadd.s32 v21, v45;
	v46 =	vor.u32 v20, v62;
	v47 =	vld.idx.msk [tilespmem:v47+s19+$0x0], $0xffff;
	[tilespmem:s8+$0x400] =	vst v48  }
0x1b9: {  	v59 =	vor.u32 v38, v63;
	v49 =	vld.idx.msk [tilespmem:v49+s19+$0x0], $0xffff;
	v60 =	vadd.s32 v21, v43;
	[tilespmem:s6+$0x400] =	vst v52  }
0x1ba: {  	v48 =	vor.u32 v20, v59;
	v52 =	vor.u32 v44, v60;
	[tilespmem:s5+$0x400] =	vst v51;
	v50 =	vld.idx.msk [tilespmem:v50+s19+$0x0], $0xffff  }
0x1bb: {  	v35 =	vadd.s32 v31, v35;
	v51 =	vor.u32 v40, v61;
	v52 =	vor.u32 v20, v52;
	v53 =	vld.idx.msk [tilespmem:v53+s19+$0x0], $0xffff  }
0x1bc: {  	v58 =	vadd.s32 v23, v39;
	v62 =	vadd.s32 v23, v37;
	[tilespmem:s1+$0x440] =	vst v55;
	v51 =	vor.u32 v20, v51  }
0x1bd: {  	v55 =	vor.u32 v36, v62;
	v54 =	vor.u32 v26, v56;
	v56 =	vld.idx.msk [tilespmem:v57+s19+$0x0], $0xffff;
	[tilespmem:s7+$0x410] =	vst v47  }
0x1be: {  	v59 =	vadd.s32 v23, v43;
	v47 =	vor.u32 v38, v58;
	v46 =	vld.idx.msk [tilespmem:v46+s19+$0x0], $0xffff;
	[tilespmem:s8+$0x410] =	vst v49  }
0x1bf: {  	v49 =	vor.u32 v22, v55;
	v47 =	vor.u32 v22, v47;
	v48 =	vld.idx.msk [tilespmem:v48+s19+$0x0], $0xffff;
	[tilespmem:s6+$0x410] =	vst v50  }
0x1c0: {  	v60 =	vadd.s32 v23, v45;
	v50 =	vor.u32 v44, v59;
	[tilespmem:s5+$0x410] =	vst v53;
	v52 =	vld.idx.msk [tilespmem:v52+s19+$0x0], $0xffff  }
0x1c1: {  	v63 =	vadd.s32 v29, v34;
	v55 =	vor.u32 v40, v60;
	v50 =	vor.u32 v22, v50;
	v51 =	vld.idx.msk [tilespmem:v51+s19+$0x0], $0xffff  }
0x1c2: {  	v34 =	vadd.s32 v31, v34;
	v54 =	vld.idx.msk [tilespmem:v54+s19+$0x0], $0xffff;
	v61 =	vadd.s32 v25, v37;
	v55 =	vor.u32 v22, v55  }
0x1c3: {  	v62 =	vor.u32 v36, v61;
	v60 =	vadd.s32 v25, v43;
	v61 =	vadd.s32 v25, v45;
	[tilespmem:s7+$0x420] =	vst v46  }
0x1c4: {  	v53 =	vor.u32 v33, v63;
	v63 =	vadd.s32 v25, v39;
	v49 =	vld.idx.msk [tilespmem:v49+s19+$0x0], $0xffff;
	[tilespmem:s8+$0x420] =	vst v48  }
0x1c5: {  	v46 =	vor.u32 v24, v62;
	v59 =	vor.u32 v38, v63;
	v47 =	vld.idx.msk [tilespmem:v47+s19+$0x0], $0xffff;
	[tilespmem:s6+$0x420] =	vst v52  }
0x1c6: {  	v48 =	vor.u32 v24, v59;
	v52 =	vor.u32 v44, v60;
	[tilespmem:s5+$0x420] =	vst v51;
	v50 =	vld.idx.msk [tilespmem:v50+s19+$0x0], $0xffff  }
0x1c7: {  	[tilespmem:s2+$0x440] =	vst v56;
	v51 =	vor.u32 v40, v61;
	v52 =	vor.u32 v24, v52;
	v55 =	vld.idx.msk [tilespmem:v55+s19+$0x0], $0xffff  }
0x1c8: {  	v42 =	vld.idx.msk [tilespmem:v42+s19+$0x0], $0xffff;
	[tilespmem:s1+$0x450] =	vst v54;
	v62 =	vadd.s32 v27, v37;
	v51 =	vor.u32 v24, v51  }
0x1c9: {  	v57 =	vadd.s32 v29, v37;
	v58 =	vor.u32 v36, v62;
	v62 =	vadd.s32 v27, v45;
	[tilespmem:s7+$0x430] =	vst v49  }
0x1ca: {  	v63 =	vadd.s32 v27, v39;
	v59 =	vor.u32 v26, v58;
	v46 =	vld.idx.msk [tilespmem:v46+s19+$0x0], $0xffff;
	[tilespmem:s8+$0x430] =	vst v47  }
0x1cb: {  	v60 =	vor.u32 v38, v63;
	v61 =	vadd.s32 v27, v43;
	v48 =	vld.idx.msk [tilespmem:v48+s19+$0x0], $0xffff;
	[tilespmem:s6+$0x430] =	vst v50  }
0x1cc: {  	v49 =	vor.u32 v26, v60;
	v50 =	vor.u32 v44, v61;
	[tilespmem:s5+$0x430] =	vst v55;
	v52 =	vld.idx.msk [tilespmem:v52+s19+$0x0], $0xffff  }
0x1cd: {  	[tilespmem:s2+$0x450] =	vst v42;
	v54 =	vor.u32 v40, v62;
	v50 =	vor.u32 v26, v50;
	v51 =	vld.idx.msk [tilespmem:v51+s19+$0x0], $0xffff  }
0x1ce: {  	v53 =	vor.u32 v28, v53;
	v41 =	vld.idx.msk [tilespmem:v41+s19+$0x0], $0xffff;
	v54 =	vor.u32 v26, v54;
	v63 =	vor.u32 v33, v34  }
0x1cf: {  	v58 =	vadd.s32 v29, v39;
	v34 =	vor.u32 v36, v57;
	v33 =	vor.u32 v30, v63;
	[tilespmem:s7+$0x440] =	vst v46  }
0x1d0: {  	v34 =	vor.u32 v28, v34;
	v60 =	vadd.s32 v29, v43;
	v46 =	vld.idx.msk [tilespmem:v59+s19+$0x0], $0xffff;
	[tilespmem:s8+$0x440] =	vst v48  }
0x1d1: {  	v59 =	vor.u32 v38, v58;
	v61 =	vadd.s32 v29, v45;
	v48 =	vld.idx.msk [tilespmem:v49+s19+$0x0], $0xffff;
	[tilespmem:s6+$0x440] =	vst v52  }
0x1d2: {  	v47 =	vor.u32 v28, v59;
	v49 =	vor.u32 v44, v60;
	[tilespmem:s5+$0x440] =	vst v51;
	v50 =	vld.idx.msk [tilespmem:v50+s19+$0x0], $0xffff  }
0x1d3: {  	v63 =	vor.u32 v32, v35;
	v62 =	vor.u32 v40, v61;
	v49 =	vor.u32 v28, v49;
	v51 =	vld.idx.msk [tilespmem:v54+s19+$0x0], $0xffff  }
0x1d4: {  	v53 =	vld.idx.msk [tilespmem:v53+s19+$0x0], $0xffff;
	v32 =	vor.u32 v30, v63;
	v54 =	vor.u32 v28, v62  }
0x1d5: {  	v55 =	vadd.s32 v31, v39;
	v58 =	vadd.s32 v31, v43;
	[tilespmem:s7+$0x450] =	vst v46;
	v52 =	vadd.s32 v31, v37  }
0x1d6: {  	v56 =	vor.u32 v38, v55;
	v34 =	vld.idx.msk [tilespmem:v34+s19+$0x0], $0xffff;
	[tilespmem:s8+$0x450] =	vst v48;
	v35 =	vor.u32 v36, v52  }
0x1d7: {  	v60 =	vadd.s32 v31, v45;
	v57 =	vld.idx.msk [tilespmem:v47+s19+$0x0], $0xffff;
	v35 =	vor.u32 v30, v35;
	[tilespmem:s6+$0x450] =	vst v50  }
0x1d8: {  	v39 =	vor.u32 v44, v58;
	v36 =	vor.u32 v30, v56;
	[tilespmem:s5+$0x450] =	vst v51;
	v59 =	vld.idx.msk [tilespmem:v49+s19+$0x0], $0xffff  }
0x1d9: {  	[tilespmem:s1+$0x460] =	vst v53;
	v39 =	vor.u32 v30, v39;
	v61 =	vor.u32 v40, v60;
	v37 =	vld.idx.msk [tilespmem:v54+s19+$0x0], $0xffff  }
0x1da: {  	[tilespmem:s2+$0x460] =	vst v41;
	v33 =	vld.idx.msk [tilespmem:v33+s19+$0x0], $0xffff;
	v40 =	vor.u32 v30, v61  }
0x1db: {  	v32 =	vld.idx.msk [tilespmem:v32+s19+$0x0], $0xffff;
	[tilespmem:s7+$0x460] =	vst v34  }
0x1dc: {  	[tilespmem:s8+$0x460] =	vst v57;
	v34 =	vld.idx.msk [tilespmem:v35+s19+$0x0], $0xffff  }
0x1dd: {  	v62 =	vld.idx.msk [tilespmem:v36+s19+$0x0], $0xffff;
	[tilespmem:s6+$0x460] =	vst v59  }
0x1de: {  	[tilespmem:s5+$0x460] =	vst v37;
	v63 =	vld.idx.msk [tilespmem:v39+s19+$0x0], $0xffff  }
0x1df: {  	[tilespmem:s1+$0x470] =	vst v33;
	v37 =	vld.idx.msk [tilespmem:v40+s19+$0x0], $0xffff  }
0x1e0: {  	[tilespmem:s2+$0x470] =	vst v32  }
0x1e1: {  	[tilespmem:s7+$0x470] =	vst v34  }
0x1e2: {  	[tilespmem:s8+$0x470] =	vst v62  }
0x1e3: {  	s9 =	sshll.u32 s9, $0x5;
	[tilespmem:s6+$0x470] =	vst v63  }
0x1e4: {  	s1 =	simm.s32 @p0 $0x0;
	s2 =	simm.s32 @p0 $0x4100;
	s8 =	simm.s32 $0x1;
	[tilespmem:s5+$0x470] =	vst v37  }
0x1e5: {  	v38 =	vmov s8;
	[tilespmem:s2], [sflag:$0x2] =	stream.linear.gather @p0 [hbm4b:s12+s1], $0x4000, $0x38;
	[tilespmem:$0x18100] =	vst v63  }
0x1e6: {  	s14 =	simm.s32 $0x0;
	v39 =	vshll.u32 v38, $0x8;
	s1 =	sadd.s32 s9, s10  }
0x1e7: {  	v40 =	vmov s14;
	v32 =	vshll.u32 v38, $0x7;
	v34 =	vand.u32 $0x3800, v39;
	s2 =	sadd.s32 $0x800, s1  }
0x1e8: {  	v42 =	vshll.u32 v40, $0x8;
	v33 =	vand.u32 $0x380, v32;
	v41 =	vadd.s32 v1, v34;
	[hbm4b:s2+s14] =	stream.linear.scatter [tilespmem:s25], [sflag:$0x6], $0x4000, $0x38;
	[tilespmem:$0x18100] =	vst v63  }
0x1e9: {  	v43 =	vshll.u32 v40, $0x7;
	v35 =	vand.u32 $0x3800, v42;
	v36 =	vor.u32 v33, v41;
	_ =	swait.ge [sflag:s26], $0x4000  }
0x1ea: {  	v32 =	vand.u32 $0x300, v43;
	v44 =	vadd.s32 v1, v35;
	v36 =	vor.u32 v0, v36;
	[sflag:s26] =	ssyncset.done $0x0  }
0x1eb: {  	v37 =	vor.u32 v32, v44;
	[sflag:s26] =	ssyncadd.s32 $0xFFFFC000  }
0x1ec: {  	v37 =	vor.u32 v0, v37;
	_ =	swait.ge [sflag:s28], $0x4000  }
0x1ed: {  	[sflag:s28] =	ssyncset.done $0x0  }
0x1ee: {  	v45 =	vadd.s32 v3, v34;
	[sflag:s28] =	ssyncadd.s32 $0xFFFFC000  }
0x1ef: {  	v38 =	vor.u32 v33, v45;
	v36 =	vld.idx.msk [tilespmem:v36+s20+$0x0], $0xffff  }
0x1f0: {  	v46 =	vadd.s32 v3, v35;
	v38 =	vor.u32 v2, v38  }
0x1f1: {  	s15 =	simm.s32 $0x80;
	s3 =	sand.u32 $0x3800, s14;
	v39 =	vor.u32 v32, v46;
	v37 =	vld.idx.msk [tilespmem:v37+s20+$0x0], $0xffff  }
0x1f2: {  	s3 =	sor.u32 $0x10100, s3;
	v39 =	vor.u32 v2, v39;
	s2 =	sand.u32 $0x380, s15  }
0x1f3: {  	s17 =	simm.s32 $0x0;
	s2 =	sadd.s32 s2, s3  }
0x1f4: {  	v47 =	vadd.s32 v5, v34;
	s6 =	sand.u32 $0x300, s17;
	[tilespmem:s2+$0x0] =	vst v36  }
0x1f5: {  	s7 =	sadd.s32 s6, s3;
	v36 =	vor.u32 v33, v47;
	v38 =	vld.idx.msk [tilespmem:v38+s20+$0x0], $0xffff  }
0x1f6: {  	v48 =	vadd.s32 v5, v35;
	[tilespmem:s7+$0x0] =	vst v37;
	v36 =	vor.u32 v4, v36  }
0x1f7: {  	v37 =	vor.u32 v32, v48;
	v39 =	vld.idx.msk [tilespmem:v39+s20+$0x0], $0xffff  }
0x1f8: {  	v37 =	vor.u32 v4, v37;
	_ =	sdelay $0x1  }
0x1f9: {  	v49 =	vadd.s32 v7, v34;
	[tilespmem:s2+$0x10] =	vst v38  }
0x1fa: {  	v38 =	vor.u32 v33, v49;
	v36 =	vld.idx.msk [tilespmem:v36+s20+$0x0], $0xffff  }
0x1fb: {  	v50 =	vadd.s32 v7, v35;
	[tilespmem:s7+$0x10] =	vst v39;
	v38 =	vor.u32 v6, v38  }
0x1fc: {  	v39 =	vor.u32 v32, v50;
	v37 =	vld.idx.msk [tilespmem:v37+s20+$0x0], $0xffff  }
0x1fd: {  	v39 =	vor.u32 v6, v39;
	_ =	sdelay $0x1  }
0x1fe: {  	v51 =	vadd.s32 v9, v34;
	[tilespmem:s2+$0x20] =	vst v36  }
0x1ff: {  	v36 =	vor.u32 v33, v51;
	v38 =	vld.idx.msk [tilespmem:v38+s20+$0x0], $0xffff  }
0x200: {  	v52 =	vadd.s32 v9, v35;
	[tilespmem:s7+$0x20] =	vst v37;
	v36 =	vor.u32 v8, v36  }
0x201: {  	v37 =	vor.u32 v32, v52;
	v39 =	vld.idx.msk [tilespmem:v39+s20+$0x0], $0xffff  }
0x202: {  	v37 =	vor.u32 v8, v37  }
0x203: {  	s31 =	simm.s32 $0x2  }
0x204: {  	v56 =	vmov s31;
	v53 =	vadd.s32 v11, v34;
	[tilespmem:s2+$0x30] =	vst v38  }
0x205: {  	v59 =	vshll.u32 v56, $0x7;
	v55 =	vor.u32 v33, v53;
	s5 =	simm.s32 $0x3;
	v54 =	vld.idx.msk [tilespmem:v36+s20+$0x0], $0xffff  }
0x206: {  	v60 =	vadd.s32 v11, v35;
	v57 =	vor.u32 v10, v55;
	v58 =	vmov s5;
	[tilespmem:s7+$0x30] =	vst v39  }
0x207: {  	v61 =	vshll.u32 v58, $0x8;
	v50 =	vadd.s32 v13, v34;
	v39 =	vor.u32 v32, v60;
	v62 =	vld.idx.msk [tilespmem:v37+s20+$0x0], $0xffff  }
0x208: {  	v37 =	vand.u32 $0x3800, v61;
	v36 =	vshll.u32 v58, $0x7;
	v63 =	vor.u32 v10, v39  }
0x209: {  	v38 =	vshll.u32 v56, $0x8;
	v48 =	vadd.s32 v1, v37;
	v36 =	vand.u32 $0x380, v36  }
0x20a: {  	v45 =	vor.u32 v33, v50;
	v39 =	vand.u32 $0x3800, v38;
	v49 =	vor.u32 v36, v48;
	[tilespmem:s2+$0x40] =	vst v54  }
0x20b: {  	v38 =	vand.u32 $0x300, v59;
	v51 =	vadd.s32 v1, v39;
	v40 =	vor.u32 v0, v49;
	v41 =	vld.idx.msk [tilespmem:v57+s20+$0x0], $0xffff  }
0x20c: {  	v45 =	vor.u32 v12, v45;
	v52 =	vadd.s32 v13, v35;
	v42 =	vor.u32 v38, v51;
	[tilespmem:s7+$0x40] =	vst v62  }
0x20d: {  	v53 =	vor.u32 v32, v52;
	v42 =	vor.u32 v0, v42;
	v43 =	vld.idx.msk [tilespmem:v63+s20+$0x0], $0xffff  }
0x20e: {  	v44 =	vor.u32 v12, v53  }
0x20f: {  	v56 =	vadd.s32 v15, v34;
	v54 =	vadd.s32 v3, v37  }
0x210: {  	v46 =	vor.u32 v33, v56;
	v55 =	vor.u32 v36, v54;
	v40 =	vld.idx.msk [tilespmem:v40+s20+$0x0], $0xffff;
	[tilespmem:s2+$0x50] =	vst v41  }
0x211: {  	s15 =	simm.s32 $0x200;
	v59 =	vadd.s32 v15, v35;
	v57 =	vadd.s32 v3, v39;
	v41 =	vor.u32 v2, v55;
	v45 =	vld.idx.msk [tilespmem:v45+s20+$0x0], $0xffff  }
0x212: {  	s6 =	simm.s32 $0x180;
	s8 =	sand.u32 $0x3800, s15;
	v46 =	vor.u32 v14, v46;
	v58 =	vor.u32 v38, v57;
	v42 =	vld.idx.msk [tilespmem:v42+s20+$0x0], $0xffff;
	[tilespmem:s7+$0x50] =	vst v43  }
0x213: {  	s9 =	sand.u32 $0x380, s6;
	s3 =	sor.u32 $0x10100, s8;
	v47 =	vor.u32 v32, v59;
	v43 =	vor.u32 v2, v58;
	v44 =	vld.idx.msk [tilespmem:v44+s20+$0x0], $0xffff  }
0x214: {  	s14 =	simm.s32 $0x100;
	s8 =	sadd.s32 s9, s3;
	v47 =	vor.u32 v14, v47  }
0x215: {  	s9 =	sand.u32 $0x300, s14;
	v61 =	vadd.s32 v17, v34;
	v60 =	vadd.s32 v5, v37;
	v62 =	vadd.s32 v5, v39;
	[tilespmem:s8+$0x0] =	vst v40  }
0x216: {  	s9 =	sadd.s32 s9, s3;
	v63 =	vadd.s32 v17, v35;
	v40 =	vor.u32 v36, v60;
	v41 =	vld.idx.msk [tilespmem:v41+s20+$0x0], $0xffff;
	[tilespmem:s2+$0x60] =	vst v45  }
0x217: {  	[tilespmem:s9+$0x0] =	vst v42;
	v40 =	vor.u32 v4, v40;
	v45 =	vor.u32 v33, v61;
	v46 =	vld.idx.msk [tilespmem:v46+s20+$0x0], $0xffff  }
0x218: {  	v42 =	vor.u32 v38, v62;
	v43 =	vld.idx.msk [tilespmem:v43+s20+$0x0], $0xffff;
	[tilespmem:s7+$0x60] =	vst v44;
	v45 =	vor.u32 v16, v45  }
0x219: {  	v51 =	vor.u32 v32, v63;
	v42 =	vor.u32 v4, v42;
	v44 =	vld.idx.msk [tilespmem:v47+s20+$0x0], $0xffff  }
0x21a: {  	v47 =	vor.u32 v16, v51  }
0x21b: {  	v53 =	vadd.s32 v19, v34;
	v52 =	vadd.s32 v7, v37;
	v57 =	vadd.s32 v19, v35;
	[tilespmem:s8+$0x10] =	vst v41  }
0x21c: {  	v55 =	vadd.s32 v7, v39;
	v41 =	vor.u32 v36, v52;
	v40 =	vld.idx.msk [tilespmem:v40+s20+$0x0], $0xffff;
	[tilespmem:s2+$0x70] =	vst v46  }
0x21d: {  	[tilespmem:s9+$0x10] =	vst v43;
	v41 =	vor.u32 v6, v41;
	v46 =	vor.u32 v33, v53;
	v45 =	vld.idx.msk [tilespmem:v45+s20+$0x0], $0xffff  }
0x21e: {  	v56 =	vor.u32 v38, v55;
	v42 =	vld.idx.msk [tilespmem:v42+s20+$0x0], $0xffff;
	[tilespmem:s7+$0x70] =	vst v44;
	v54 =	vor.u32 v18, v46  }
0x21f: {  	v44 =	vor.u32 v6, v56;
	v47 =	vld.idx.msk [tilespmem:v47+s20+$0x0], $0xffff;
	v46 =	vor.u32 v32, v57  }
0x220: {  	v59 =	vadd.s32 v9, v37;
	v58 =	vor.u32 v18, v46  }
0x221: {  	v60 =	vor.u32 v36, v59;
	v62 =	vadd.s32 v9, v39;
	[tilespmem:s8+$0x20] =	vst v40  }
0x222: {  	v61 =	vadd.s32 v21, v34;
	v57 =	vadd.s32 v21, v35;
	v41 =	vld.idx.msk [tilespmem:v41+s20+$0x0], $0xffff;
	[tilespmem:s2+$0x400] =	vst v45  }
0x223: {  	s17 =	simm.s32 $0x4;
	v46 =	vor.u32 v33, v61;
	[tilespmem:s9+$0x20] =	vst v42;
	v45 =	vor.u32 v8, v60;
	v43 =	vld.idx.msk [tilespmem:v54+s20+$0x0], $0xffff  }
0x224: {  	v56 =	vmov s17;
	v46 =	vor.u32 v20, v46;
	v42 =	vor.u32 v38, v62;
	v63 =	vld.idx.msk [tilespmem:v44+s20+$0x0], $0xffff;
	[tilespmem:s7+$0x400] =	vst v47  }
0x225: {  	v59 =	vshll.u32 v56, $0x7;
	v42 =	vor.u32 v8, v42;
	v47 =	vor.u32 v32, v57;
	v58 =	vld.idx.msk [tilespmem:v58+s20+$0x0], $0xffff  }
0x226: {  	v61 =	vadd.s32 v23, v35;
	v62 =	vadd.s32 v23, v34;
	v47 =	vor.u32 v20, v47  }
0x227: {  	v44 =	vadd.s32 v27, v35;
	v53 =	vor.u32 v33, v62;
	v60 =	vadd.s32 v11, v37;
	[tilespmem:s8+$0x30] =	vst v41  }
0x228: {  	v40 =	vand.u32 $0x300, v59;
	v52 =	vor.u32 v22, v53;
	v48 =	vld.idx.msk [tilespmem:v45+s20+$0x0], $0xffff;
	[tilespmem:s2+$0x410] =	vst v43;
	v43 =	vor.u32 v36, v60  }
0x229: {  	s31 =	simm.s32 $0x5;
	v53 =	vor.u32 v32, v61;
	v54 =	vshll.u32 v56, $0x8;
	[tilespmem:s9+$0x30] =	vst v63;
	v49 =	vld.idx.msk [tilespmem:v46+s20+$0x0], $0xffff;
	v51 =	vor.u32 v10, v43  }
0x22a: {  	v41 =	vadd.s32 v29, v35;
	v63 =	vadd.s32 v11, v39;
	v50 =	vld.idx.msk [tilespmem:v42+s20+$0x0], $0xffff;
	[tilespmem:s7+$0x410] =	vst v58;
	v43 =	vmov s31  }
0x22b: {  	s17 =	simm.s32 $0x6;
	v55 =	vor.u32 v38, v63;
	v46 =	vadd.s32 v13, v39;
	v47 =	vld.idx.msk [tilespmem:v47+s20+$0x0], $0xffff;
	v42 =	vshll.u32 v43, $0x8  }
.LBB2_7:
0x22c: {  	p1 =	slt.u32 s17, $0x3E;
	v45 =	vand.u32 $0x3800, v42;
	v42 =	vshll.u32 v43, $0x7;
	v55 =	vor.u32 v10, v55  }
0x22d: {  	v56 =	vadd.s32 v1, v45;
	v43 =	vand.u32 $0x380, v42;
	[tilespmem:s8+$0x40] =	vst v48;
	v48 =	vor.u32 v22, v53  }
0x22e: {  	v42 =	vand.u32 $0x3800, v54;
	v54 =	vadd.s32 v13, v37;
	v53 =	vor.u32 v43, v56;
	v51 =	vld.idx.msk [tilespmem:v51+s20+$0x0], $0xffff;
	[tilespmem:s2+$0x420] =	vst v49  }
0x22f: {  	v49 =	vor.u32 v0, v53;
	v53 =	vor.u32 v36, v54;
	v52 =	vld.idx.msk [tilespmem:v52+s20+$0x0], $0xffff;
	v54 =	vadd.s32 v25, v34  }
0x230: {  	v56 =	vadd.s32 v1, v42;
	[tilespmem:s9+$0x40] =	vst v50;
	v50 =	vor.u32 v12, v53;
	v53 =	vor.u32 v33, v54  }
0x231: {  	v54 =	vor.u32 v40, v56;
	v55 =	vld.idx.msk [tilespmem:v55+s20+$0x0], $0xffff;
	[tilespmem:s7+$0x420] =	vst v47;
	v47 =	vor.u32 v24, v53  }
0x232: {  	v46 =	vor.u32 v38, v46;
	v53 =	vor.u32 v0, v54;
	v54 =	vadd.s32 v25, v35;
	v48 =	vld.idx.msk [tilespmem:v48+s20+$0x0], $0xffff  }
0x233: {  	v46 =	vor.u32 v12, v46;
	v56 =	vadd.s32 v17, v39;
	v54 =	vor.u32 v32, v54  }
0x234: {  	v57 =	vadd.s32 v3, v45;
	v49 =	vld.idx.msk [tilespmem:v49+s20+$0x0], $0xffff;
	[tilespmem:s8+$0x50] =	vst v51;
	v51 =	vor.u32 v24, v54  }
0x235: {  	v54 =	vor.u32 v43, v57;
	v57 =	vadd.s32 v15, v37;
	v50 =	vld.idx.msk [tilespmem:v50+s20+$0x0], $0xffff;
	[tilespmem:s2+$0x430] =	vst v52  }
0x236: {  	s15 =	sadd.s32 $0x200, s15;
	v52 =	vor.u32 v2, v54;
	v54 =	vor.u32 v36, v57;
	v57 =	vadd.s32 v27, v34;
	v47 =	vld.idx.msk [tilespmem:v47+s20+$0x0], $0xffff  }
0x237: {  	s6 =	sadd.s32 $0x100, s6;
	s3 =	sand.u32 $0x3800, s15;
	v54 =	vor.u32 v14, v54;
	v53 =	vld.idx.msk [tilespmem:v53+s20+$0x0], $0xffff;
	[tilespmem:s9+$0x50] =	vst v55;
	v55 =	vor.u32 v33, v57  }
0x238: {  	s14 =	sadd.s32 $0xFFFFFF80, s6;
	s31 =	sand.u32 $0x380, s6;
	s3 =	sor.u32 $0x10100, s3;
	v57 =	vadd.s32 v3, v42;
	v46 =	vld.idx.msk [tilespmem:v46+s20+$0x0], $0xffff;
	[tilespmem:s7+$0x430] =	vst v48;
	v48 =	vor.u32 v26, v55  }
0x239: {  	v44 =	vor.u32 v32, v44;
	s5 =	sand.u32 $0x300, s14;
	s14 =	sadd.s32 s31, s3;
	v55 =	vor.u32 v40, v57;
	v57 =	vadd.s32 v15, v39;
	v51 =	vld.idx.msk [tilespmem:v51+s20+$0x0], $0xffff  }
0x23a: {  	v44 =	vor.u32 v26, v44;
	s31 =	sadd.s32 s5, s3;
	v55 =	vor.u32 v2, v55;
	[tilespmem:s14+$0x0] =	vst v49;
	v49 =	vor.u32 v38, v57  }
0x23b: {  	v57 =	vadd.s32 v5, v45;
	v52 =	vld.idx.msk [tilespmem:v52+s20+$0x0], $0xffff;
	v49 =	vor.u32 v14, v49;
	[tilespmem:s8+$0x60] =	vst v50  }
0x23c: {  	v50 =	vor.u32 v43, v57;
	v57 =	vadd.s32 v17, v37;
	v54 =	vld.idx.msk [tilespmem:v54+s20+$0x0], $0xffff;
	[tilespmem:s2+$0x440] =	vst v47  }
0x23d: {  	v47 =	vor.u32 v4, v50;
	v50 =	vor.u32 v36, v57;
	v57 =	vadd.s32 v29, v34;
	v48 =	vld.idx.msk [tilespmem:v48+s20+$0x0], $0xffff  }
0x23e: {  	v50 =	vor.u32 v16, v50;
	v57 =	vor.u32 v33, v57;
	[tilespmem:s31+$0x0] =	vst v53;
	v53 =	vadd.s32 v5, v42  }
0x23f: {  	v41 =	vor.u32 v32, v41;
	v55 =	vld.idx.msk [tilespmem:v55+s20+$0x0], $0xffff;
	[tilespmem:s9+$0x60] =	vst v46;
	v46 =	vor.u32 v28, v57  }
0x240: {  	v56 =	vor.u32 v38, v56;
	v53 =	vor.u32 v40, v53;
	v49 =	vld.idx.msk [tilespmem:v49+s20+$0x0], $0xffff;
	[tilespmem:s7+$0x440] =	vst v51  }
0x241: {  	v41 =	vor.u32 v28, v41;
	v51 =	vor.u32 v4, v53;
	[tilespmem:s14+$0x10] =	vst v52;
	v44 =	vld.idx.msk [tilespmem:v44+s20+$0x0], $0xffff  }
0x242: {  	v53 =	vor.u32 v16, v56;
	v52 =	vadd.s32 v7, v45;
	v47 =	vld.idx.msk [tilespmem:v47+s20+$0x0], $0xffff;
	[tilespmem:s8+$0x70] =	vst v54  }
0x243: {  	v52 =	vor.u32 v43, v52;
	v54 =	vadd.s32 v19, v37;
	v50 =	vld.idx.msk [tilespmem:v50+s20+$0x0], $0xffff;
	[tilespmem:s2+$0x450] =	vst v48  }
0x244: {  	v56 =	vadd.s32 v31, v34;
	v48 =	vor.u32 v6, v52;
	v52 =	vor.u32 v36, v54;
	v46 =	vld.idx.msk [tilespmem:v46+s20+$0x0], $0xffff  }
0x245: {  	v35 =	vadd.s32 v31, v35;
	v33 =	vor.u32 v33, v56;
	v52 =	vor.u32 v18, v52;
	[tilespmem:s31+$0x10] =	vst v55  }
0x246: {  	v34 =	vmov v37;
	v54 =	vadd.s32 v7, v42;
	v51 =	vld.idx.msk [tilespmem:v51+s20+$0x0], $0xffff;
	[tilespmem:s9+$0x70] =	vst v49;
	v49 =	vor.u32 v30, v33  }
0x247: {  	v37 =	vmov v45;
	v55 =	vor.u32 v40, v54;
	v54 =	vadd.s32 v19, v39;
	v53 =	vld.idx.msk [tilespmem:v53+s20+$0x0], $0xffff;
	[tilespmem:s7+$0x450] =	vst v44  }
0x248: {  	v45 =	vor.u32 v38, v54;
	v33 =	vmov v36;
	v44 =	vor.u32 v6, v55;
	[tilespmem:s14+$0x20] =	vst v47;
	v41 =	vld.idx.msk [tilespmem:v41+s20+$0x0], $0xffff  }
0x249: {  	v54 =	vor.u32 v32, v35;
	v36 =	vmov v43;
	v45 =	vor.u32 v18, v45;
	v47 =	vld.idx.msk [tilespmem:v48+s20+$0x0], $0xffff;
	[tilespmem:s8+$0x400] =	vst v50  }
0x24a: {  	v43 =	vadd.s32 v9, v37;
	v35 =	vmov v39;
	v50 =	vor.u32 v30, v54;
	v48 =	vld.idx.msk [tilespmem:v52+s20+$0x0], $0xffff;
	[tilespmem:s2+$0x460] =	vst v46  }
0x24b: {  	v39 =	vmovc v42;
	v32 =	vmov v38;
	v43 =	vor.u32 v36, v43;
	v46 =	vadd.s32 v21, v34;
	v49 =	vld.idx.msk [tilespmem:v49+s20+$0x0], $0xffff  }
0x24c: {  	v38 =	vmov v40;
	v42 =	vor.u32 v8, v43;
	v43 =	vor.u32 v33, v46;
	[tilespmem:s31+$0x20] =	vst v51  }
0x24d: {  	v40 =	vadd.s32 v9, v39;
	v43 =	vor.u32 v20, v43;
	v46 =	vld.idx.msk [tilespmem:v44+s20+$0x0], $0xffff;
	[tilespmem:s9+$0x400] =	vst v53  }
0x24e: {  	v40 =	vor.u32 v38, v40;
	v51 =	vadd.s32 v21, v35;
	v44 =	vmov s17;
	v45 =	vld.idx.msk [tilespmem:v45+s20+$0x0], $0xffff;
	[tilespmem:s7+$0x460] =	vst v41  }
0x24f: {  	v53 =	vor.u32 v8, v40;
	v40 =	vor.u32 v32, v51;
	v52 =	vshll.u32 v44, $0x7;
	[tilespmem:s14+$0x30] =	vst v47;
	v56 =	vld.idx.msk [tilespmem:v50+s20+$0x0], $0xffff  }
0x250: {  	v54 =	vshll.u32 v44, $0x8;
	v41 =	vadd.s32 v29, v35;
	v47 =	vor.u32 v20, v40;
	[tilespmem:s8+$0x410] =	vst v48  }
.Ltmp4:
0x251: {  	v44 =	vadd.s32 v27, v35;
	v40 =	vand.u32 $0x300, v52;
	v48 =	vld.idx.msk [tilespmem:v42+s20+$0x0], $0xffff;
	v42 =	vadd.s32 v11, v37;
	[tilespmem:s2+$0x470] =	vst v49;
	s2 =	smov.u32 s8;
	s8 =	smov.u32 s14;
	(pc) =	sbr.rel @p1 .LBB2_7-.Ltmp4, $4  }
0x252: {  	v57 =	vadd.s32 v23, v35;
	v42 =	vor.u32 v36, v42;
	v49 =	vld.idx.msk [tilespmem:v43+s20+$0x0], $0xffff;
	v43 =	vadd.s32 v23, v34  }
0x253: {  	s3 =	sadd.s32 $0x1, s17;
	[tilespmem:s31+$0x30] =	vst v46;
	v46 =	vadd.s32 v13, v39;
	v51 =	vor.u32 v10, v42;
	v42 =	vor.u32 v33, v43  }
0x254: {  	v43 =	vmov s3;
	v50 =	vld.idx.msk [tilespmem:v53+s20+$0x0], $0xffff;
	v53 =	vadd.s32 v11, v39;
	[tilespmem:s9+$0x410] =	vst v45;
	v52 =	vor.u32 v22, v42  }
0x255: {  	s17 =	sadd.s32 $0x2, s17;
	v42 =	vshll.u32 v43, $0x8;
	v55 =	vor.u32 v38, v53;
	v47 =	vld.idx.msk [tilespmem:v47+s20+$0x0], $0xffff;
	v53 =	vor.u32 v32, v57;
	[tilespmem:s7+$0x470] =	vst v56;
	s7 =	smov.u32 s9;
	s9 =	smov.u32 s31  }
0x256: {  	v42 =	vand.u32 $0x3800, v42;
	v43 =	vshll.u32 v43, $0x7  }
0x257: {  	v45 =	vand.u32 $0x3800, v54;
	v56 =	vadd.s32 v1, v42;
	v43 =	vand.u32 $0x380, v43  }
0x258: {  	v63 =	vadd.s32 v1, v45;
	v62 =	vor.u32 v43, v56  }
0x259: {  	v56 =	vor.u32 v40, v63;
	v54 =	vor.u32 v0, v62  }
0x25a: {  	v56 =	vor.u32 v0, v56;
	_ =	sdelay $0x2  }
0x25b: {  	v57 =	vadd.s32 v3, v42  }
0x25c: {  	v58 =	vadd.s32 v3, v45;
	v57 =	vor.u32 v43, v57;
	v54 =	vld.idx.msk [tilespmem:v54+s20+$0x0], $0xffff  }
0x25d: {  	s3 =	sadd.s32 $0x200, s15;
	v58 =	vor.u32 v40, v58;
	v57 =	vor.u32 v2, v57;
	v56 =	vld.idx.msk [tilespmem:v56+s20+$0x0], $0xffff  }
0x25e: {  	s5 =	sadd.s32 $0x100, s6;
	s3 =	sand.u32 $0x3800, s3;
	v58 =	vor.u32 v2, v58  }
0x25f: {  	s6 =	sadd.s32 $0xFFFFFF80, s5;
	s5 =	sand.u32 $0x380, s5;
	s3 =	sor.u32 $0x10100, s3  }
0x260: {  	s6 =	sand.u32 $0x300, s6;
	s14 =	sadd.s32 s5, s3  }
0x261: {  	v60 =	vadd.s32 v5, v42;
	s6 =	sadd.s32 s6, s3;
	[tilespmem:s14+$0x0] =	vst v54  }
0x262: {  	v61 =	vadd.s32 v5, v45;
	v54 =	vor.u32 v43, v60;
	[tilespmem:s6+$0x0] =	vst v56;
	v57 =	vld.idx.msk [tilespmem:v57+s20+$0x0], $0xffff  }
0x263: {  	v56 =	vor.u32 v40, v61;
	v54 =	vor.u32 v4, v54;
	v58 =	vld.idx.msk [tilespmem:v58+s20+$0x0], $0xffff  }
0x264: {  	v56 =	vor.u32 v4, v56;
	_ =	sdelay $0x2  }
0x265: {  	v62 =	vadd.s32 v7, v42;
	[tilespmem:s14+$0x10] =	vst v57  }
0x266: {  	v63 =	vadd.s32 v7, v45;
	v57 =	vor.u32 v43, v62;
	[tilespmem:s6+$0x10] =	vst v58;
	v54 =	vld.idx.msk [tilespmem:v54+s20+$0x0], $0xffff  }
0x267: {  	v58 =	vor.u32 v40, v63;
	v57 =	vor.u32 v6, v57;
	v56 =	vld.idx.msk [tilespmem:v56+s20+$0x0], $0xffff  }
0x268: {  	v58 =	vor.u32 v6, v58;
	_ =	sdelay $0x2  }
0x269: {  	v60 =	vadd.s32 v9, v42;
	[tilespmem:s14+$0x20] =	vst v54  }
0x26a: {  	v61 =	vadd.s32 v9, v45;
	v54 =	vor.u32 v43, v60;
	[tilespmem:s6+$0x20] =	vst v56;
	v57 =	vld.idx.msk [tilespmem:v57+s20+$0x0], $0xffff  }
0x26b: {  	v56 =	vor.u32 v40, v61;
	v54 =	vor.u32 v8, v54;
	v58 =	vld.idx.msk [tilespmem:v58+s20+$0x0], $0xffff  }
0x26c: {  	v56 =	vor.u32 v8, v56;
	_ =	sdelay $0x2  }
0x26d: {  	v55 =	vor.u32 v10, v55;
	v62 =	vadd.s32 v11, v42;
	[tilespmem:s14+$0x30] =	vst v57  }
0x26e: {  	v63 =	vadd.s32 v11, v45;
	v57 =	vor.u32 v43, v62;
	[tilespmem:s6+$0x30] =	vst v58;
	v54 =	vld.idx.msk [tilespmem:v54+s20+$0x0], $0xffff  }
0x26f: {  	v46 =	vor.u32 v38, v46;
	v58 =	vor.u32 v40, v63;
	v57 =	vor.u32 v10, v57;
	v56 =	vld.idx.msk [tilespmem:v56+s20+$0x0], $0xffff  }
0x270: {  	[tilespmem:s8+$0x40] =	vst v48;
	v44 =	vor.u32 v32, v44;
	v60 =	vadd.s32 v13, v37;
	v58 =	vor.u32 v10, v58  }
0x271: {  	v41 =	vor.u32 v32, v41;
	v51 =	vld.idx.msk [tilespmem:v51+s20+$0x0], $0xffff;
	[tilespmem:s2+$0x420] =	vst v49;
	v48 =	vor.u32 v36, v60  }
0x272: {  	v46 =	vor.u32 v12, v46;
	v59 =	vadd.s32 v15, v42;
	[tilespmem:s9+$0x40] =	vst v50;
	v48 =	vor.u32 v12, v48  }
0x273: {  	v50 =	vor.u32 v22, v53;
	v49 =	vld.idx.msk [tilespmem:v55+s20+$0x0], $0xffff;
	v61 =	vadd.s32 v13, v42;
	[tilespmem:s14+$0x40] =	vst v54  }
0x274: {  	v53 =	vor.u32 v43, v61;
	v62 =	vadd.s32 v13, v45;
	[tilespmem:s6+$0x40] =	vst v56;
	v55 =	vld.idx.msk [tilespmem:v57+s20+$0x0], $0xffff  }
0x275: {  	v44 =	vor.u32 v26, v44;
	v53 =	vor.u32 v12, v53;
	v54 =	vor.u32 v40, v62;
	v60 =	vld.idx.msk [tilespmem:v58+s20+$0x0], $0xffff  }
0x276: {  	v52 =	vld.idx.msk [tilespmem:v52+s20+$0x0], $0xffff;
	[tilespmem:s8+$0x50] =	vst v51;
	v61 =	vadd.s32 v15, v37;
	v54 =	vor.u32 v12, v54  }
0x277: {  	[tilespmem:s7+$0x420] =	vst v47;
	v51 =	vor.u32 v36, v61;
	v63 =	vadd.s32 v25, v34;
	v48 =	vld.idx.msk [tilespmem:v48+s20+$0x0], $0xffff  }
0x278: {  	[tilespmem:s9+$0x50] =	vst v49;
	v56 =	vor.u32 v33, v63;
	v62 =	vadd.s32 v15, v39;
	v63 =	vor.u32 v14, v51  }
0x279: {  	v46 =	vld.idx.msk [tilespmem:v46+s20+$0x0], $0xffff;
	v51 =	vor.u32 v43, v59;
	v49 =	vor.u32 v38, v62;
	[tilespmem:s14+$0x50] =	vst v55  }
0x27a: {  	v49 =	vor.u32 v14, v49;
	[tilespmem:s6+$0x50] =	vst v60;
	v60 =	vadd.s32 v15, v45;
	v53 =	vld.idx.msk [tilespmem:v53+s20+$0x0], $0xffff  }
0x27b: {  	[tilespmem:s2+$0x430] =	vst v52;
	v51 =	vor.u32 v14, v51;
	v54 =	vld.idx.msk [tilespmem:v54+s20+$0x0], $0xffff;
	v55 =	vor.u32 v40, v60  }
0x27c: {  	v41 =	vor.u32 v28, v41;
	v50 =	vld.idx.msk [tilespmem:v50+s20+$0x0], $0xffff;
	[tilespmem:s8+$0x60] =	vst v48;
	v55 =	vor.u32 v14, v55  }
0x27d: {  	v61 =	vadd.s32 v25, v35;
	v59 =	vadd.s32 v17, v45;
	v47 =	vld.idx.msk [tilespmem:v63+s20+$0x0], $0xffff;
	v63 =	vadd.s32 v17, v37  }
0x27e: {  	[tilespmem:s9+$0x60] =	vst v46;
	v62 =	vadd.s32 v17, v39;
	v58 =	vadd.s32 v17, v42;
	v46 =	vor.u32 v36, v63  }
0x27f: {  	v48 =	vor.u32 v38, v62;
	v49 =	vld.idx.msk [tilespmem:v49+s20+$0x0], $0xffff;
	v46 =	vor.u32 v16, v46;
	[tilespmem:s14+$0x60] =	vst v53  }
0x280: {  	v48 =	vor.u32 v16, v48;
	[tilespmem:s6+$0x60] =	vst v54;
	v53 =	vor.u32 v43, v58;
	v51 =	vld.idx.msk [tilespmem:v51+s20+$0x0], $0xffff  }
0x281: {  	v56 =	vor.u32 v24, v56;
	v54 =	vor.u32 v40, v59;
	v52 =	vor.u32 v16, v53;
	v60 =	vld.idx.msk [tilespmem:v55+s20+$0x0], $0xffff  }
0x282: {  	[tilespmem:s7+$0x430] =	vst v50;
	v57 =	vor.u32 v32, v61;
	v61 =	vadd.s32 v19, v37;
	v54 =	vor.u32 v16, v54  }
0x283: {  	v57 =	vor.u32 v24, v57;
	v63 =	vadd.s32 v19, v39;
	[tilespmem:s8+$0x70] =	vst v47;
	v47 =	vor.u32 v36, v61  }
0x284: {  	v47 =	vor.u32 v18, v47;
	[tilespmem:s9+$0x70] =	vst v49;
	v46 =	vld.idx.msk [tilespmem:v46+s20+$0x0], $0xffff;
	v49 =	vor.u32 v38, v63  }
0x285: {  	v59 =	vadd.s32 v19, v42;
	v48 =	vld.idx.msk [tilespmem:v48+s20+$0x0], $0xffff;
	v49 =	vor.u32 v18, v49;
	[tilespmem:s14+$0x70] =	vst v51  }
0x286: {  	v51 =	vor.u32 v43, v59;
	[tilespmem:s6+$0x70] =	vst v60;
	v60 =	vadd.s32 v19, v45;
	v52 =	vld.idx.msk [tilespmem:v52+s20+$0x0], $0xffff  }
0x287: {  	v62 =	vadd.s32 v27, v34;
	v50 =	vor.u32 v18, v51;
	v51 =	vld.idx.msk [tilespmem:v54+s20+$0x0], $0xffff;
	v53 =	vor.u32 v40, v60  }
0x288: {  	v61 =	vadd.s32 v21, v37;
	v63 =	vadd.s32 v21, v39;
	v53 =	vor.u32 v18, v53  }
0x289: {  	v55 =	vld.idx.msk [tilespmem:v56+s20+$0x0], $0xffff;
	v56 =	vor.u32 v33, v62;
	v62 =	vor.u32 v36, v61;
	[tilespmem:s8+$0x400] =	vst v46  }
0x28a: {  	v61 =	vadd.s32 v21, v45;
	v46 =	vor.u32 v20, v62;
	v47 =	vld.idx.msk [tilespmem:v47+s20+$0x0], $0xffff;
	[tilespmem:s9+$0x400] =	vst v48  }
0x28b: {  	v59 =	vor.u32 v38, v63;
	v49 =	vld.idx.msk [tilespmem:v49+s20+$0x0], $0xffff;
	v60 =	vadd.s32 v21, v42;
	[tilespmem:s14+$0x400] =	vst v52  }
0x28c: {  	v48 =	vor.u32 v20, v59;
	v52 =	vor.u32 v43, v60;
	[tilespmem:s6+$0x400] =	vst v51;
	v50 =	vld.idx.msk [tilespmem:v50+s20+$0x0], $0xffff  }
0x28d: {  	v35 =	vadd.s32 v31, v35;
	v51 =	vor.u32 v40, v61;
	v52 =	vor.u32 v20, v52;
	v53 =	vld.idx.msk [tilespmem:v53+s20+$0x0], $0xffff  }
0x28e: {  	v58 =	vadd.s32 v23, v39;
	v62 =	vadd.s32 v23, v37;
	[tilespmem:s2+$0x440] =	vst v55;
	v51 =	vor.u32 v20, v51  }
0x28f: {  	v55 =	vor.u32 v36, v62;
	v54 =	vor.u32 v26, v56;
	v56 =	vld.idx.msk [tilespmem:v57+s20+$0x0], $0xffff;
	[tilespmem:s8+$0x410] =	vst v47  }
0x290: {  	v59 =	vadd.s32 v23, v42;
	v47 =	vor.u32 v38, v58;
	v46 =	vld.idx.msk [tilespmem:v46+s20+$0x0], $0xffff;
	[tilespmem:s9+$0x410] =	vst v49  }
0x291: {  	v49 =	vor.u32 v22, v55;
	v47 =	vor.u32 v22, v47;
	v48 =	vld.idx.msk [tilespmem:v48+s20+$0x0], $0xffff;
	[tilespmem:s14+$0x410] =	vst v50  }
0x292: {  	v60 =	vadd.s32 v23, v45;
	v50 =	vor.u32 v43, v59;
	[tilespmem:s6+$0x410] =	vst v53;
	v52 =	vld.idx.msk [tilespmem:v52+s20+$0x0], $0xffff  }
0x293: {  	v63 =	vadd.s32 v29, v34;
	v55 =	vor.u32 v40, v60;
	v50 =	vor.u32 v22, v50;
	v51 =	vld.idx.msk [tilespmem:v51+s20+$0x0], $0xffff  }
0x294: {  	v34 =	vadd.s32 v31, v34;
	v54 =	vld.idx.msk [tilespmem:v54+s20+$0x0], $0xffff;
	v61 =	vadd.s32 v25, v37;
	v55 =	vor.u32 v22, v55  }
0x295: {  	v62 =	vor.u32 v36, v61;
	v60 =	vadd.s32 v25, v42;
	v61 =	vadd.s32 v25, v45;
	[tilespmem:s8+$0x420] =	vst v46  }
0x296: {  	v53 =	vor.u32 v33, v63;
	v63 =	vadd.s32 v25, v39;
	v49 =	vld.idx.msk [tilespmem:v49+s20+$0x0], $0xffff;
	[tilespmem:s9+$0x420] =	vst v48  }
0x297: {  	v46 =	vor.u32 v24, v62;
	v59 =	vor.u32 v38, v63;
	v47 =	vld.idx.msk [tilespmem:v47+s20+$0x0], $0xffff;
	[tilespmem:s14+$0x420] =	vst v52  }
0x298: {  	v48 =	vor.u32 v24, v59;
	v52 =	vor.u32 v43, v60;
	[tilespmem:s6+$0x420] =	vst v51;
	v50 =	vld.idx.msk [tilespmem:v50+s20+$0x0], $0xffff  }
0x299: {  	[tilespmem:s7+$0x440] =	vst v56;
	v51 =	vor.u32 v40, v61;
	v52 =	vor.u32 v24, v52;
	v55 =	vld.idx.msk [tilespmem:v55+s20+$0x0], $0xffff  }
0x29a: {  	v44 =	vld.idx.msk [tilespmem:v44+s20+$0x0], $0xffff;
	[tilespmem:s2+$0x450] =	vst v54;
	v62 =	vadd.s32 v27, v37;
	v51 =	vor.u32 v24, v51  }
0x29b: {  	v57 =	vadd.s32 v29, v37;
	v58 =	vor.u32 v36, v62;
	v62 =	vadd.s32 v27, v45;
	[tilespmem:s8+$0x430] =	vst v49  }
0x29c: {  	v63 =	vadd.s32 v27, v39;
	v59 =	vor.u32 v26, v58;
	v46 =	vld.idx.msk [tilespmem:v46+s20+$0x0], $0xffff;
	[tilespmem:s9+$0x430] =	vst v47  }
0x29d: {  	v60 =	vor.u32 v38, v63;
	v61 =	vadd.s32 v27, v42;
	v48 =	vld.idx.msk [tilespmem:v48+s20+$0x0], $0xffff;
	[tilespmem:s14+$0x430] =	vst v50  }
0x29e: {  	v49 =	vor.u32 v26, v60;
	v50 =	vor.u32 v43, v61;
	[tilespmem:s6+$0x430] =	vst v55;
	v52 =	vld.idx.msk [tilespmem:v52+s20+$0x0], $0xffff  }
0x29f: {  	[tilespmem:s7+$0x450] =	vst v44;
	v54 =	vor.u32 v40, v62;
	v50 =	vor.u32 v26, v50;
	v51 =	vld.idx.msk [tilespmem:v51+s20+$0x0], $0xffff  }
0x2a0: {  	v53 =	vor.u32 v28, v53;
	v41 =	vld.idx.msk [tilespmem:v41+s20+$0x0], $0xffff;
	v54 =	vor.u32 v26, v54;
	v63 =	vor.u32 v33, v34  }
0x2a1: {  	v58 =	vadd.s32 v29, v39;
	v34 =	vor.u32 v36, v57;
	v33 =	vor.u32 v30, v63;
	[tilespmem:s8+$0x440] =	vst v46  }
0x2a2: {  	v34 =	vor.u32 v28, v34;
	v60 =	vadd.s32 v29, v42;
	v46 =	vld.idx.msk [tilespmem:v59+s20+$0x0], $0xffff;
	[tilespmem:s9+$0x440] =	vst v48  }
0x2a3: {  	v59 =	vor.u32 v38, v58;
	v61 =	vadd.s32 v29, v45;
	v48 =	vld.idx.msk [tilespmem:v49+s20+$0x0], $0xffff;
	[tilespmem:s14+$0x440] =	vst v52  }
0x2a4: {  	v47 =	vor.u32 v28, v59;
	v49 =	vor.u32 v43, v60;
	[tilespmem:s6+$0x440] =	vst v51;
	v50 =	vld.idx.msk [tilespmem:v50+s20+$0x0], $0xffff  }
0x2a5: {  	v63 =	vor.u32 v32, v35;
	v62 =	vor.u32 v40, v61;
	v49 =	vor.u32 v28, v49;
	v51 =	vld.idx.msk [tilespmem:v54+s20+$0x0], $0xffff  }
0x2a6: {  	v53 =	vld.idx.msk [tilespmem:v53+s20+$0x0], $0xffff;
	v32 =	vor.u32 v30, v63;
	v54 =	vor.u32 v28, v62  }
0x2a7: {  	v55 =	vadd.s32 v31, v39;
	v58 =	vadd.s32 v31, v42;
	[tilespmem:s8+$0x450] =	vst v46;
	v52 =	vadd.s32 v31, v37  }
0x2a8: {  	v56 =	vor.u32 v38, v55;
	v34 =	vld.idx.msk [tilespmem:v34+s20+$0x0], $0xffff;
	[tilespmem:s9+$0x450] =	vst v48;
	v35 =	vor.u32 v36, v52  }
0x2a9: {  	v60 =	vadd.s32 v31, v45;
	v57 =	vld.idx.msk [tilespmem:v47+s20+$0x0], $0xffff;
	v35 =	vor.u32 v30, v35;
	[tilespmem:s14+$0x450] =	vst v50  }
0x2aa: {  	v39 =	vor.u32 v43, v58;
	v36 =	vor.u32 v30, v56;
	[tilespmem:s6+$0x450] =	vst v51;
	v59 =	vld.idx.msk [tilespmem:v49+s20+$0x0], $0xffff  }
0x2ab: {  	[tilespmem:s2+$0x460] =	vst v53;
	v39 =	vor.u32 v30, v39;
	v61 =	vor.u32 v40, v60;
	v37 =	vld.idx.msk [tilespmem:v54+s20+$0x0], $0xffff  }
0x2ac: {  	[tilespmem:s7+$0x460] =	vst v41;
	v33 =	vld.idx.msk [tilespmem:v33+s20+$0x0], $0xffff;
	v40 =	vor.u32 v30, v61  }
0x2ad: {  	v32 =	vld.idx.msk [tilespmem:v32+s20+$0x0], $0xffff;
	[tilespmem:s8+$0x460] =	vst v34  }
0x2ae: {  	[tilespmem:s9+$0x460] =	vst v57;
	v34 =	vld.idx.msk [tilespmem:v35+s20+$0x0], $0xffff  }
0x2af: {  	v62 =	vld.idx.msk [tilespmem:v36+s20+$0x0], $0xffff;
	[tilespmem:s14+$0x460] =	vst v59  }
0x2b0: {  	[tilespmem:s6+$0x460] =	vst v37;
	v63 =	vld.idx.msk [tilespmem:v39+s20+$0x0], $0xffff  }
0x2b1: {  	[tilespmem:s2+$0x470] =	vst v33;
	v37 =	vld.idx.msk [tilespmem:v40+s20+$0x0], $0xffff  }
0x2b2: {  	[tilespmem:s7+$0x470] =	vst v32  }
0x2b3: {  	[tilespmem:s8+$0x470] =	vst v34  }
0x2b4: {  	[tilespmem:s9+$0x470] =	vst v62  }
0x2b5: {  	s17 =	simm.s32 $0x1;
	[tilespmem:s14+$0x470] =	vst v63  }
0x2b6: {  	s31 =	simm.s32 $0x0;
	s3 =	simm.s32 @p0 $0x0;
	s5 =	simm.s32 @p0 $0x8100;
	v38 =	vmov s17;
	[tilespmem:s6+$0x470] =	vst v37  }
0x2b7: {  	v39 =	vshll.u32 v38, $0x8;
	[tilespmem:s5], [sflag:$0x3] =	stream.linear.gather @p0 [hbm4b:s13+s3], $0x4000, $0x38;
	[tilespmem:$0x18100] =	vst v63  }
0x2b8: {  	s1 =	sadd.s32 $0x1000, s1;
	v32 =	vshll.u32 v38, $0x7;
	v40 =	vmov s31;
	v34 =	vand.u32 $0x3800, v39  }
0x2b9: {  	v33 =	vand.u32 $0x380, v32;
	v42 =	vshll.u32 v40, $0x8;
	v41 =	vadd.s32 v1, v34;
	[hbm4b:s1+s31] =	stream.linear.scatter [tilespmem:s23], [sflag:$0x5], $0x4000, $0x38;
	[tilespmem:$0x18100] =	vst v63  }
0x2ba: {  	v43 =	vshll.u32 v40, $0x7;
	v35 =	vand.u32 $0x3800, v42;
	v36 =	vor.u32 v33, v41;
	_ =	swait.ge [sflag:s29], $0x4000  }
0x2bb: {  	v32 =	vand.u32 $0x300, v43;
	v44 =	vadd.s32 v1, v35;
	v36 =	vor.u32 v0, v36;
	[sflag:s29] =	ssyncset.done $0x0  }
0x2bc: {  	v37 =	vor.u32 v32, v44;
	[sflag:s29] =	ssyncadd.s32 $0xFFFFC000  }
0x2bd: {  	v37 =	vor.u32 v0, v37;
	_ =	swait.ge [sflag:s30], $0x4000  }
0x2be: {  	[sflag:s30] =	ssyncset.done $0x0  }
0x2bf: {  	v45 =	vadd.s32 v3, v34;
	[sflag:s30] =	ssyncadd.s32 $0xFFFFC000  }
0x2c0: {  	v38 =	vor.u32 v33, v45;
	v36 =	vld.idx.msk [tilespmem:v36+s21+$0x0], $0xffff  }
0x2c1: {  	v46 =	vadd.s32 v3, v35;
	v38 =	vor.u32 v2, v38  }
0x2c2: {  	s2 =	sand.u32 $0x3800, s31;
	v39 =	vor.u32 v32, v46;
	s3 =	simm.s32 $0x80;
	v37 =	vld.idx.msk [tilespmem:v37+s21+$0x0], $0xffff  }
0x2c3: {  	s2 =	sor.u32 $0x14100, s2;
	v39 =	vor.u32 v2, v39;
	s1 =	sand.u32 $0x380, s3  }
0x2c4: {  	s5 =	simm.s32 $0x0;
	s1 =	sadd.s32 s1, s2  }
0x2c5: {  	v47 =	vadd.s32 v5, v34;
	s3 =	sand.u32 $0x300, s5;
	[tilespmem:s1+$0x0] =	vst v36  }
0x2c6: {  	s2 =	sadd.s32 s3, s2;
	v36 =	vor.u32 v33, v47;
	v38 =	vld.idx.msk [tilespmem:v38+s21+$0x0], $0xffff  }
0x2c7: {  	v48 =	vadd.s32 v5, v35;
	[tilespmem:s2+$0x0] =	vst v37;
	v36 =	vor.u32 v4, v36  }
0x2c8: {  	v37 =	vor.u32 v32, v48;
	v39 =	vld.idx.msk [tilespmem:v39+s21+$0x0], $0xffff  }
0x2c9: {  	v37 =	vor.u32 v4, v37;
	_ =	sdelay $0x1  }
0x2ca: {  	v49 =	vadd.s32 v7, v34;
	[tilespmem:s1+$0x10] =	vst v38  }
0x2cb: {  	v38 =	vor.u32 v33, v49;
	v36 =	vld.idx.msk [tilespmem:v36+s21+$0x0], $0xffff  }
0x2cc: {  	v50 =	vadd.s32 v7, v35;
	[tilespmem:s2+$0x10] =	vst v39;
	v38 =	vor.u32 v6, v38  }
0x2cd: {  	v39 =	vor.u32 v32, v50;
	v37 =	vld.idx.msk [tilespmem:v37+s21+$0x0], $0xffff  }
0x2ce: {  	v39 =	vor.u32 v6, v39;
	_ =	sdelay $0x1  }
0x2cf: {  	v51 =	vadd.s32 v9, v34;
	[tilespmem:s1+$0x20] =	vst v36  }
0x2d0: {  	v36 =	vor.u32 v33, v51;
	v38 =	vld.idx.msk [tilespmem:v38+s21+$0x0], $0xffff  }
0x2d1: {  	v52 =	vadd.s32 v9, v35;
	[tilespmem:s2+$0x20] =	vst v37;
	v36 =	vor.u32 v8, v36  }
0x2d2: {  	v37 =	vor.u32 v32, v52;
	v39 =	vld.idx.msk [tilespmem:v39+s21+$0x0], $0xffff  }
0x2d3: {  	v37 =	vor.u32 v8, v37  }
0x2d4: {  	s7 =	simm.s32 $0x3  }
0x2d5: {  	v58 =	vmov s7;
	v53 =	vadd.s32 v11, v34;
	[tilespmem:s1+$0x30] =	vst v38  }
0x2d6: {  	v61 =	vshll.u32 v58, $0x8;
	v55 =	vor.u32 v33, v53;
	s6 =	simm.s32 $0x2;
	v54 =	vld.idx.msk [tilespmem:v36+s21+$0x0], $0xffff  }
0x2d7: {  	v60 =	vadd.s32 v11, v35;
	v57 =	vor.u32 v10, v55;
	v56 =	vmov s6;
	[tilespmem:s2+$0x30] =	vst v39  }
0x2d8: {  	v59 =	vshll.u32 v56, $0x7;
	v50 =	vadd.s32 v13, v34;
	v39 =	vor.u32 v32, v60;
	v62 =	vld.idx.msk [tilespmem:v37+s21+$0x0], $0xffff  }
0x2d9: {  	v37 =	vand.u32 $0x3800, v61;
	v36 =	vshll.u32 v58, $0x7;
	v63 =	vor.u32 v10, v39  }
0x2da: {  	v38 =	vshll.u32 v56, $0x8;
	v48 =	vadd.s32 v1, v37;
	v36 =	vand.u32 $0x380, v36  }
0x2db: {  	v45 =	vor.u32 v33, v50;
	v39 =	vand.u32 $0x3800, v38;
	v49 =	vor.u32 v36, v48;
	[tilespmem:s1+$0x40] =	vst v54  }
0x2dc: {  	v38 =	vand.u32 $0x300, v59;
	v51 =	vadd.s32 v1, v39;
	v40 =	vor.u32 v0, v49;
	v41 =	vld.idx.msk [tilespmem:v57+s21+$0x0], $0xffff  }
0x2dd: {  	v45 =	vor.u32 v12, v45;
	v52 =	vadd.s32 v13, v35;
	v42 =	vor.u32 v38, v51;
	[tilespmem:s2+$0x40] =	vst v62  }
0x2de: {  	v53 =	vor.u32 v32, v52;
	v42 =	vor.u32 v0, v42;
	v43 =	vld.idx.msk [tilespmem:v63+s21+$0x0], $0xffff  }
0x2df: {  	v44 =	vor.u32 v12, v53  }
0x2e0: {  	v56 =	vadd.s32 v15, v34;
	v54 =	vadd.s32 v3, v37  }
0x2e1: {  	v46 =	vor.u32 v33, v56;
	v55 =	vor.u32 v36, v54;
	v40 =	vld.idx.msk [tilespmem:v40+s21+$0x0], $0xffff;
	[tilespmem:s1+$0x50] =	vst v41  }
0x2e2: {  	s9 =	simm.s32 $0x200;
	v59 =	vadd.s32 v15, v35;
	v57 =	vadd.s32 v3, v39;
	v41 =	vor.u32 v2, v55;
	v45 =	vld.idx.msk [tilespmem:v45+s21+$0x0], $0xffff  }
0x2e3: {  	s8 =	sand.u32 $0x3800, s9;
	s6 =	simm.s32 $0x180;
	v46 =	vor.u32 v14, v46;
	v58 =	vor.u32 v38, v57;
	v42 =	vld.idx.msk [tilespmem:v42+s21+$0x0], $0xffff;
	[tilespmem:s2+$0x50] =	vst v43  }
0x2e4: {  	s14 =	sand.u32 $0x380, s6;
	s3 =	sor.u32 $0x14100, s8;
	v47 =	vor.u32 v32, v59;
	v43 =	vor.u32 v2, v58;
	v44 =	vld.idx.msk [tilespmem:v44+s21+$0x0], $0xffff  }
0x2e5: {  	s15 =	simm.s32 $0x100;
	s7 =	sadd.s32 s14, s3;
	v47 =	vor.u32 v14, v47  }
0x2e6: {  	s5 =	sand.u32 $0x300, s15;
	v61 =	vadd.s32 v17, v34;
	v60 =	vadd.s32 v5, v37;
	v62 =	vadd.s32 v5, v39;
	[tilespmem:s7+$0x0] =	vst v40  }
0x2e7: {  	s8 =	sadd.s32 s5, s3;
	v63 =	vadd.s32 v17, v35;
	v40 =	vor.u32 v36, v60;
	v41 =	vld.idx.msk [tilespmem:v41+s21+$0x0], $0xffff;
	[tilespmem:s1+$0x60] =	vst v45  }
0x2e8: {  	[tilespmem:s8+$0x0] =	vst v42;
	v40 =	vor.u32 v4, v40;
	v45 =	vor.u32 v33, v61;
	v46 =	vld.idx.msk [tilespmem:v46+s21+$0x0], $0xffff  }
0x2e9: {  	v42 =	vor.u32 v38, v62;
	v43 =	vld.idx.msk [tilespmem:v43+s21+$0x0], $0xffff;
	[tilespmem:s2+$0x60] =	vst v44;
	v45 =	vor.u32 v16, v45  }
0x2ea: {  	v51 =	vor.u32 v32, v63;
	v42 =	vor.u32 v4, v42;
	v44 =	vld.idx.msk [tilespmem:v47+s21+$0x0], $0xffff  }
0x2eb: {  	v47 =	vor.u32 v16, v51  }
0x2ec: {  	v53 =	vadd.s32 v19, v34;
	v52 =	vadd.s32 v7, v37;
	v57 =	vadd.s32 v19, v35;
	[tilespmem:s7+$0x10] =	vst v41  }
0x2ed: {  	v55 =	vadd.s32 v7, v39;
	v41 =	vor.u32 v36, v52;
	v40 =	vld.idx.msk [tilespmem:v40+s21+$0x0], $0xffff;
	[tilespmem:s1+$0x70] =	vst v46  }
0x2ee: {  	[tilespmem:s8+$0x10] =	vst v43;
	v41 =	vor.u32 v6, v41;
	v46 =	vor.u32 v33, v53;
	v45 =	vld.idx.msk [tilespmem:v45+s21+$0x0], $0xffff  }
0x2ef: {  	v56 =	vor.u32 v38, v55;
	v42 =	vld.idx.msk [tilespmem:v42+s21+$0x0], $0xffff;
	[tilespmem:s2+$0x70] =	vst v44;
	v54 =	vor.u32 v18, v46  }
0x2f0: {  	v44 =	vor.u32 v6, v56;
	v47 =	vld.idx.msk [tilespmem:v47+s21+$0x0], $0xffff;
	v46 =	vor.u32 v32, v57  }
0x2f1: {  	v59 =	vadd.s32 v9, v37;
	v58 =	vor.u32 v18, v46  }
0x2f2: {  	v60 =	vor.u32 v36, v59;
	v62 =	vadd.s32 v9, v39;
	[tilespmem:s7+$0x20] =	vst v40  }
0x2f3: {  	v61 =	vadd.s32 v21, v34;
	v57 =	vadd.s32 v21, v35;
	v41 =	vld.idx.msk [tilespmem:v41+s21+$0x0], $0xffff;
	[tilespmem:s1+$0x400] =	vst v45  }
0x2f4: {  	s17 =	simm.s32 $0x4;
	v46 =	vor.u32 v33, v61;
	[tilespmem:s8+$0x20] =	vst v42;
	v45 =	vor.u32 v8, v60;
	v43 =	vld.idx.msk [tilespmem:v54+s21+$0x0], $0xffff  }
0x2f5: {  	v56 =	vmov s17;
	v46 =	vor.u32 v20, v46;
	v42 =	vor.u32 v38, v62;
	v63 =	vld.idx.msk [tilespmem:v44+s21+$0x0], $0xffff;
	[tilespmem:s2+$0x400] =	vst v47  }
0x2f6: {  	v59 =	vshll.u32 v56, $0x7;
	v42 =	vor.u32 v8, v42;
	v47 =	vor.u32 v32, v57;
	v58 =	vld.idx.msk [tilespmem:v58+s21+$0x0], $0xffff  }
0x2f7: {  	v61 =	vadd.s32 v23, v35;
	v62 =	vadd.s32 v23, v34;
	v47 =	vor.u32 v20, v47  }
0x2f8: {  	v44 =	vadd.s32 v27, v35;
	v53 =	vor.u32 v33, v62;
	v60 =	vadd.s32 v11, v37;
	[tilespmem:s7+$0x30] =	vst v41  }
0x2f9: {  	v40 =	vand.u32 $0x300, v59;
	v52 =	vor.u32 v22, v53;
	v48 =	vld.idx.msk [tilespmem:v45+s21+$0x0], $0xffff;
	[tilespmem:s1+$0x410] =	vst v43;
	v43 =	vor.u32 v36, v60  }
0x2fa: {  	s31 =	simm.s32 $0x5;
	v53 =	vor.u32 v32, v61;
	v54 =	vshll.u32 v56, $0x8;
	[tilespmem:s8+$0x30] =	vst v63;
	v49 =	vld.idx.msk [tilespmem:v46+s21+$0x0], $0xffff;
	v51 =	vor.u32 v10, v43  }
0x2fb: {  	v41 =	vadd.s32 v29, v35;
	v63 =	vadd.s32 v11, v39;
	v50 =	vld.idx.msk [tilespmem:v42+s21+$0x0], $0xffff;
	[tilespmem:s2+$0x410] =	vst v58;
	v43 =	vmov s31  }
0x2fc: {  	s15 =	simm.s32 $0x6;
	v55 =	vor.u32 v38, v63;
	v46 =	vadd.s32 v13, v39;
	v47 =	vld.idx.msk [tilespmem:v47+s21+$0x0], $0xffff;
	v42 =	vshll.u32 v43, $0x8  }
.LBB2_9:
0x2fd: {  	p1 =	slt.u32 s15, $0x3E;
	v45 =	vand.u32 $0x3800, v42;
	v42 =	vshll.u32 v43, $0x7;
	v55 =	vor.u32 v10, v55  }
0x2fe: {  	v56 =	vadd.s32 v1, v45;
	v43 =	vand.u32 $0x380, v42;
	[tilespmem:s7+$0x40] =	vst v48;
	v48 =	vor.u32 v22, v53  }
0x2ff: {  	v42 =	vand.u32 $0x3800, v54;
	v54 =	vadd.s32 v13, v37;
	v53 =	vor.u32 v43, v56;
	v51 =	vld.idx.msk [tilespmem:v51+s21+$0x0], $0xffff;
	[tilespmem:s1+$0x420] =	vst v49  }
0x300: {  	v49 =	vor.u32 v0, v53;
	v53 =	vor.u32 v36, v54;
	v52 =	vld.idx.msk [tilespmem:v52+s21+$0x0], $0xffff;
	v54 =	vadd.s32 v25, v34  }
0x301: {  	v56 =	vadd.s32 v1, v42;
	[tilespmem:s8+$0x40] =	vst v50;
	v50 =	vor.u32 v12, v53;
	v53 =	vor.u32 v33, v54  }
0x302: {  	v54 =	vor.u32 v40, v56;
	v55 =	vld.idx.msk [tilespmem:v55+s21+$0x0], $0xffff;
	[tilespmem:s2+$0x420] =	vst v47;
	v47 =	vor.u32 v24, v53  }
0x303: {  	v46 =	vor.u32 v38, v46;
	v53 =	vor.u32 v0, v54;
	v54 =	vadd.s32 v25, v35;
	v48 =	vld.idx.msk [tilespmem:v48+s21+$0x0], $0xffff  }
0x304: {  	v46 =	vor.u32 v12, v46;
	v56 =	vadd.s32 v17, v39;
	v54 =	vor.u32 v32, v54  }
0x305: {  	v57 =	vadd.s32 v3, v45;
	v49 =	vld.idx.msk [tilespmem:v49+s21+$0x0], $0xffff;
	[tilespmem:s7+$0x50] =	vst v51;
	v51 =	vor.u32 v24, v54  }
0x306: {  	v54 =	vor.u32 v43, v57;
	v57 =	vadd.s32 v15, v37;
	v50 =	vld.idx.msk [tilespmem:v50+s21+$0x0], $0xffff;
	[tilespmem:s1+$0x430] =	vst v52  }
0x307: {  	s9 =	sadd.s32 $0x200, s9;
	v52 =	vor.u32 v2, v54;
	v54 =	vor.u32 v36, v57;
	v57 =	vadd.s32 v27, v34;
	v47 =	vld.idx.msk [tilespmem:v47+s21+$0x0], $0xffff  }
0x308: {  	s6 =	sadd.s32 $0x100, s6;
	s3 =	sand.u32 $0x3800, s9;
	v54 =	vor.u32 v14, v54;
	v53 =	vld.idx.msk [tilespmem:v53+s21+$0x0], $0xffff;
	[tilespmem:s8+$0x50] =	vst v55;
	v55 =	vor.u32 v33, v57  }
0x309: {  	s5 =	sadd.s32 $0xFFFFFF80, s6;
	s14 =	sand.u32 $0x380, s6;
	s3 =	sor.u32 $0x14100, s3;
	v57 =	vadd.s32 v3, v42;
	v46 =	vld.idx.msk [tilespmem:v46+s21+$0x0], $0xffff;
	[tilespmem:s2+$0x430] =	vst v48;
	v48 =	vor.u32 v26, v55  }
0x30a: {  	v44 =	vor.u32 v32, v44;
	s5 =	sand.u32 $0x300, s5;
	s14 =	sadd.s32 s14, s3;
	v55 =	vor.u32 v40, v57;
	v57 =	vadd.s32 v15, v39;
	v51 =	vld.idx.msk [tilespmem:v51+s21+$0x0], $0xffff  }
0x30b: {  	v44 =	vor.u32 v26, v44;
	s17 =	sadd.s32 s5, s3;
	v55 =	vor.u32 v2, v55;
	[tilespmem:s14+$0x0] =	vst v49;
	v49 =	vor.u32 v38, v57  }
0x30c: {  	v57 =	vadd.s32 v5, v45;
	v52 =	vld.idx.msk [tilespmem:v52+s21+$0x0], $0xffff;
	v49 =	vor.u32 v14, v49;
	[tilespmem:s7+$0x60] =	vst v50  }
0x30d: {  	v50 =	vor.u32 v43, v57;
	v57 =	vadd.s32 v17, v37;
	v54 =	vld.idx.msk [tilespmem:v54+s21+$0x0], $0xffff;
	[tilespmem:s1+$0x440] =	vst v47  }
0x30e: {  	v47 =	vor.u32 v4, v50;
	v50 =	vor.u32 v36, v57;
	v57 =	vadd.s32 v29, v34;
	v48 =	vld.idx.msk [tilespmem:v48+s21+$0x0], $0xffff  }
0x30f: {  	v50 =	vor.u32 v16, v50;
	v57 =	vor.u32 v33, v57;
	[tilespmem:s17+$0x0] =	vst v53;
	v53 =	vadd.s32 v5, v42  }
0x310: {  	v41 =	vor.u32 v32, v41;
	v55 =	vld.idx.msk [tilespmem:v55+s21+$0x0], $0xffff;
	[tilespmem:s8+$0x60] =	vst v46;
	v46 =	vor.u32 v28, v57  }
0x311: {  	v56 =	vor.u32 v38, v56;
	v53 =	vor.u32 v40, v53;
	v49 =	vld.idx.msk [tilespmem:v49+s21+$0x0], $0xffff;
	[tilespmem:s2+$0x440] =	vst v51  }
0x312: {  	v41 =	vor.u32 v28, v41;
	v51 =	vor.u32 v4, v53;
	[tilespmem:s14+$0x10] =	vst v52;
	v44 =	vld.idx.msk [tilespmem:v44+s21+$0x0], $0xffff  }
0x313: {  	v53 =	vor.u32 v16, v56;
	v52 =	vadd.s32 v7, v45;
	v47 =	vld.idx.msk [tilespmem:v47+s21+$0x0], $0xffff;
	[tilespmem:s7+$0x70] =	vst v54  }
0x314: {  	v52 =	vor.u32 v43, v52;
	v54 =	vadd.s32 v19, v37;
	v50 =	vld.idx.msk [tilespmem:v50+s21+$0x0], $0xffff;
	[tilespmem:s1+$0x450] =	vst v48  }
0x315: {  	v56 =	vadd.s32 v31, v34;
	v48 =	vor.u32 v6, v52;
	v52 =	vor.u32 v36, v54;
	v46 =	vld.idx.msk [tilespmem:v46+s21+$0x0], $0xffff  }
0x316: {  	v35 =	vadd.s32 v31, v35;
	v33 =	vor.u32 v33, v56;
	v52 =	vor.u32 v18, v52;
	[tilespmem:s17+$0x10] =	vst v55  }
0x317: {  	v34 =	vmov v37;
	v54 =	vadd.s32 v7, v42;
	v51 =	vld.idx.msk [tilespmem:v51+s21+$0x0], $0xffff;
	[tilespmem:s8+$0x70] =	vst v49;
	v49 =	vor.u32 v30, v33  }
0x318: {  	v37 =	vmov v45;
	v55 =	vor.u32 v40, v54;
	v54 =	vadd.s32 v19, v39;
	v53 =	vld.idx.msk [tilespmem:v53+s21+$0x0], $0xffff;
	[tilespmem:s2+$0x450] =	vst v44  }
0x319: {  	v45 =	vor.u32 v38, v54;
	v33 =	vmov v36;
	v44 =	vor.u32 v6, v55;
	[tilespmem:s14+$0x20] =	vst v47;
	v41 =	vld.idx.msk [tilespmem:v41+s21+$0x0], $0xffff  }
0x31a: {  	v54 =	vor.u32 v32, v35;
	v36 =	vmov v43;
	v45 =	vor.u32 v18, v45;
	v47 =	vld.idx.msk [tilespmem:v48+s21+$0x0], $0xffff;
	[tilespmem:s7+$0x400] =	vst v50  }
0x31b: {  	v43 =	vadd.s32 v9, v37;
	v35 =	vmov v39;
	v50 =	vor.u32 v30, v54;
	v48 =	vld.idx.msk [tilespmem:v52+s21+$0x0], $0xffff;
	[tilespmem:s1+$0x460] =	vst v46  }
0x31c: {  	v39 =	vmovc v42;
	v32 =	vmov v38;
	v43 =	vor.u32 v36, v43;
	v46 =	vadd.s32 v21, v34;
	v49 =	vld.idx.msk [tilespmem:v49+s21+$0x0], $0xffff  }
0x31d: {  	v38 =	vmov v40;
	v42 =	vor.u32 v8, v43;
	v43 =	vor.u32 v33, v46;
	[tilespmem:s17+$0x20] =	vst v51  }
0x31e: {  	v40 =	vadd.s32 v9, v39;
	v43 =	vor.u32 v20, v43;
	v46 =	vld.idx.msk [tilespmem:v44+s21+$0x0], $0xffff;
	[tilespmem:s8+$0x400] =	vst v53  }
0x31f: {  	v40 =	vor.u32 v38, v40;
	v51 =	vadd.s32 v21, v35;
	v44 =	vmov s15;
	v45 =	vld.idx.msk [tilespmem:v45+s21+$0x0], $0xffff;
	[tilespmem:s2+$0x460] =	vst v41  }
0x320: {  	v53 =	vor.u32 v8, v40;
	v40 =	vor.u32 v32, v51;
	v52 =	vshll.u32 v44, $0x7;
	[tilespmem:s14+$0x30] =	vst v47;
	v56 =	vld.idx.msk [tilespmem:v50+s21+$0x0], $0xffff  }
0x321: {  	v54 =	vshll.u32 v44, $0x8;
	v41 =	vadd.s32 v29, v35;
	v47 =	vor.u32 v20, v40;
	[tilespmem:s7+$0x410] =	vst v48  }
.Ltmp5:
0x322: {  	v44 =	vadd.s32 v27, v35;
	v40 =	vand.u32 $0x300, v52;
	v48 =	vld.idx.msk [tilespmem:v42+s21+$0x0], $0xffff;
	v42 =	vadd.s32 v11, v37;
	[tilespmem:s1+$0x470] =	vst v49;
	s1 =	smov.u32 s7;
	s7 =	smov.u32 s14;
	(pc) =	sbr.rel @p1 .LBB2_9-.Ltmp5, $4  }
0x323: {  	v57 =	vadd.s32 v23, v35;
	v42 =	vor.u32 v36, v42;
	v49 =	vld.idx.msk [tilespmem:v43+s21+$0x0], $0xffff;
	v43 =	vadd.s32 v23, v34  }
0x324: {  	s3 =	sadd.s32 $0x1, s15;
	[tilespmem:s17+$0x30] =	vst v46;
	v46 =	vadd.s32 v13, v39;
	v51 =	vor.u32 v10, v42;
	v42 =	vor.u32 v33, v43  }
0x325: {  	v43 =	vmov s3;
	v50 =	vld.idx.msk [tilespmem:v53+s21+$0x0], $0xffff;
	v53 =	vadd.s32 v11, v39;
	[tilespmem:s8+$0x410] =	vst v45;
	v52 =	vor.u32 v22, v42  }
0x326: {  	s15 =	sadd.s32 $0x2, s15;
	v42 =	vshll.u32 v43, $0x8;
	v55 =	vor.u32 v38, v53;
	v47 =	vld.idx.msk [tilespmem:v47+s21+$0x0], $0xffff;
	v53 =	vor.u32 v32, v57;
	[tilespmem:s2+$0x470] =	vst v56;
	s2 =	smov.u32 s8;
	s8 =	smov.u32 s17  }
0x327: {  	v42 =	vand.u32 $0x3800, v42;
	v43 =	vshll.u32 v43, $0x7  }
0x328: {  	v45 =	vand.u32 $0x3800, v54;
	v56 =	vadd.s32 v1, v42;
	v43 =	vand.u32 $0x380, v43  }
0x329: {  	v63 =	vadd.s32 v1, v45;
	v62 =	vor.u32 v43, v56  }
0x32a: {  	v56 =	vor.u32 v40, v63;
	v54 =	vor.u32 v0, v62  }
0x32b: {  	v56 =	vor.u32 v0, v56;
	_ =	sdelay $0x2  }
0x32c: {  	v57 =	vadd.s32 v3, v42  }
0x32d: {  	v58 =	vadd.s32 v3, v45;
	v57 =	vor.u32 v43, v57;
	v54 =	vld.idx.msk [tilespmem:v54+s21+$0x0], $0xffff  }
0x32e: {  	s3 =	sadd.s32 $0x200, s9;
	v58 =	vor.u32 v40, v58;
	v57 =	vor.u32 v2, v57;
	v56 =	vld.idx.msk [tilespmem:v56+s21+$0x0], $0xffff  }
0x32f: {  	s5 =	sadd.s32 $0x100, s6;
	s3 =	sand.u32 $0x3800, s3;
	v58 =	vor.u32 v2, v58  }
0x330: {  	s6 =	sadd.s32 $0xFFFFFF80, s5;
	s5 =	sand.u32 $0x380, s5;
	s3 =	sor.u32 $0x14100, s3  }
0x331: {  	s6 =	sand.u32 $0x300, s6;
	s31 =	sadd.s32 s5, s3  }
0x332: {  	v60 =	vadd.s32 v5, v42;
	s6 =	sadd.s32 s6, s3;
	[tilespmem:s31+$0x0] =	vst v54  }
0x333: {  	v61 =	vadd.s32 v5, v45;
	v54 =	vor.u32 v43, v60;
	[tilespmem:s6+$0x0] =	vst v56;
	v57 =	vld.idx.msk [tilespmem:v57+s21+$0x0], $0xffff  }
0x334: {  	v56 =	vor.u32 v40, v61;
	v54 =	vor.u32 v4, v54;
	v58 =	vld.idx.msk [tilespmem:v58+s21+$0x0], $0xffff  }
0x335: {  	v56 =	vor.u32 v4, v56;
	_ =	sdelay $0x2  }
0x336: {  	v62 =	vadd.s32 v7, v42;
	[tilespmem:s31+$0x10] =	vst v57  }
0x337: {  	v63 =	vadd.s32 v7, v45;
	v57 =	vor.u32 v43, v62;
	[tilespmem:s6+$0x10] =	vst v58;
	v54 =	vld.idx.msk [tilespmem:v54+s21+$0x0], $0xffff  }
0x338: {  	v58 =	vor.u32 v40, v63;
	v57 =	vor.u32 v6, v57;
	v56 =	vld.idx.msk [tilespmem:v56+s21+$0x0], $0xffff  }
0x339: {  	v58 =	vor.u32 v6, v58;
	_ =	sdelay $0x2  }
0x33a: {  	v60 =	vadd.s32 v9, v42;
	[tilespmem:s31+$0x20] =	vst v54  }
0x33b: {  	v61 =	vadd.s32 v9, v45;
	v54 =	vor.u32 v43, v60;
	[tilespmem:s6+$0x20] =	vst v56;
	v57 =	vld.idx.msk [tilespmem:v57+s21+$0x0], $0xffff  }
0x33c: {  	v56 =	vor.u32 v40, v61;
	v54 =	vor.u32 v8, v54;
	v58 =	vld.idx.msk [tilespmem:v58+s21+$0x0], $0xffff  }
0x33d: {  	v56 =	vor.u32 v8, v56;
	_ =	sdelay $0x2  }
0x33e: {  	v55 =	vor.u32 v10, v55;
	v62 =	vadd.s32 v11, v42;
	[tilespmem:s31+$0x30] =	vst v57  }
0x33f: {  	v63 =	vadd.s32 v11, v45;
	v57 =	vor.u32 v43, v62;
	[tilespmem:s6+$0x30] =	vst v58;
	v54 =	vld.idx.msk [tilespmem:v54+s21+$0x0], $0xffff  }
0x340: {  	v58 =	vor.u32 v40, v63;
	v57 =	vor.u32 v10, v57;
	v56 =	vld.idx.msk [tilespmem:v56+s21+$0x0], $0xffff  }
0x341: {  	[tilespmem:s7+$0x40] =	vst v48;
	v46 =	vor.u32 v38, v46;
	v60 =	vadd.s32 v13, v37;
	v58 =	vor.u32 v10, v58  }
0x342: {  	v44 =	vor.u32 v32, v44;
	v51 =	vld.idx.msk [tilespmem:v51+s21+$0x0], $0xffff;
	[tilespmem:s1+$0x420] =	vst v49;
	v48 =	vor.u32 v36, v60  }
0x343: {  	v41 =	vor.u32 v32, v41;
	v46 =	vor.u32 v12, v46;
	[tilespmem:s8+$0x40] =	vst v50;
	v48 =	vor.u32 v12, v48  }
0x344: {  	v50 =	vor.u32 v22, v53;
	v49 =	vld.idx.msk [tilespmem:v55+s21+$0x0], $0xffff;
	v61 =	vadd.s32 v13, v42;
	[tilespmem:s31+$0x40] =	vst v54  }
0x345: {  	v53 =	vor.u32 v43, v61;
	v62 =	vadd.s32 v13, v45;
	[tilespmem:s6+$0x40] =	vst v56;
	v55 =	vld.idx.msk [tilespmem:v57+s21+$0x0], $0xffff  }
0x346: {  	v59 =	vadd.s32 v15, v42;
	v53 =	vor.u32 v12, v53;
	v54 =	vor.u32 v40, v62;
	v60 =	vld.idx.msk [tilespmem:v58+s21+$0x0], $0xffff  }
0x347: {  	v52 =	vld.idx.msk [tilespmem:v52+s21+$0x0], $0xffff;
	[tilespmem:s7+$0x50] =	vst v51;
	v61 =	vadd.s32 v15, v37;
	v54 =	vor.u32 v12, v54  }
0x348: {  	v44 =	vor.u32 v26, v44;
	v51 =	vor.u32 v36, v61;
	v63 =	vadd.s32 v25, v34;
	v48 =	vld.idx.msk [tilespmem:v48+s21+$0x0], $0xffff  }
0x349: {  	[tilespmem:s8+$0x50] =	vst v49;
	v56 =	vor.u32 v33, v63;
	v62 =	vadd.s32 v15, v39;
	v63 =	vor.u32 v14, v51  }
0x34a: {  	v46 =	vld.idx.msk [tilespmem:v46+s21+$0x0], $0xffff;
	v51 =	vor.u32 v43, v59;
	v49 =	vor.u32 v38, v62;
	[tilespmem:s31+$0x50] =	vst v55  }
0x34b: {  	v49 =	vor.u32 v14, v49;
	[tilespmem:s6+$0x50] =	vst v60;
	v60 =	vadd.s32 v15, v45;
	v53 =	vld.idx.msk [tilespmem:v53+s21+$0x0], $0xffff  }
0x34c: {  	[tilespmem:s2+$0x420] =	vst v47;
	v51 =	vor.u32 v14, v51;
	v54 =	vld.idx.msk [tilespmem:v54+s21+$0x0], $0xffff;
	v55 =	vor.u32 v40, v60  }
0x34d: {  	v41 =	vor.u32 v28, v41;
	v50 =	vld.idx.msk [tilespmem:v50+s21+$0x0], $0xffff;
	[tilespmem:s7+$0x60] =	vst v48;
	v55 =	vor.u32 v14, v55  }
0x34e: {  	[tilespmem:s1+$0x430] =	vst v52;
	v59 =	vadd.s32 v17, v45;
	v47 =	vld.idx.msk [tilespmem:v63+s21+$0x0], $0xffff;
	v63 =	vadd.s32 v17, v37  }
0x34f: {  	[tilespmem:s8+$0x60] =	vst v46;
	v62 =	vadd.s32 v17, v39;
	v58 =	vadd.s32 v17, v42;
	v46 =	vor.u32 v36, v63  }
0x350: {  	v48 =	vor.u32 v38, v62;
	v49 =	vld.idx.msk [tilespmem:v49+s21+$0x0], $0xffff;
	v46 =	vor.u32 v16, v46;
	[tilespmem:s31+$0x60] =	vst v53  }
0x351: {  	v48 =	vor.u32 v16, v48;
	[tilespmem:s6+$0x60] =	vst v54;
	v53 =	vor.u32 v43, v58;
	v51 =	vld.idx.msk [tilespmem:v51+s21+$0x0], $0xffff  }
0x352: {  	v61 =	vadd.s32 v25, v35;
	v54 =	vor.u32 v40, v59;
	v52 =	vor.u32 v16, v53;
	v60 =	vld.idx.msk [tilespmem:v55+s21+$0x0], $0xffff  }
0x353: {  	[tilespmem:s2+$0x430] =	vst v50;
	v57 =	vor.u32 v32, v61;
	v61 =	vadd.s32 v19, v37;
	v54 =	vor.u32 v16, v54  }
0x354: {  	v56 =	vor.u32 v24, v56;
	v63 =	vadd.s32 v19, v39;
	[tilespmem:s7+$0x70] =	vst v47;
	v47 =	vor.u32 v36, v61  }
0x355: {  	v47 =	vor.u32 v18, v47;
	[tilespmem:s8+$0x70] =	vst v49;
	v46 =	vld.idx.msk [tilespmem:v46+s21+$0x0], $0xffff;
	v49 =	vor.u32 v38, v63  }
0x356: {  	v59 =	vadd.s32 v19, v42;
	v48 =	vld.idx.msk [tilespmem:v48+s21+$0x0], $0xffff;
	v49 =	vor.u32 v18, v49;
	[tilespmem:s31+$0x70] =	vst v51  }
0x357: {  	v51 =	vor.u32 v43, v59;
	[tilespmem:s6+$0x70] =	vst v60;
	v60 =	vadd.s32 v19, v45;
	v52 =	vld.idx.msk [tilespmem:v52+s21+$0x0], $0xffff  }
0x358: {  	v62 =	vadd.s32 v27, v34;
	v50 =	vor.u32 v18, v51;
	v51 =	vld.idx.msk [tilespmem:v54+s21+$0x0], $0xffff;
	v53 =	vor.u32 v40, v60  }
0x359: {  	v61 =	vadd.s32 v21, v37;
	v63 =	vadd.s32 v21, v39;
	v53 =	vor.u32 v18, v53  }
0x35a: {  	v55 =	vld.idx.msk [tilespmem:v56+s21+$0x0], $0xffff;
	v56 =	vor.u32 v33, v62;
	v62 =	vor.u32 v36, v61;
	[tilespmem:s7+$0x400] =	vst v46  }
0x35b: {  	v61 =	vadd.s32 v21, v45;
	v46 =	vor.u32 v20, v62;
	v47 =	vld.idx.msk [tilespmem:v47+s21+$0x0], $0xffff;
	[tilespmem:s8+$0x400] =	vst v48  }
0x35c: {  	v59 =	vor.u32 v38, v63;
	v49 =	vld.idx.msk [tilespmem:v49+s21+$0x0], $0xffff;
	v60 =	vadd.s32 v21, v42;
	[tilespmem:s31+$0x400] =	vst v52  }
0x35d: {  	v48 =	vor.u32 v20, v59;
	v52 =	vor.u32 v43, v60;
	[tilespmem:s6+$0x400] =	vst v51;
	v50 =	vld.idx.msk [tilespmem:v50+s21+$0x0], $0xffff  }
0x35e: {  	v35 =	vadd.s32 v31, v35;
	v51 =	vor.u32 v40, v61;
	v52 =	vor.u32 v20, v52;
	v53 =	vld.idx.msk [tilespmem:v53+s21+$0x0], $0xffff  }
0x35f: {  	v57 =	vor.u32 v24, v57;
	v62 =	vadd.s32 v23, v37;
	[tilespmem:s1+$0x440] =	vst v55;
	v51 =	vor.u32 v20, v51  }
0x360: {  	v58 =	vadd.s32 v23, v39;
	v55 =	vor.u32 v36, v62;
	v54 =	vor.u32 v26, v56;
	[tilespmem:s7+$0x410] =	vst v47  }
0x361: {  	v59 =	vadd.s32 v23, v42;
	v47 =	vor.u32 v38, v58;
	v46 =	vld.idx.msk [tilespmem:v46+s21+$0x0], $0xffff;
	[tilespmem:s8+$0x410] =	vst v49  }
0x362: {  	v49 =	vor.u32 v22, v55;
	v47 =	vor.u32 v22, v47;
	v48 =	vld.idx.msk [tilespmem:v48+s21+$0x0], $0xffff;
	[tilespmem:s31+$0x410] =	vst v50  }
0x363: {  	v60 =	vadd.s32 v23, v45;
	v50 =	vor.u32 v43, v59;
	[tilespmem:s6+$0x410] =	vst v53;
	v52 =	vld.idx.msk [tilespmem:v52+s21+$0x0], $0xffff  }
0x364: {  	v61 =	vadd.s32 v25, v37;
	v55 =	vor.u32 v40, v60;
	v50 =	vor.u32 v22, v50;
	v51 =	vld.idx.msk [tilespmem:v51+s21+$0x0], $0xffff  }
0x365: {  	v63 =	vadd.s32 v29, v34;
	v56 =	vld.idx.msk [tilespmem:v57+s21+$0x0], $0xffff;
	v62 =	vor.u32 v36, v61;
	v55 =	vor.u32 v22, v55  }
0x366: {  	v54 =	vld.idx.msk [tilespmem:v54+s21+$0x0], $0xffff;
	v60 =	vadd.s32 v25, v45;
	[tilespmem:s7+$0x420] =	vst v46;
	v46 =	vor.u32 v24, v62  }
0x367: {  	v53 =	vor.u32 v33, v63;
	v63 =	vadd.s32 v25, v39;
	v49 =	vld.idx.msk [tilespmem:v49+s21+$0x0], $0xffff;
	[tilespmem:s8+$0x420] =	vst v48  }
0x368: {  	v59 =	vadd.s32 v25, v42;
	v58 =	vor.u32 v38, v63;
	v47 =	vld.idx.msk [tilespmem:v47+s21+$0x0], $0xffff;
	[tilespmem:s31+$0x420] =	vst v52  }
0x369: {  	v48 =	vor.u32 v24, v58;
	v52 =	vor.u32 v43, v59;
	[tilespmem:s6+$0x420] =	vst v51;
	v50 =	vld.idx.msk [tilespmem:v50+s21+$0x0], $0xffff  }
0x36a: {  	[tilespmem:s2+$0x440] =	vst v56;
	v51 =	vor.u32 v40, v60;
	v52 =	vor.u32 v24, v52;
	v55 =	vld.idx.msk [tilespmem:v55+s21+$0x0], $0xffff  }
0x36b: {  	v44 =	vld.idx.msk [tilespmem:v44+s21+$0x0], $0xffff;
	v61 =	vadd.s32 v27, v37;
	[tilespmem:s1+$0x450] =	vst v54;
	v51 =	vor.u32 v24, v51  }
0x36c: {  	v57 =	vor.u32 v36, v61;
	v61 =	vadd.s32 v27, v45;
	v62 =	vadd.s32 v31, v34;
	[tilespmem:s7+$0x430] =	vst v49  }
0x36d: {  	v63 =	vadd.s32 v27, v39;
	v58 =	vor.u32 v26, v57;
	v46 =	vld.idx.msk [tilespmem:v46+s21+$0x0], $0xffff;
	[tilespmem:s8+$0x430] =	vst v47  }
0x36e: {  	v59 =	vor.u32 v38, v63;
	v60 =	vadd.s32 v27, v42;
	v48 =	vld.idx.msk [tilespmem:v48+s21+$0x0], $0xffff;
	[tilespmem:s31+$0x430] =	vst v50  }
0x36f: {  	v49 =	vor.u32 v26, v59;
	v50 =	vor.u32 v43, v60;
	[tilespmem:s6+$0x430] =	vst v55;
	v52 =	vld.idx.msk [tilespmem:v52+s21+$0x0], $0xffff  }
0x370: {  	v54 =	vor.u32 v40, v61;
	v62 =	vor.u32 v33, v62;
	v50 =	vor.u32 v26, v50;
	v51 =	vld.idx.msk [tilespmem:v51+s21+$0x0], $0xffff  }
0x371: {  	v54 =	vor.u32 v26, v54;
	[tilespmem:s2+$0x450] =	vst v44;
	v53 =	vor.u32 v28, v53;
	v63 =	vadd.s32 v29, v37  }
0x372: {  	v33 =	vor.u32 v30, v62;
	v57 =	vadd.s32 v29, v39;
	v34 =	vor.u32 v36, v63;
	[tilespmem:s7+$0x440] =	vst v46  }
0x373: {  	v59 =	vadd.s32 v29, v42;
	v34 =	vor.u32 v28, v34;
	v46 =	vld.idx.msk [tilespmem:v58+s21+$0x0], $0xffff;
	[tilespmem:s8+$0x440] =	vst v48  }
0x374: {  	v58 =	vor.u32 v38, v57;
	v60 =	vadd.s32 v29, v45;
	v48 =	vld.idx.msk [tilespmem:v49+s21+$0x0], $0xffff;
	[tilespmem:s31+$0x440] =	vst v52  }
0x375: {  	v47 =	vor.u32 v28, v58;
	v49 =	vor.u32 v43, v59;
	[tilespmem:s6+$0x440] =	vst v51;
	v50 =	vld.idx.msk [tilespmem:v50+s21+$0x0], $0xffff  }
0x376: {  	v63 =	vadd.s32 v31, v37;
	v61 =	vor.u32 v40, v60;
	v49 =	vor.u32 v28, v49;
	v51 =	vld.idx.msk [tilespmem:v54+s21+$0x0], $0xffff  }
0x377: {  	v41 =	vld.idx.msk [tilespmem:v41+s21+$0x0], $0xffff;
	v62 =	vor.u32 v32, v35;
	v35 =	vor.u32 v36, v63;
	v52 =	vor.u32 v28, v61  }
0x378: {  	v32 =	vor.u32 v30, v62;
	v53 =	vld.idx.msk [tilespmem:v53+s21+$0x0], $0xffff;
	v35 =	vor.u32 v30, v35;
	[tilespmem:s7+$0x450] =	vst v46  }
0x379: {  	v57 =	vadd.s32 v31, v42;
	v34 =	vld.idx.msk [tilespmem:v34+s21+$0x0], $0xffff;
	[tilespmem:s8+$0x450] =	vst v48;
	v54 =	vadd.s32 v31, v39  }
0x37a: {  	v59 =	vadd.s32 v31, v45;
	v56 =	vld.idx.msk [tilespmem:v47+s21+$0x0], $0xffff;
	v55 =	vor.u32 v38, v54;
	[tilespmem:s31+$0x450] =	vst v50  }
0x37b: {  	v39 =	vor.u32 v43, v57;
	v36 =	vor.u32 v30, v55;
	[tilespmem:s6+$0x450] =	vst v51;
	v58 =	vld.idx.msk [tilespmem:v49+s21+$0x0], $0xffff  }
0x37c: {  	[tilespmem:s2+$0x460] =	vst v41;
	v60 =	vor.u32 v40, v59;
	v39 =	vor.u32 v30, v39;
	v37 =	vld.idx.msk [tilespmem:v52+s21+$0x0], $0xffff  }
0x37d: {  	v32 =	vld.idx.msk [tilespmem:v32+s21+$0x0], $0xffff;
	[tilespmem:s1+$0x460] =	vst v53;
	v40 =	vor.u32 v30, v60  }
0x37e: {  	v33 =	vld.idx.msk [tilespmem:v33+s21+$0x0], $0xffff;
	[tilespmem:s7+$0x460] =	vst v34  }
0x37f: {  	v34 =	vld.idx.msk [tilespmem:v35+s21+$0x0], $0xffff;
	[tilespmem:s8+$0x460] =	vst v56  }
0x380: {  	v61 =	vld.idx.msk [tilespmem:v36+s21+$0x0], $0xffff;
	[tilespmem:s31+$0x460] =	vst v58  }
0x381: {  	[tilespmem:s6+$0x460] =	vst v37;
	v62 =	vld.idx.msk [tilespmem:v39+s21+$0x0], $0xffff  }
0x382: {  	[tilespmem:s2+$0x470] =	vst v32;
	v63 =	vld.idx.msk [tilespmem:v40+s21+$0x0], $0xffff  }
.Ltmp6:
0x383: {  	[tilespmem:s1+$0x470] =	vst v33;
	(pc) =	sbr.rel @!p0 .LBB2_12-.Ltmp6, $4  }
0x384: {  	[tilespmem:s7+$0x470] =	vst v34  }
0x385: {  	s0 =	sor.u32 s16, s0;
	[tilespmem:s8+$0x470] =	vst v61  }
0x386: {  	s0 =	sshll.u32 s0, $0x5;
	[tilespmem:s31+$0x470] =	vst v62  }
0x387: {  	s0 =	sadd.s32 s10, s0;
	[tilespmem:s6+$0x470] =	vst v63  }
.Ltmp7:
0x388: {  	s1 =	rddreg [dreg:$0xa];
	(pc) =	sbr.rel .LBB2_2-.Ltmp7, $4  }
0x389: {  	[tilespmem:s21], [sflag:$0x4] =	stream.linear.gather [hbm4b:s1+s4], $0x4000, $0x38;
	[tilespmem:$0x18100] =	vst v63  }
0x38a: {  	_ = 	snop  }
0x38b: {  	[hbm4b:s0+s4] =	stream.linear.scatter [tilespmem:s25], [sflag:$0x6], $0x4000, $0x38;
	[tilespmem:$0x18100] =	vst v63  }
0x38c: {  	p0 =	por $0x0, $0x0;
	s0 =	simm.s32 $0x1  }
.LBB2_13:
0x38d: {  	_ =	sfence.sel $0x180000  }
0x38e: {  	[bflag:$0x0] =	sbarrier.arrive $0xFFFF  }
0x38f: {  	_ =	strace $0x90000047  }
0x390: {  	s0 =	stileid.u32;
	[bflag:$0x2] =	sbarrier.arrive $0xFFFF  }
0x391: {  	p0 =	sne.s32 s0, $0x0;
	s0 =	rddreg [dreg:$0x3]  }
0x392: {  	s0 =	sadd.s32 @!p0 $0x100000, s0  }
0x393: {  	[sflag:s0] =	ssyncadd.tile.s32 @!p0 $0x1;
	_ =	shalt  }
.Lfunc_end2:
_tile_overlayer_lowered:
.L_overlay_start_2:
0x394: {  	(tag) =	ssettag $0x2  }
0x395: {  	s0 =	rddreg [dreg:$0x0];
	s2 =	stileid.u32  }
0x396: {  	s1 =	rddreg [dreg:$0x1];
	p0 =	sne.s32 s2, $0x0  }
0x397: {  	s3 =	rddreg [dreg:$0x2];
	[bflag:$0x3] =	sbarrier.arrive $0xFFFF;
	s2 =	simm.s32 @!p0 $0x1C07  }
0x398: {  	[timem:s3], [sflag:s2] =	dma.local @!p0 [hbm:s0], s1  }
0x399: {  	s0 =	simm.s32 @!p0 $0x7  }
0x39a: {  	_ =	swait.ge @!p0 [sflag:s0], s1  }
0x39b: {  	s1 =	ssub.s32 @!p0 $0x0, s1;
	[sflag:s0] =	ssyncset.done @!p0 $0x0  }
0x39c: {  	[sflag:s0] =	ssyncadd.s32 @!p0 s1  }
0x39d: {  	[bflag:$0x3] =	sbarrier.arrive $0xFFFF  }
0x39e: {  	_ =	shalt  }

</sc_bundles>
